<compile_context>
chip_gen: v7x
topology: tpu7x:2x2x1
jax: 0.10.2.dev20260603
libtpu: 0.0.44.dev20260713+nightly
codegen_flags: <defaults>
</compile_context>

<pallas_src>
import functools

import jax
import jax.numpy as jnp
from jax import lax
from jax.experimental import pallas as pl
from jax.experimental.pallas import tpu as pltpu
from jax.experimental.pallas import tpu_sc as plsc

_N_THETA = 180
_N_PHI = 360
_M = _N_THETA * _N_PHI
_MP = 64896
_NC = 2
_NS = 16
_NW = _NC * _NS
_L = 16
_P = 8192
_U = 8

_PI = 3.141592653589793
_SCALE = 180.0 / _PI


def _sc_histogram(theta, phi, rm, n_per_tile):
    nchunk = n_per_tile // _P
    mesh = plsc.VectorSubcoreMesh(core_axis_name="c", subcore_axis_name="s")
    n_total = n_per_tile * _NW
    half_n = n_per_tile

    @functools.partial(
        pl.kernel,
        out_type=(
            jax.ShapeDtypeStruct((1, _NW * _MP), jnp.float32),
            jax.ShapeDtypeStruct((1, _NW * _MP), jnp.float32),
            jax.ShapeDtypeStruct((n_total,), jnp.int32),
        ),
        mesh=mesh,
        compiler_params=pltpu.CompilerParams(needs_layout_passes=False),
        scratch_types=[
            pltpu.VMEM((2, _P), jnp.float32),
            pltpu.VMEM((2, _P), jnp.float32),
            pltpu.VMEM((2, _P), jnp.float32),
            pltpu.VMEM((2, _P), jnp.int32),
            pltpu.VMEM((_MP,), jnp.float32),
            pltpu.SemaphoreType.DMA,
            pltpu.SemaphoreType.DMA,
            pltpu.SemaphoreType.DMA,
            pltpu.SemaphoreType.DMA,
        ],
    )
    def hist_kernel(th_hbm, ph_hbm, rm_hbm, sum_hbm, cnt_hbm, pix_hbm,
                    th_b, ph_b, rm_b, pix_b, hist_v,
                    sem_i0, sem_i1, sem_o0, sem_o1):
        wid = lax.axis_index("s") * _NC + lax.axis_index("c")
        batch = wid // 2
        half = wid % 2
        col0 = half * half_n
        hist_col = batch * (2 * _MP) + half * _MP
        base = wid * n_per_tile
        sems_i = (sem_i0, sem_i1)
        sems_o = (sem_o0, sem_o1)

        zeros = jnp.zeros((_L,), jnp.float32)
        ones = jnp.ones((_L,), jnp.float32)

        def _zero_hist():
            def _z(i, _):
                hist_v[pl.ds(i * (4 * _L), _L)] = zeros
                hist_v[pl.ds(i * (4 * _L) + _L, _L)] = zeros
                hist_v[pl.ds(i * (4 * _L) + 2 * _L, _L)] = zeros
                hist_v[pl.ds(i * (4 * _L) + 3 * _L, _L)] = zeros
                return 0
            lax.fori_loop(0, _MP // (4 * _L), _z, 0)

        def _start_in1(g, slot):
            off = col0 + g * _P
            pltpu.make_async_copy(
                th_hbm.at[batch, pl.ds(off, _P)], th_b.at[slot],
                sems_i[slot]).start()
            pltpu.make_async_copy(
                ph_hbm.at[batch, pl.ds(off, _P)], ph_b.at[slot],
                sems_i[slot]).start()
            pltpu.make_async_copy(
                rm_hbm.at[batch, pl.ds(off, _P)], rm_b.at[slot],
                sems_i[slot]).start()

        def _wait_in1(slot):
            pltpu.make_async_copy(
                th_hbm.at[batch, pl.ds(col0, _P)], th_b.at[slot],
                sems_i[slot]).wait()
            pltpu.make_async_copy(
                ph_hbm.at[batch, pl.ds(col0, _P)], ph_b.at[slot],
                sems_i[slot]).wait()
            pltpu.make_async_copy(
                rm_hbm.at[batch, pl.ds(col0, _P)], rm_b.at[slot],
                sems_i[slot]).wait()

        def _start_out(g, slot):
            off = base + g * _P
            pltpu.make_async_copy(
                pix_b.at[slot], pix_hbm.at[pl.ds(off, _P)],
                sems_o[slot]).start()

        def _wait_out(slot):
            pltpu.make_async_copy(
                pix_b.at[slot], pix_hbm.at[pl.ds(base, _P)],
                sems_o[slot]).wait()

        _start_in1(0, 0)
        _start_in1(1, 1)
        _zero_hist()

        def _pix_group(slot, k):
            pixs, rvs = [], []
            for u in range(_U):
                s = pl.ds(k * (_U * _L) + u * _L, _L)
                tv = th_b[slot, s]
                pv = ph_b[slot, s]
                rvs.append(rm_b[slot, s])
                tb = jnp.minimum((tv * _SCALE).astype(jnp.int32),
                                 _N_THETA - 1)
                pb = jnp.minimum((pv * _SCALE).astype(jnp.int32),
                                 _N_PHI - 1)
                pixs.append(tb * _N_PHI + pb)
            return tuple(pixs), tuple(rvs)

        def _compute1(slot):
            def _body(k, carry):
                pixs, rvs = carry
                new_carry = _pix_group(slot, k)
                for u in range(_U):
                    s = pl.ds((k - 1) * (_U * _L) + u * _L, _L)
                    pix_b[slot, s] = pixs[u]
                    plsc.addupdate_scatter(hist_v, [pixs[u]], rvs[u])
                return new_carry

            ngroup = _P // (_U * _L)
            pixs, rvs = lax.fori_loop(1, ngroup, _body, _pix_group(slot, 0))
            for u in range(_U):
                s = pl.ds((ngroup - 1) * (_U * _L) + u * _L, _L)
                pix_b[slot, s] = pixs[u]
                plsc.addupdate_scatter(hist_v, [pixs[u]], rvs[u])

        def _loop1(i, _):
            for slot in (0, 1):
                g = 2 * i + slot
                _wait_in1(slot)
                _compute1(slot)

                @pl.when(g + 2 < nchunk)
                def _():
                    _start_in1(g + 2, slot)

                @pl.when(g >= 2)
                def _():
                    _wait_out(slot)

                _start_out(g, slot)
            return 0

        lax.fori_loop(0, nchunk // 2, _loop1, 0)
        _wait_out(0)
        _wait_out(1)

        def _start_in2(g, slot):
            off = base + g * _P
            pltpu.make_async_copy(
                pix_hbm.at[pl.ds(off, _P)], pix_b.at[slot],
                sems_i[slot]).start()

        def _wait_in2(slot):
            pltpu.make_async_copy(
                pix_hbm.at[pl.ds(base, _P)], pix_b.at[slot],
                sems_i[slot]).wait()

        _start_in2(0, 0)
        _start_in2(1, 1)
        pltpu.sync_copy(hist_v, sum_hbm.at[0, pl.ds(hist_col, _MP)])
        _zero_hist()

        def _compute2(slot):
            def _load_group(k):
                return tuple(
                    pix_b[slot, pl.ds(k * (_U * _L) + u * _L, _L)]
                    for u in range(_U))

            def _body(k, pixs):
                new_pixs = _load_group(k)
                for u in range(_U):
                    plsc.addupdate_scatter(hist_v, [pixs[u]], ones)
                return new_pixs

            ngroup = _P // (_U * _L)
            pixs = lax.fori_loop(1, ngroup, _body, _load_group(0))
            for u in range(_U):
                plsc.addupdate_scatter(hist_v, [pixs[u]], ones)

        def _loop2(i, _):
            for slot in (0, 1):
                g = 2 * i + slot
                _wait_in2(slot)
                _compute2(slot)

                @pl.when(g + 2 < nchunk)
                def _():
                    _start_in2(g + 2, slot)
            return 0

        lax.fori_loop(0, nchunk // 2, _loop2, 0)
        pltpu.sync_copy(hist_v, cnt_hbm.at[0, pl.ds(hist_col, _MP)])

    return hist_kernel(theta, phi, rm)


def _tc_finalize(sums, cnts, tg, pg, Bv):
    def body(s_ref, c_ref, tg_ref, pg_ref, o_ref):
        s = s_ref[:, pl.ds(0, _M)] + s_ref[:, pl.ds(_MP, _M)]
        c = c_ref[:, pl.ds(0, _M)] + c_ref[:, pl.ds(_MP, _M)]
        o_ref[:, 0] = tg_ref[...]
        o_ref[:, 1] = pg_ref[...]
        o_ref[:, 2] = s / jnp.maximum(c, 1.0)

    return pl.pallas_call(
        body,
        grid=(Bv,),
        in_specs=[
            pl.BlockSpec((1, 2 * _MP), lambda b: (0, b)),
            pl.BlockSpec((1, 2 * _MP), lambda b: (0, b)),
            pl.BlockSpec((1, _M), lambda b: (0, 0)),
            pl.BlockSpec((1, _M), lambda b: (0, 0)),
        ],
        out_specs=pl.BlockSpec((1, 3, _M), lambda b: (b, 0, 0)),
        out_shape=jax.ShapeDtypeStruct((Bv, 3, _M), jnp.float32),
    )(sums, cnts, tg.reshape(1, _M), pg.reshape(1, _M))


@jax.jit
def kernel(theta, phi, rm, theta_grid, phi_grid):
    Bv, Nv = theta.shape
    n_per_tile = (Bv * Nv) // _NW
    sums, cnts, _ = _sc_histogram(theta, phi, rm, n_per_tile)
    out = _tc_finalize(sums, cnts, theta_grid, phi_grid, Bv)
    return out.reshape(Bv, 3, _N_THETA, _N_PHI)

# --- scband reference (transcript-rebuilt; emitter-appended) ---
"""Pipeline reference for scband-sampler2d-59330678227020 (READ-ONLY COPY).

The authoritative reference and input builder live on the scoring server;
editing this copy changes nothing except your own understanding.
"""

import jax, jax.numpy as jnp
import numpy as np

B = 16
N = 524288
N_THETA = 180
N_PHI = 360
M = N_THETA * N_PHI


def _make_grids():
    theta_edges = jnp.linspace(0.0, jnp.pi, N_THETA + 1)
    phi_edges = jnp.linspace(0.0, 2.0 * jnp.pi, N_PHI + 1)
    theta_centers = 0.5 * (theta_edges[:-1] + theta_edges[1:])
    phi_centers = 0.5 * (phi_edges[:-1] + phi_edges[1:])
    theta_grid, phi_grid = jnp.meshgrid(theta_centers, phi_centers, indexing='ij')
    return theta_grid.reshape(-1).astype(jnp.float32), phi_grid.reshape(-1).astype(jnp.float32)


def setup_inputs(seed: int = 0) -> dict:
    key = jax.random.key(seed)
    k1, k2, k3 = jax.random.split(key, 3)
    theta = jax.random.uniform(k1, (B, N), dtype=jnp.float32) * jnp.pi
    phi = jax.random.uniform(k2, (B, N), dtype=jnp.float32) * (2.0 * jnp.pi)
    rm = jax.random.normal(k3, (B, N), dtype=jnp.float32)
    theta_grid, phi_grid = _make_grids()
    return {"theta": theta, "phi": phi, "rm": rm, "theta_grid": theta_grid, "phi_grid": phi_grid}


def reference(theta, phi, rm, theta_grid, phi_grid):
    Bv, Nv = theta.shape
    # bin indices (integer cast => non-differentiable, matches torch .long())
    th_bin = jnp.clip((theta / jnp.pi * N_THETA).astype(jnp.int32), 0, N_THETA - 1)
    ph_bin = jnp.clip((phi / (2.0 * jnp.pi) * N_PHI).astype(jnp.int32), 0, N_PHI - 1)
    pix = th_bin * N_PHI + ph_bin
    batch_offsets = jnp.arange(Bv, dtype=jnp.int32)[:, None] * M
    flat_idx = (pix + batch_offsets).reshape(-1)
    vals = rm.reshape(-1)
    sum_flat = jnp.zeros(Bv * M, dtype=vals.dtype).at[flat_idx].add(vals)
    count_flat = jnp.zeros(Bv * M, dtype=vals.dtype).at[flat_idx].add(jnp.ones_like(vals))
    mean_flat = sum_flat / jnp.clip(count_flat, 1.0, None)
    mean = mean_flat.reshape(Bv, N_THETA, N_PHI)
    # fill_value == 0.0 -> no masked_fill; n_smooth == 0 -> gaussian_filter is identity
    tg = theta_grid.reshape(N_THETA, N_PHI)
    pg = phi_grid.reshape(N_THETA, N_PHI)
    theta_exp = jnp.broadcast_to(tg[None, :, :], (Bv, N_THETA, N_PHI))
    phi_exp = jnp.broadcast_to(pg[None, :, :], (Bv, N_THETA, N_PHI))
    out = jnp.stack([theta_exp, phi_exp, mean], axis=1)
    return out

if __name__ == "__main__":
    import jax
    _d = setup_inputs()
    print(jax.jit(kernel)(*tuple(_d.values())))

</pallas_src>

<mosaic_0001>
#map = affine_map<(d0, d1) -> (0, 0)>
#map1 = affine_map<(d0, d1) -> (0)>
module attributes {stable_mosaic.version = 14 : i64} {
  func.func @hist_kernel(%arg0: i32, %arg1: i32, %arg2: memref<16x524288xf32, #tpu.memory_space<hbm>>, %arg3: memref<16x524288xf32, #tpu.memory_space<hbm>>, %arg4: memref<16x524288xf32, #tpu.memory_space<hbm>>, %arg5: memref<1x2076672xf32, #tpu.memory_space<hbm>>, %arg6: memref<1x2076672xf32, #tpu.memory_space<hbm>>, %arg7: memref<8388608xi32, #tpu.memory_space<hbm>>, %arg8: memref<2x8192xf32, #tpu.memory_space<vmem>>, %arg9: memref<2x8192xf32, #tpu.memory_space<vmem>>, %arg10: memref<2x8192xf32, #tpu.memory_space<vmem>>, %arg11: memref<2x8192xi32, #tpu.memory_space<vmem>>, %arg12: memref<64896xf32, #tpu.memory_space<vmem>>, %arg13: memref<!tpu.dma_semaphore, #tpu.memory_space<semaphore_mem>>, %arg14: memref<!tpu.dma_semaphore, #tpu.memory_space<semaphore_mem>>, %arg15: memref<!tpu.dma_semaphore, #tpu.memory_space<semaphore_mem>>, %arg16: memref<!tpu.dma_semaphore, #tpu.memory_space<semaphore_mem>>) attributes {dimension_semantics = [#tpu.dimension_semantics<core_parallel>, #tpu.dimension_semantics<subcore_parallel>], iteration_bounds = array<i64: 2, 16>, scalar_prefetch = 0 : i64, scratch_operands = 9 : i64, tpu.core_type = #tpu.core_type<sc_vector_subcore>, window_params = [{transform_indices = #map}, {transform_indices = #map}, {transform_indices = #map}, {transform_indices = #map}, {transform_indices = #map}, {transform_indices = #map1}]} {
    %mul3A = arith.constant 2 : i32
    %mul3A_0 = arith.muli %arg1, %mul3A : i32
    %add3A = arith.addi %mul3A_0, %arg0 : i32
    %jit3A = arith.constant 2 : i32
    %div3A = arith.divsi %add3A, %jit3A : i32
    %sign3A = arith.constant 0 : i32
    %sign3A_1 = arith.cmpi sgt, %add3A, %sign3A : i32
    %sign3A_2 = arith.extui %sign3A_1 : i1 to i32
    %sign3A_3 = arith.constant 0 : i32
    %sign3A_4 = arith.cmpi slt, %add3A, %sign3A_3 : i32
    %sign3A_5 = arith.extui %sign3A_4 : i1 to i32
    %sign3A_6 = arith.subi %sign3A_2, %sign3A_5 : i32
    %sign3A_7 = arith.constant 0 : i32
    %sign3A_8 = arith.cmpi sgt, %jit3A, %sign3A_7 : i32
    %sign3A_9 = arith.extui %sign3A_8 : i1 to i32
    %sign3A_10 = arith.constant 0 : i32
    %sign3A_11 = arith.cmpi slt, %jit3A, %sign3A_10 : i32
    %sign3A_12 = arith.extui %sign3A_11 : i1 to i32
    %sign3A_13 = arith.subi %sign3A_9, %sign3A_12 : i32
    %ne3A = arith.cmpi ne, %sign3A_6, %sign3A_13 : i32
    %rem3A = arith.remsi %add3A, %jit3A : i32
    %ne3A_14 = arith.constant 0 : i32
    %ne3A_15 = arith.cmpi ne, %rem3A, %ne3A_14 : i32
    %and3A = arith.andi %ne3A, %ne3A_15 : i1
    %sub3A = arith.constant 1 : i32
    %sub3A_16 = arith.subi %div3A, %sub3A : i32
    %select_n3A = arith.select %and3A, %sub3A_16, %div3A : i32
    %jit3A_17 = arith.constant 2 : i32
    %eq3A = arith.constant 0 : i32
    %eq3A_18 = arith.cmpi eq, %jit3A_17, %eq3A : i32
    %jit3A_19 = arith.constant 1 : i32
    %select_n3A_20 = arith.select %eq3A_18, %jit3A_19, %jit3A_17 : i32
    %rem3A_21 = arith.remsi %add3A, %select_n3A_20 : i32
    %ne3A_22 = arith.constant 0 : i32
    %ne3A_23 = arith.cmpi ne, %rem3A_21, %ne3A_22 : i32
    %lt3A = arith.constant 0 : i32
    %lt3A_24 = arith.cmpi slt, %rem3A_21, %lt3A : i32
    %lt3A_25 = arith.constant 0 : i32
    %lt3A_26 = arith.cmpi slt, %select_n3A_20, %lt3A_25 : i32
    %ne3A_27 = arith.xori %lt3A_24, %lt3A_26 : i1
    %and3A_28 = arith.andi %ne3A_27, %ne3A_23 : i1
    %add3A_29 = arith.addi %rem3A_21, %select_n3A_20 : i32
    %select_n3A_30 = arith.select %and3A_28, %add3A_29, %rem3A_21 : i32
    %mul3A_31 = arith.constant 262144 : i32
    %mul3A_32 = arith.muli %select_n3A_30, %mul3A_31 : i32
    %mul3A_33 = arith.constant 129792 : i32
    %mul3A_34 = arith.muli %select_n3A, %mul3A_33 : i32
    %mul3A_35 = arith.constant 64896 : i32
    %mul3A_36 = arith.muli %select_n3A_30, %mul3A_35 : i32
    %add3A_37 = arith.addi %mul3A_34, %mul3A_36 : i32
    %mul3A_38 = arith.constant 262144 : i32
    %mul3A_39 = arith.muli %add3A, %mul3A_38 : i32
    %broadcast_in_dim3A = arith.constant 0.000000e+00 : f32
    %broadcast_in_dim3A_40 = vector.broadcast %broadcast_in_dim3A : f32 to vector<16xf32>
    %broadcast_in_dim3A_41 = arith.constant 1.000000e+00 : f32
    %broadcast_in_dim3A_42 = vector.broadcast %broadcast_in_dim3A_41 : f32 to vector<16xf32>
    %add3A_43 = arith.constant 0 : i32
    %add3A_44 = arith.addi %mul3A_32, %add3A_43 : i32
    %dma_start3A = arith.constant 0 : i32
    %dma_start3A_45 = arith.constant 0 : i32
    %dma_start3A_46 = tpu.memref_slice %arg8[%dma_start3A, %dma_start3A_45] : memref<2x8192xf32, #tpu.memory_space<vmem>> -> memref<1x8192xf32, #tpu.memory_space<vmem>>
    %dma_start3A_47 = tpu.memref_squeeze %dma_start3A_46 : memref<1x8192xf32, #tpu.memory_space<vmem>> -> memref<8192xf32, #tpu.memory_space<vmem>>
    %dma_start3A_48 = tpu.memref_slice %arg2[%select_n3A, %add3A_44] : memref<16x524288xf32, #tpu.memory_space<hbm>> -> memref<1x8192xf32, #tpu.memory_space<hbm>>
    %dma_start3A_49 = tpu.memref_squeeze %dma_start3A_48 : memref<1x8192xf32, #tpu.memory_space<hbm>> -> memref<8192xf32, #tpu.memory_space<hbm>>
    %dma_start3A_50 = arith.constant 0 : i32
    %dma_start3A_51 = tpu.memref_slice %arg8[%dma_start3A, %dma_start3A_50] : memref<2x8192xf32, #tpu.memory_space<vmem>> -> memref<1x8192xf32, #tpu.memory_space<vmem>>
    %dma_start3A_52 = tpu.memref_squeeze %dma_start3A_51 : memref<1x8192xf32, #tpu.memory_space<vmem>> -> memref<8192xf32, #tpu.memory_space<vmem>>
    %dma_start3A_53 = tpu.memref_slice %arg2[%select_n3A, %add3A_44] : memref<16x524288xf32, #tpu.memory_space<hbm>> -> memref<1x8192xf32, #tpu.memory_space<hbm>>
    %dma_start3A_54 = tpu.memref_squeeze %dma_start3A_53 : memref<1x8192xf32, #tpu.memory_space<hbm>> -> memref<8192xf32, #tpu.memory_space<hbm>>
    tpu.enqueue_dma source(%dma_start3A_54 : memref<8192xf32, #tpu.memory_space<hbm>>) target(%dma_start3A_52 : memref<8192xf32, #tpu.memory_space<vmem>>) target_semaphore(%arg13 : memref<!tpu.dma_semaphore, #tpu.memory_space<semaphore_mem>>)
    %dma_start3A_55 = arith.constant 0 : i32
    %dma_start3A_56 = arith.constant 0 : i32
    %dma_start3A_57 = tpu.memref_slice %arg9[%dma_start3A_55, %dma_start3A_56] : memref<2x8192xf32, #tpu.memory_space<vmem>> -> memref<1x8192xf32, #tpu.memory_space<vmem>>
    %dma_start3A_58 = tpu.memref_squeeze %dma_start3A_57 : memref<1x8192xf32, #tpu.memory_space<vmem>> -> memref<8192xf32, #tpu.memory_space<vmem>>
    %dma_start3A_59 = tpu.memref_slice %arg3[%select_n3A, %add3A_44] : memref<16x524288xf32, #tpu.memory_space<hbm>> -> memref<1x8192xf32, #tpu.memory_space<hbm>>
    %dma_start3A_60 = tpu.memref_squeeze %dma_start3A_59 : memref<1x8192xf32, #tpu.memory_space<hbm>> -> memref<8192xf32, #tpu.memory_space<hbm>>
    %dma_start3A_61 = arith.constant 0 : i32
    %dma_start3A_62 = tpu.memref_slice %arg9[%dma_start3A_55, %dma_start3A_61] : memref<2x8192xf32, #tpu.memory_space<vmem>> -> memref<1x8192xf32, #tpu.memory_space<vmem>>
    %dma_start3A_63 = tpu.memref_squeeze %dma_start3A_62 : memref<1x8192xf32, #tpu.memory_space<vmem>> -> memref<8192xf32, #tpu.memory_space<vmem>>
    %dma_start3A_64 = tpu.memref_slice %arg3[%select_n3A, %add3A_44] : memref<16x524288xf32, #tpu.memory_space<hbm>> -> memref<1x8192xf32, #tpu.memory_space<hbm>>
    %dma_start3A_65 = tpu.memref_squeeze %dma_start3A_64 : memref<1x8192xf32, #tpu.memory_space<hbm>> -> memref<8192xf32, #tpu.memory_space<hbm>>
    tpu.enqueue_dma source(%dma_start3A_65 : memref<8192xf32, #tpu.memory_space<hbm>>) target(%dma_start3A_63 : memref<8192xf32, #tpu.memory_space<vmem>>) target_semaphore(%arg13 : memref<!tpu.dma_semaphore, #tpu.memory_space<semaphore_mem>>)
    %dma_start3A_66 = arith.constant 0 : i32
    %dma_start3A_67 = arith.constant 0 : i32
    %dma_start3A_68 = tpu.memref_slice %arg10[%dma_start3A_66, %dma_start3A_67] : memref<2x8192xf32, #tpu.memory_space<vmem>> -> memref<1x8192xf32, #tpu.memory_space<vmem>>
    %dma_start3A_69 = tpu.memref_squeeze %dma_start3A_68 : memref<1x8192xf32, #tpu.memory_space<vmem>> -> memref<8192xf32, #tpu.memory_space<vmem>>
    %dma_start3A_70 = tpu.memref_slice %arg4[%select_n3A, %add3A_44] : memref<16x524288xf32, #tpu.memory_space<hbm>> -> memref<1x8192xf32, #tpu.memory_space<hbm>>
    %dma_start3A_71 = tpu.memref_squeeze %dma_start3A_70 : memref<1x8192xf32, #tpu.memory_space<hbm>> -> memref<8192xf32, #tpu.memory_space<hbm>>
    %dma_start3A_72 = arith.constant 0 : i32
    %dma_start3A_73 = tpu.memref_slice %arg10[%dma_start3A_66, %dma_start3A_72] : memref<2x8192xf32, #tpu.memory_space<vmem>> -> memref<1x8192xf32, #tpu.memory_space<vmem>>
    %dma_start3A_74 = tpu.memref_squeeze %dma_start3A_73 : memref<1x8192xf32, #tpu.memory_space<vmem>> -> memref<8192xf32, #tpu.memory_space<vmem>>
    %dma_start3A_75 = tpu.memref_slice %arg4[%select_n3A, %add3A_44] : memref<16x524288xf32, #tpu.memory_space<hbm>> -> memref<1x8192xf32, #tpu.memory_space<hbm>>
    %dma_start3A_76 = tpu.memref_squeeze %dma_start3A_75 : memref<1x8192xf32, #tpu.memory_space<hbm>> -> memref<8192xf32, #tpu.memory_space<hbm>>
    tpu.enqueue_dma source(%dma_start3A_76 : memref<8192xf32, #tpu.memory_space<hbm>>) target(%dma_start3A_74 : memref<8192xf32, #tpu.memory_space<vmem>>) target_semaphore(%arg13 : memref<!tpu.dma_semaphore, #tpu.memory_space<semaphore_mem>>)
    %add3A_77 = arith.constant 8192 : i32
    %add3A_78 = arith.addi %mul3A_32, %add3A_77 : i32
    %dma_start3A_79 = arith.constant 1 : i32
    %dma_start3A_80 = arith.constant 0 : i32
    %dma_start3A_81 = tpu.memref_slice %arg8[%dma_start3A_79, %dma_start3A_80] : memref<2x8192xf32, #tpu.memory_space<vmem>> -> memref<1x8192xf32, #tpu.memory_space<vmem>>
    %dma_start3A_82 = tpu.memref_squeeze %dma_start3A_81 : memref<1x8192xf32, #tpu.memory_space<vmem>> -> memref<8192xf32, #tpu.memory_space<vmem>>
    %dma_start3A_83 = tpu.memref_slice %arg2[%select_n3A, %add3A_78] : memref<16x524288xf32, #tpu.memory_space<hbm>> -> memref<1x8192xf32, #tpu.memory_space<hbm>>
    %dma_start3A_84 = tpu.memref_squeeze %dma_start3A_83 : memref<1x8192xf32, #tpu.memory_space<hbm>> -> memref<8192xf32, #tpu.memory_space<hbm>>
    %dma_start3A_85 = arith.constant 0 : i32
    %dma_start3A_86 = tpu.memref_slice %arg8[%dma_start3A_79, %dma_start3A_85] : memref<2x8192xf32, #tpu.memory_space<vmem>> -> memref<1x8192xf32, #tpu.memory_space<vmem>>
    %dma_start3A_87 = tpu.memref_squeeze %dma_start3A_86 : memref<1x8192xf32, #tpu.memory_space<vmem>> -> memref<8192xf32, #tpu.memory_space<vmem>>
    %dma_start3A_88 = tpu.memref_slice %arg2[%select_n3A, %add3A_78] : memref<16x524288xf32, #tpu.memory_space<hbm>> -> memref<1x8192xf32, #tpu.memory_space<hbm>>
    %dma_start3A_89 = tpu.memref_squeeze %dma_start3A_88 : memref<1x8192xf32, #tpu.memory_space<hbm>> -> memref<8192xf32, #tpu.memory_space<hbm>>
    tpu.enqueue_dma source(%dma_start3A_89 : memref<8192xf32, #tpu.memory_space<hbm>>) target(%dma_start3A_87 : memref<8192xf32, #tpu.memory_space<vmem>>) target_semaphore(%arg14 : memref<!tpu.dma_semaphore, #tpu.memory_space<semaphore_mem>>)
    %dma_start3A_90 = arith.constant 1 : i32
    %dma_start3A_91 = arith.constant 0 : i32
    %dma_start3A_92 = tpu.memref_slice %arg9[%dma_start3A_90, %dma_start3A_91] : memref<2x8192xf32, #tpu.memory_space<vmem>> -> memref<1x8192xf32, #tpu.memory_space<vmem>>
    %dma_start3A_93 = tpu.memref_squeeze %dma_start3A_92 : memref<1x8192xf32, #tpu.memory_space<vmem>> -> memref<8192xf32, #tpu.memory_space<vmem>>
    %dma_start3A_94 = tpu.memref_slice %arg3[%select_n3A, %add3A_78] : memref<16x524288xf32, #tpu.memory_space<hbm>> -> memref<1x8192xf32, #tpu.memory_space<hbm>>
    %dma_start3A_95 = tpu.memref_squeeze %dma_start3A_94 : memref<1x8192xf32, #tpu.memory_space<hbm>> -> memref<8192xf32, #tpu.memory_space<hbm>>
    %dma_start3A_96 = arith.constant 0 : i32
    %dma_start3A_97 = tpu.memref_slice %arg9[%dma_start3A_90, %dma_start3A_96] : memref<2x8192xf32, #tpu.memory_space<vmem>> -> memref<1x8192xf32, #tpu.memory_space<vmem>>
    %dma_start3A_98 = tpu.memref_squeeze %dma_start3A_97 : memref<1x8192xf32, #tpu.memory_space<vmem>> -> memref<8192xf32, #tpu.memory_space<vmem>>
    %dma_start3A_99 = tpu.memref_slice %arg3[%select_n3A, %add3A_78] : memref<16x524288xf32, #tpu.memory_space<hbm>> -> memref<1x8192xf32, #tpu.memory_space<hbm>>
    %dma_start3A_100 = tpu.memref_squeeze %dma_start3A_99 : memref<1x8192xf32, #tpu.memory_space<hbm>> -> memref<8192xf32, #tpu.memory_space<hbm>>
    tpu.enqueue_dma source(%dma_start3A_100 : memref<8192xf32, #tpu.memory_space<hbm>>) target(%dma_start3A_98 : memref<8192xf32, #tpu.memory_space<vmem>>) target_semaphore(%arg14 : memref<!tpu.dma_semaphore, #tpu.memory_space<semaphore_mem>>)
    %dma_start3A_101 = arith.constant 1 : i32
    %dma_start3A_102 = arith.constant 0 : i32
    %dma_start3A_103 = tpu.memref_slice %arg10[%dma_start3A_101, %dma_start3A_102] : memref<2x8192xf32, #tpu.memory_space<vmem>> -> memref<1x8192xf32, #tpu.memory_space<vmem>>
    %dma_start3A_104 = tpu.memref_squeeze %dma_start3A_103 : memref<1x8192xf32, #tpu.memory_space<vmem>> -> memref<8192xf32, #tpu.memory_space<vmem>>
    %dma_start3A_105 = tpu.memref_slice %arg4[%select_n3A, %add3A_78] : memref<16x524288xf32, #tpu.memory_space<hbm>> -> memref<1x8192xf32, #tpu.memory_space<hbm>>
    %dma_start3A_106 = tpu.memref_squeeze %dma_start3A_105 : memref<1x8192xf32, #tpu.memory_space<hbm>> -> memref<8192xf32, #tpu.memory_space<hbm>>
    %dma_start3A_107 = arith.constant 0 : i32
    %dma_start3A_108 = tpu.memref_slice %arg10[%dma_start3A_101, %dma_start3A_107] : memref<2x8192xf32, #tpu.memory_space<vmem>> -> memref<1x8192xf32, #tpu.memory_space<vmem>>
    %dma_start3A_109 = tpu.memref_squeeze %dma_start3A_108 : memref<1x8192xf32, #tpu.memory_space<vmem>> -> memref<8192xf32, #tpu.memory_space<vmem>>
    %dma_start3A_110 = tpu.memref_slice %arg4[%select_n3A, %add3A_78] : memref<16x524288xf32, #tpu.memory_space<hbm>> -> memref<1x8192xf32, #tpu.memory_space<hbm>>
    %dma_start3A_111 = tpu.memref_squeeze %dma_start3A_110 : memref<1x8192xf32, #tpu.memory_space<hbm>> -> memref<8192xf32, #tpu.memory_space<hbm>>
    tpu.enqueue_dma source(%dma_start3A_111 : memref<8192xf32, #tpu.memory_space<hbm>>) target(%dma_start3A_109 : memref<8192xf32, #tpu.memory_space<vmem>>) target_semaphore(%arg14 : memref<!tpu.dma_semaphore, #tpu.memory_space<semaphore_mem>>)
    %scan3A = arith.constant 0 : i32
    %scan3A_112 = arith.constant 0 : i32
    %scan3A_113 = arith.constant 1014 : i32
    %scan3A_114 = arith.addi %scan3A_112, %scan3A_113 : i32
    %scan3A_115 = arith.constant 1 : i32
    %scan3A_116 = scf.for %scan3A_179 = %scan3A_112 to %scan3A_114 step %scan3A_115 iter_args(%scan3A_180 = %scan3A) -> (i32)  : i32 {
      %mul3A_181 = arith.constant 64 : i32
      %mul3A_182 = arith.muli %scan3A_179, %mul3A_181 : i32
      %swap3A = arith.index_cast %mul3A_182 : i32 to index
      %swap3A_183 = tpu.vector_load %arg12[%swap3A] {strides = array<i32>} : memref<64896xf32, #tpu.memory_space<vmem>>, vector<16xf32>,
      tpu.vector_store %arg12[%swap3A], %broadcast_in_dim3A_40 {strides = array<i32>} : memref<64896xf32, #tpu.memory_space<vmem>>, vector<16xf32>,
      %mul3A_184 = arith.constant 64 : i32
      %mul3A_185 = arith.muli %scan3A_179, %mul3A_184 : i32
      %add3A_186 = arith.constant 16 : i32
      %add3A_187 = arith.addi %mul3A_185, %add3A_186 : i32
      %swap3A_188 = arith.index_cast %add3A_187 : i32 to index
      %swap3A_189 = tpu.vector_load %arg12[%swap3A_188] {strides = array<i32>} : memref<64896xf32, #tpu.memory_space<vmem>>, vector<16xf32>,
      tpu.vector_store %arg12[%swap3A_188], %broadcast_in_dim3A_40 {strides = array<i32>} : memref<64896xf32, #tpu.memory_space<vmem>>, vector<16xf32>,
      %mul3A_190 = arith.constant 64 : i32
      %mul3A_191 = arith.muli %scan3A_179, %mul3A_190 : i32
      %add3A_192 = arith.constant 32 : i32
      %add3A_193 = arith.addi %mul3A_191, %add3A_192 : i32
      %swap3A_194 = arith.index_cast %add3A_193 : i32 to index
      %swap3A_195 = tpu.vector_load %arg12[%swap3A_194] {strides = array<i32>} : memref<64896xf32, #tpu.memory_space<vmem>>, vector<16xf32>,
      tpu.vector_store %arg12[%swap3A_194], %broadcast_in_dim3A_40 {strides = array<i32>} : memref<64896xf32, #tpu.memory_space<vmem>>, vector<16xf32>,
      %mul3A_196 = arith.constant 64 : i32
      %mul3A_197 = arith.muli %scan3A_179, %mul3A_196 : i32
      %add3A_198 = arith.constant 48 : i32
      %add3A_199 = arith.addi %mul3A_197, %add3A_198 : i32
      %swap3A_200 = arith.index_cast %add3A_199 : i32 to index
      %swap3A_201 = tpu.vector_load %arg12[%swap3A_200] {strides = array<i32>} : memref<64896xf32, #tpu.memory_space<vmem>>, vector<16xf32>,
      tpu.vector_store %arg12[%swap3A_200], %broadcast_in_dim3A_40 {strides = array<i32>} : memref<64896xf32, #tpu.memory_space<vmem>>, vector<16xf32>,
      %scan3A_202 = arith.constant 0 : i32
      scf.yield %scan3A_202 : i32
    }
    %scan3A_117 = arith.constant 1014 : i32
    %scan3A_118 = arith.constant 0 : i32
    %scan3A_119 = arith.constant 0 : i32
    %scan3A_120 = arith.constant 16 : i32
    %scan3A_121 = arith.addi %scan3A_119, %scan3A_120 : i32
    %scan3A_122 = arith.constant 1 : i32
    %scan3A_123 = scf.for %scan3A_179 = %scan3A_119 to %scan3A_121 step %scan3A_122 iter_args(%scan3A_180 = %scan3A_118) -> (i32)  : i32 {
      %mul3A_181 = arith.constant 2 : i32
      %mul3A_182 = arith.muli %mul3A_181, %scan3A_179 : i32
      %add3A_183 = arith.constant 0 : i32
      %add3A_184 = arith.addi %mul3A_182, %add3A_183 : i32
      %dma_wait3A_185 = arith.constant 0 : i32
      %dma_wait3A_186 = arith.constant 0 : i32
      %dma_wait3A_187 = tpu.memref_slice %arg8[%dma_wait3A_185, %dma_wait3A_186] : memref<2x8192xf32, #tpu.memory_space<vmem>> -> memref<1x8192xf32, #tpu.memory_space<vmem>>
      %dma_wait3A_188 = tpu.memref_squeeze %dma_wait3A_187 : memref<1x8192xf32, #tpu.memory_space<vmem>> -> memref<8192xf32, #tpu.memory_space<vmem>>
      %dma_wait3A_189 = tpu.memref_slice %arg2[%select_n3A, %mul3A_32] : memref<16x524288xf32, #tpu.memory_space<hbm>> -> memref<1x8192xf32, #tpu.memory_space<hbm>>
      %dma_wait3A_190 = tpu.memref_squeeze %dma_wait3A_189 : memref<1x8192xf32, #tpu.memory_space<hbm>> -> memref<8192xf32, #tpu.memory_space<hbm>>
      %dma_wait3A_191 = arith.constant 0 : i32
      %dma_wait3A_192 = tpu.memref_slice %arg8[%dma_wait3A_185, %dma_wait3A_191] : memref<2x8192xf32, #tpu.memory_space<vmem>> -> memref<1x8192xf32, #tpu.memory_space<vmem>>
      %dma_wait3A_193 = tpu.memref_squeeze %dma_wait3A_192 : memref<1x8192xf32, #tpu.memory_space<vmem>> -> memref<8192xf32, #tpu.memory_space<vmem>>
      %dma_wait3A_194 = tpu.memref_slice %arg2[%select_n3A, %mul3A_32] : memref<16x524288xf32, #tpu.memory_space<hbm>> -> memref<1x8192xf32, #tpu.memory_space<hbm>>
      %dma_wait3A_195 = tpu.memref_squeeze %dma_wait3A_194 : memref<1x8192xf32, #tpu.memory_space<hbm>> -> memref<8192xf32, #tpu.memory_space<hbm>>
      tpu.wait_dma2 semaphore(%arg13 : memref<!tpu.dma_semaphore, #tpu.memory_space<semaphore_mem>>) src(%dma_wait3A_195 : memref<8192xf32, #tpu.memory_space<hbm>>) dst(%dma_wait3A_193 : memref<8192xf32, #tpu.memory_space<vmem>>)
      %dma_wait3A_196 = arith.constant 0 : i32
      %dma_wait3A_197 = arith.constant 0 : i32
      %dma_wait3A_198 = tpu.memref_slice %arg9[%dma_wait3A_196, %dma_wait3A_197] : memref<2x8192xf32, #tpu.memory_space<vmem>> -> memref<1x8192xf32, #tpu.memory_space<vmem>>
      %dma_wait3A_199 = tpu.memref_squeeze %dma_wait3A_198 : memref<1x8192xf32, #tpu.memory_space<vmem>> -> memref<8192xf32, #tpu.memory_space<vmem>>
      %dma_wait3A_200 = tpu.memref_slice %arg3[%select_n3A, %mul3A_32] : memref<16x524288xf32, #tpu.memory_space<hbm>> -> memref<1x8192xf32, #tpu.memory_space<hbm>>
      %dma_wait3A_201 = tpu.memref_squeeze %dma_wait3A_200 : memref<1x8192xf32, #tpu.memory_space<hbm>> -> memref<8192xf32, #tpu.memory_space<hbm>>
      %dma_wait3A_202 = arith.constant 0 : i32
      %dma_wait3A_203 = tpu.memref_slice %arg9[%dma_wait3A_196, %dma_wait3A_202] : memref<2x8192xf32, #tpu.memory_space<vmem>> -> memref<1x8192xf32, #tpu.memory_space<vmem>>
      %dma_wait3A_204 = tpu.memref_squeeze %dma_wait3A_203 : memref<1x8192xf32, #tpu.memory_space<vmem>> -> memref<8192xf32, #tpu.memory_space<vmem>>
      %dma_wait3A_205 = tpu.memref_slice %arg3[%select_n3A, %mul3A_32] : memref<16x524288xf32, #tpu.memory_space<hbm>> -> memref<1x8192xf32, #tpu.memory_space<hbm>>
      %dma_wait3A_206 = tpu.memref_squeeze %dma_wait3A_205 : memref<1x8192xf32, #tpu.memory_space<hbm>> -> memref<8192xf32, #tpu.memory_space<hbm>>
      tpu.wait_dma2 semaphore(%arg13 : memref<!tpu.dma_semaphore, #tpu.memory_space<semaphore_mem>>) src(%dma_wait3A_206 : memref<8192xf32, #tpu.memory_space<hbm>>) dst(%dma_wait3A_204 : memref<8192xf32, #tpu.memory_space<vmem>>)
      %dma_wait3A_207 = arith.constant 0 : i32
      %dma_wait3A_208 = arith.constant 0 : i32
      %dma_wait3A_209 = tpu.memref_slice %arg10[%dma_wait3A_207, %dma_wait3A_208] : memref<2x8192xf32, #tpu.memory_space<vmem>> -> memref<1x8192xf32, #tpu.memory_space<vmem>>
      %dma_wait3A_210 = tpu.memref_squeeze %dma_wait3A_209 : memref<1x8192xf32, #tpu.memory_space<vmem>> -> memref<8192xf32, #tpu.memory_space<vmem>>
      %dma_wait3A_211 = tpu.memref_slice %arg4[%select_n3A, %mul3A_32] : memref<16x524288xf32, #tpu.memory_space<hbm>> -> memref<1x8192xf32, #tpu.memory_space<hbm>>
      %dma_wait3A_212 = tpu.memref_squeeze %dma_wait3A_211 : memref<1x8192xf32, #tpu.memory_space<hbm>> -> memref<8192xf32, #tpu.memory_space<hbm>>
      %dma_wait3A_213 = arith.constant 0 : i32
      %dma_wait3A_214 = tpu.memref_slice %arg10[%dma_wait3A_207, %dma_wait3A_213] : memref<2x8192xf32, #tpu.memory_space<vmem>> -> memref<1x8192xf32, #tpu.memory_space<vmem>>
      %dma_wait3A_215 = tpu.memref_squeeze %dma_wait3A_214 : memref<1x8192xf32, #tpu.memory_space<vmem>> -> memref<8192xf32, #tpu.memory_space<vmem>>
      %dma_wait3A_216 = tpu.memref_slice %arg4[%select_n3A, %mul3A_32] : memref<16x524288xf32, #tpu.memory_space<hbm>> -> memref<1x8192xf32, #tpu.memory_space<hbm>>
      %dma_wait3A_217 = tpu.memref_squeeze %dma_wait3A_216 : memref<1x8192xf32, #tpu.memory_space<hbm>> -> memref<8192xf32, #tpu.memory_space<hbm>>
      tpu.wait_dma2 semaphore(%arg13 : memref<!tpu.dma_semaphore, #tpu.memory_space<semaphore_mem>>) src(%dma_wait3A_217 : memref<8192xf32, #tpu.memory_space<hbm>>) dst(%dma_wait3A_215 : memref<8192xf32, #tpu.memory_space<vmem>>)
      %get3A = arith.constant 0 : i32
      %get3A_218 = arith.index_cast %get3A : i32 to index
      %get3A_219 = arith.constant 0 : index
      %get3A_220 = tpu.vector_load %arg8[%get3A_218, %get3A_219] {strides = array<i32>} : memref<2x8192xf32, #tpu.memory_space<vmem>>, vector<16xf32>,
      %get3A_221 = arith.constant 0 : i32
      %get3A_222 = arith.index_cast %get3A_221 : i32 to index
      %get3A_223 = arith.constant 0 : index
      %get3A_224 = tpu.vector_load %arg9[%get3A_222, %get3A_223] {strides = array<i32>} : memref<2x8192xf32, #tpu.memory_space<vmem>>, vector<16xf32>,
      %get3A_225 = arith.constant 0 : i32
      %get3A_226 = arith.index_cast %get3A_225 : i32 to index
      %get3A_227 = arith.constant 0 : index
      %get3A_228 = tpu.vector_load %arg10[%get3A_226, %get3A_227] {strides = array<i32>} : memref<2x8192xf32, #tpu.memory_space<vmem>>, vector<16xf32>,
      %mul3A_229 = arith.constant 57.2957802 : f32
      %mul3A_230 = vector.broadcast %mul3A_229 : f32 to vector<16xf32>
      %mul3A_231 = arith.mulf %get3A_220, %mul3A_230 : vector<16xf32>
      %convert_element_type3A = arith.fptosi %mul3A_231 : vector<16xf32> to vector<16xi32>
      %min3A = arith.constant 179 : i32
      %min3A_232 = vector.broadcast %min3A : i32 to vector<16xi32>
      %min3A_233 = arith.minsi %convert_element_type3A, %min3A_232 : vector<16xi32>
      %mul3A_234 = arith.constant 57.2957802 : f32
      %mul3A_235 = vector.broadcast %mul3A_234 : f32 to vector<16xf32>
      %mul3A_236 = arith.mulf %get3A_224, %mul3A_235 : vector<16xf32>
      %convert_element_type3A_237 = arith.fptosi %mul3A_236 : vector<16xf32> to vector<16xi32>
      %min3A_238 = arith.constant 359 : i32
      %min3A_239 = vector.broadcast %min3A_238 : i32 to vector<16xi32>
      %min3A_240 = arith.minsi %convert_element_type3A_237, %min3A_239 : vector<16xi32>
      %mul3A_241 = arith.constant 360 : i32
      %mul3A_242 = vector.broadcast %mul3A_241 : i32 to vector<16xi32>
      %mul3A_243 = arith.muli %min3A_233, %mul3A_242 : vector<16xi32>
      %add3A_244 = arith.addi %mul3A_243, %min3A_240 : vector<16xi32>
      %get3A_245 = arith.constant 0 : i32
      %get3A_246 = arith.index_cast %get3A_245 : i32 to index
      %get3A_247 = arith.constant 16 : index
      %get3A_248 = tpu.vector_load %arg8[%get3A_246, %get3A_247] {strides = array<i32>} : memref<2x8192xf32, #tpu.memory_space<vmem>>, vector<16xf32>,
      %get3A_249 = arith.constant 0 : i32
      %get3A_250 = arith.index_cast %get3A_249 : i32 to index
      %get3A_251 = arith.constant 16 : index
      %get3A_252 = tpu.vector_load %arg9[%get3A_250, %get3A_251] {strides = array<i32>} : memref<2x8192xf32, #tpu.memory_space<vmem>>, vector<16xf32>,
      %get3A_253 = arith.constant 0 : i32
      %get3A_254 = arith.index_cast %get3A_253 : i32 to index
      %get3A_255 = arith.constant 16 : index
      %get3A_256 = tpu.vector_load %arg10[%get3A_254, %get3A_255] {strides = array<i32>} : memref<2x8192xf32, #tpu.memory_space<vmem>>, vector<16xf32>,
      %mul3A_257 = arith.constant 57.2957802 : f32
      %mul3A_258 = vector.broadcast %mul3A_257 : f32 to vector<16xf32>
      %mul3A_259 = arith.mulf %get3A_248, %mul3A_258 : vector<16xf32>
      %convert_element_type3A_260 = arith.fptosi %mul3A_259 : vector<16xf32> to vector<16xi32>
      %min3A_261 = arith.constant 179 : i32
      %min3A_262 = vector.broadcast %min3A_261 : i32 to vector<16xi32>
      %min3A_263 = arith.minsi %convert_element_type3A_260, %min3A_262 : vector<16xi32>
      %mul3A_264 = arith.constant 57.2957802 : f32
      %mul3A_265 = vector.broadcast %mul3A_264 : f32 to vector<16xf32>
      %mul3A_266 = arith.mulf %get3A_252, %mul3A_265 : vector<16xf32>
      %convert_element_type3A_267 = arith.fptosi %mul3A_266 : vector<16xf32> to vector<16xi32>
      %min3A_268 = arith.constant 359 : i32
      %min3A_269 = vector.broadcast %min3A_268 : i32 to vector<16xi32>
      %min3A_270 = arith.minsi %convert_element_type3A_267, %min3A_269 : vector<16xi32>
      %mul3A_271 = arith.constant 360 : i32
      %mul3A_272 = vector.broadcast %mul3A_271 : i32 to vector<16xi32>
      %mul3A_273 = arith.muli %min3A_263, %mul3A_272 : vector<16xi32>
      %add3A_274 = arith.addi %mul3A_273, %min3A_270 : vector<16xi32>
      %get3A_275 = arith.constant 0 : i32
      %get3A_276 = arith.index_cast %get3A_275 : i32 to index
      %get3A_277 = arith.constant 32 : index
      %get3A_278 = tpu.vector_load %arg8[%get3A_276, %get3A_277] {strides = array<i32>} : memref<2x8192xf32, #tpu.memory_space<vmem>>, vector<16xf32>,
      %get3A_279 = arith.constant 0 : i32
      %get3A_280 = arith.index_cast %get3A_279 : i32 to index
      %get3A_281 = arith.constant 32 : index
      %get3A_282 = tpu.vector_load %arg9[%get3A_280, %get3A_281] {strides = array<i32>} : memref<2x8192xf32, #tpu.memory_space<vmem>>, vector<16xf32>,
      %get3A_283 = arith.constant 0 : i32
      %get3A_284 = arith.index_cast %get3A_283 : i32 to index
      %get3A_285 = arith.constant 32 : index
      %get3A_286 = tpu.vector_load %arg10[%get3A_284, %get3A_285] {strides = array<i32>} : memref<2x8192xf32, #tpu.memory_space<vmem>>, vector<16xf32>,
      %mul3A_287 = arith.constant 57.2957802 : f32
      %mul3A_288 = vector.broadcast %mul3A_287 : f32 to vector<16xf32>
      %mul3A_289 = arith.mulf %get3A_278, %mul3A_288 : vector<16xf32>
      %convert_element_type3A_290 = arith.fptosi %mul3A_289 : vector<16xf32> to vector<16xi32>
      %min3A_291 = arith.constant 179 : i32
      %min3A_292 = vector.broadcast %min3A_291 : i32 to vector<16xi32>
      %min3A_293 = arith.minsi %convert_element_type3A_290, %min3A_292 : vector<16xi32>
      %mul3A_294 = arith.constant 57.2957802 : f32
      %mul3A_295 = vector.broadcast %mul3A_294 : f32 to vector<16xf32>
      %mul3A_296 = arith.mulf %get3A_282, %mul3A_295 : vector<16xf32>
      %convert_element_type3A_297 = arith.fptosi %mul3A_296 : vector<16xf32> to vector<16xi32>
      %min3A_298 = arith.constant 359 : i32
      %min3A_299 = vector.broadcast %min3A_298 : i32 to vector<16xi32>
      %min3A_300 = arith.minsi %convert_element_type3A_297, %min3A_299 : vector<16xi32>
      %mul3A_301 = arith.constant 360 : i32
      %mul3A_302 = vector.broadcast %mul3A_301 : i32 to vector<16xi32>
      %mul3A_303 = arith.muli %min3A_293, %mul3A_302 : vector<16xi32>
      %add3A_304 = arith.addi %mul3A_303, %min3A_300 : vector<16xi32>
      %get3A_305 = arith.constant 0 : i32
      %get3A_306 = arith.index_cast %get3A_305 : i32 to index
      %get3A_307 = arith.constant 48 : index
      %get3A_308 = tpu.vector_load %arg8[%get3A_306, %get3A_307] {strides = array<i32>} : memref<2x8192xf32, #tpu.memory_space<vmem>>, vector<16xf32>,
      %get3A_309 = arith.constant 0 : i32
      %get3A_310 = arith.index_cast %get3A_309 : i32 to index
      %get3A_311 = arith.constant 48 : index
      %get3A_312 = tpu.vector_load %arg9[%get3A_310, %get3A_311] {strides = array<i32>} : memref<2x8192xf32, #tpu.memory_space<vmem>>, vector<16xf32>,
      %get3A_313 = arith.constant 0 : i32
      %get3A_314 = arith.index_cast %get3A_313 : i32 to index
      %get3A_315 = arith.constant 48 : index
      %get3A_316 = tpu.vector_load %arg10[%get3A_314, %get3A_315] {strides = array<i32>} : memref<2x8192xf32, #tpu.memory_space<vmem>>, vector<16xf32>,
      %mul3A_317 = arith.constant 57.2957802 : f32
      %mul3A_318 = vector.broadcast %mul3A_317 : f32 to vector<16xf32>
      %mul3A_319 = arith.mulf %get3A_308, %mul3A_318 : vector<16xf32>
      %convert_element_type3A_320 = arith.fptosi %mul3A_319 : vector<16xf32> to vector<16xi32>
      %min3A_321 = arith.constant 179 : i32
      %min3A_322 = vector.broadcast %min3A_321 : i32 to vector<16xi32>
      %min3A_323 = arith.minsi %convert_element_type3A_320, %min3A_322 : vector<16xi32>
      %mul3A_324 = arith.constant 57.2957802 : f32
      %mul3A_325 = vector.broadcast %mul3A_324 : f32 to vector<16xf32>
      %mul3A_326 = arith.mulf %get3A_312, %mul3A_325 : vector<16xf32>
      %convert_element_type3A_327 = arith.fptosi %mul3A_326 : vector<16xf32> to vector<16xi32>
      %min3A_328 = arith.constant 359 : i32
      %min3A_329 = vector.broadcast %min3A_328 : i32 to vector<16xi32>
      %min3A_330 = arith.minsi %convert_element_type3A_327, %min3A_329 : vector<16xi32>
      %mul3A_331 = arith.constant 360 : i32
      %mul3A_332 = vector.broadcast %mul3A_331 : i32 to vector<16xi32>
      %mul3A_333 = arith.muli %min3A_323, %mul3A_332 : vector<16xi32>
      %add3A_334 = arith.addi %mul3A_333, %min3A_330 : vector<16xi32>
      %get3A_335 = arith.constant 0 : i32
      %get3A_336 = arith.index_cast %get3A_335 : i32 to index
      %get3A_337 = arith.constant 64 : index
      %get3A_338 = tpu.vector_load %arg8[%get3A_336, %get3A_337] {strides = array<i32>} : memref<2x8192xf32, #tpu.memory_space<vmem>>, vector<16xf32>,
      %get3A_339 = arith.constant 0 : i32
      %get3A_340 = arith.index_cast %get3A_339 : i32 to index
      %get3A_341 = arith.constant 64 : index
      %get3A_342 = tpu.vector_load %arg9[%get3A_340, %get3A_341] {strides = array<i32>} : memref<2x8192xf32, #tpu.memory_space<vmem>>, vector<16xf32>,
      %get3A_343 = arith.constant 0 : i32
      %get3A_344 = arith.index_cast %get3A_343 : i32 to index
      %get3A_345 = arith.constant 64 : index
      %get3A_346 = tpu.vector_load %arg10[%get3A_344, %get3A_345] {strides = array<i32>} : memref<2x8192xf32, #tpu.memory_space<vmem>>, vector<16xf32>,
      %mul3A_347 = arith.constant 57.2957802 : f32
      %mul3A_348 = vector.broadcast %mul3A_347 : f32 to vector<16xf32>
      %mul3A_349 = arith.mulf %get3A_338, %mul3A_348 : vector<16xf32>
      %convert_element_type3A_350 = arith.fptosi %mul3A_349 : vector<16xf32> to vector<16xi32>
      %min3A_351 = arith.constant 179 : i32
      %min3A_352 = vector.broadcast %min3A_351 : i32 to vector<16xi32>
      %min3A_353 = arith.minsi %convert_element_type3A_350, %min3A_352 : vector<16xi32>
      %mul3A_354 = arith.constant 57.2957802 : f32
      %mul3A_355 = vector.broadcast %mul3A_354 : f32 to vector<16xf32>
      %mul3A_356 = arith.mulf %get3A_342, %mul3A_355 : vector<16xf32>
      %convert_element_type3A_357 = arith.fptosi %mul3A_356 : vector<16xf32> to vector<16xi32>
      %min3A_358 = arith.constant 359 : i32
      %min3A_359 = vector.broadcast %min3A_358 : i32 to vector<16xi32>
      %min3A_360 = arith.minsi %convert_element_type3A_357, %min3A_359 : vector<16xi32>
      %mul3A_361 = arith.constant 360 : i32
      %mul3A_362 = vector.broadcast %mul3A_361 : i32 to vector<16xi32>
      %mul3A_363 = arith.muli %min3A_353, %mul3A_362 : vector<16xi32>
      %add3A_364 = arith.addi %mul3A_363, %min3A_360 : vector<16xi32>
      %get3A_365 = arith.constant 0 : i32
      %get3A_366 = arith.index_cast %get3A_365 : i32 to index
      %get3A_367 = arith.constant 80 : index
      %get3A_368 = tpu.vector_load %arg8[%get3A_366, %get3A_367] {strides = array<i32>} : memref<2x8192xf32, #tpu.memory_space<vmem>>, vector<16xf32>,
      %get3A_369 = arith.constant 0 : i32
      %get3A_370 = arith.index_cast %get3A_369 : i32 to index
      %get3A_371 = arith.constant 80 : index
      %get3A_372 = tpu.vector_load %arg9[%get3A_370, %get3A_371] {strides = array<i32>} : memref<2x8192xf32, #tpu.memory_space<vmem>>, vector<16xf32>,
      %get3A_373 = arith.constant 0 : i32
      %get3A_374 = arith.index_cast %get3A_373 : i32 to index
      %get3A_375 = arith.constant 80 : index
      %get3A_376 = tpu.vector_load %arg10[%get3A_374, %get3A_375] {strides = array<i32>} : memref<2x8192xf32, #tpu.memory_space<vmem>>, vector<16xf32>,
      %mul3A_377 = arith.constant 57.2957802 : f32
      %mul3A_378 = vector.broadcast %mul3A_377 : f32 to vector<16xf32>
      %mul3A_379 = arith.mulf %get3A_368, %mul3A_378 : vector<16xf32>
      %convert_element_type3A_380 = arith.fptosi %mul3A_379 : vector<16xf32> to vector<16xi32>
      %min3A_381 = arith.constant 179 : i32
      %min3A_382 = vector.broadcast %min3A_381 : i32 to vector<16xi32>
      %min3A_383 = arith.minsi %convert_element_type3A_380, %min3A_382 : vector<16xi32>
      %mul3A_384 = arith.constant 57.2957802 : f32
      %mul3A_385 = vector.broadcast %mul3A_384 : f32 to vector<16xf32>
      %mul3A_386 = arith.mulf %get3A_372, %mul3A_385 : vector<16xf32>
      %convert_element_type3A_387 = arith.fptosi %mul3A_386 : vector<16xf32> to vector<16xi32>
      %min3A_388 = arith.constant 359 : i32
      %min3A_389 = vector.broadcast %min3A_388 : i32 to vector<16xi32>
      %min3A_390 = arith.minsi %convert_element_type3A_387, %min3A_389 : vector<16xi32>
      %mul3A_391 = arith.constant 360 : i32
      %mul3A_392 = vector.broadcast %mul3A_391 : i32 to vector<16xi32>
      %mul3A_393 = arith.muli %min3A_383, %mul3A_392 : vector<16xi32>
      %add3A_394 = arith.addi %mul3A_393, %min3A_390 : vector<16xi32>
      %get3A_395 = arith.constant 0 : i32
      %get3A_396 = arith.index_cast %get3A_395 : i32 to index
      %get3A_397 = arith.constant 96 : index
      %get3A_398 = tpu.vector_load %arg8[%get3A_396, %get3A_397] {strides = array<i32>} : memref<2x8192xf32, #tpu.memory_space<vmem>>, vector<16xf32>,
      %get3A_399 = arith.constant 0 : i32
      %get3A_400 = arith.index_cast %get3A_399 : i32 to index
      %get3A_401 = arith.constant 96 : index
      %get3A_402 = tpu.vector_load %arg9[%get3A_400, %get3A_401] {strides = array<i32>} : memref<2x8192xf32, #tpu.memory_space<vmem>>, vector<16xf32>,
      %get3A_403 = arith.constant 0 : i32
      %get3A_404 = arith.index_cast %get3A_403 : i32 to index
      %get3A_405 = arith.constant 96 : index
      %get3A_406 = tpu.vector_load %arg10[%get3A_404, %get3A_405] {strides = array<i32>} : memref<2x8192xf32, #tpu.memory_space<vmem>>, vector<16xf32>,
      %mul3A_407 = arith.constant 57.2957802 : f32
      %mul3A_408 = vector.broadcast %mul3A_407 : f32 to vector<16xf32>
      %mul3A_409 = arith.mulf %get3A_398, %mul3A_408 : vector<16xf32>
      %convert_element_type3A_410 = arith.fptosi %mul3A_409 : vector<16xf32> to vector<16xi32>
      %min3A_411 = arith.constant 179 : i32
      %min3A_412 = vector.broadcast %min3A_411 : i32 to vector<16xi32>
      %min3A_413 = arith.minsi %convert_element_type3A_410, %min3A_412 : vector<16xi32>
      %mul3A_414 = arith.constant 57.2957802 : f32
      %mul3A_415 = vector.broadcast %mul3A_414 : f32 to vector<16xf32>
      %mul3A_416 = arith.mulf %get3A_402, %mul3A_415 : vector<16xf32>
      %convert_element_type3A_417 = arith.fptosi %mul3A_416 : vector<16xf32> to vector<16xi32>
      %min3A_418 = arith.constant 359 : i32
      %min3A_419 = vector.broadcast %min3A_418 : i32 to vector<16xi32>
      %min3A_420 = arith.minsi %convert_element_type3A_417, %min3A_419 : vector<16xi32>
      %mul3A_421 = arith.constant 360 : i32
      %mul3A_422 = vector.broadcast %mul3A_421 : i32 to vector<16xi32>
      %mul3A_423 = arith.muli %min3A_413, %mul3A_422 : vector<16xi32>
      %add3A_424 = arith.addi %mul3A_423, %min3A_420 : vector<16xi32>
      %get3A_425 = arith.constant 0 : i32
      %get3A_426 = arith.index_cast %get3A_425 : i32 to index
      %get3A_427 = arith.constant 112 : index
      %get3A_428 = tpu.vector_load %arg8[%get3A_426, %get3A_427] {strides = array<i32>} : memref<2x8192xf32, #tpu.memory_space<vmem>>, vector<16xf32>,
      %get3A_429 = arith.constant 0 : i32
      %get3A_430 = arith.index_cast %get3A_429 : i32 to index
      %get3A_431 = arith.constant 112 : index
      %get3A_432 = tpu.vector_load %arg9[%get3A_430, %get3A_431] {strides = array<i32>} : memref<2x8192xf32, #tpu.memory_space<vmem>>, vector<16xf32>,
      %get3A_433 = arith.constant 0 : i32
      %get3A_434 = arith.index_cast %get3A_433 : i32 to index
      %get3A_435 = arith.constant 112 : index
      %get3A_436 = tpu.vector_load %arg10[%get3A_434, %get3A_435] {strides = array<i32>} : memref<2x8192xf32, #tpu.memory_space<vmem>>, vector<16xf32>,
      %mul3A_437 = arith.constant 57.2957802 : f32
      %mul3A_438 = vector.broadcast %mul3A_437 : f32 to vector<16xf32>
      %mul3A_439 = arith.mulf %get3A_428, %mul3A_438 : vector<16xf32>
      %convert_element_type3A_440 = arith.fptosi %mul3A_439 : vector<16xf32> to vector<16xi32>
      %min3A_441 = arith.constant 179 : i32
      %min3A_442 = vector.broadcast %min3A_441 : i32 to vector<16xi32>
      %min3A_443 = arith.minsi %convert_element_type3A_440, %min3A_442 : vector<16xi32>
      %mul3A_444 = arith.constant 57.2957802 : f32
      %mul3A_445 = vector.broadcast %mul3A_444 : f32 to vector<16xf32>
      %mul3A_446 = arith.mulf %get3A_432, %mul3A_445 : vector<16xf32>
      %convert_element_type3A_447 = arith.fptosi %mul3A_446 : vector<16xf32> to vector<16xi32>
      %min3A_448 = arith.constant 359 : i32
      %min3A_449 = vector.broadcast %min3A_448 : i32 to vector<16xi32>
      %min3A_450 = arith.minsi %convert_element_type3A_447, %min3A_449 : vector<16xi32>
      %mul3A_451 = arith.constant 360 : i32
      %mul3A_452 = vector.broadcast %mul3A_451 : i32 to vector<16xi32>
      %mul3A_453 = arith.muli %min3A_443, %mul3A_452 : vector<16xi32>
      %add3A_454 = arith.addi %mul3A_453, %min3A_450 : vector<16xi32>
      %scan3A_455 = arith.constant 1 : i32
      %scan3A_456 = arith.constant 63 : i32
      %scan3A_457 = arith.addi %scan3A_455, %scan3A_456 : i32
      %scan3A_458 = arith.constant 1 : i32
      %scan3A_459:16 = scf.for %scan3A_854 = %scan3A_455 to %scan3A_457 step %scan3A_458 iter_args(%scan3A_855 = %add3A_244, %scan3A_856 = %add3A_274, %scan3A_857 = %add3A_304, %scan3A_858 = %add3A_334, %scan3A_859 = %add3A_364, %scan3A_860 = %add3A_394, %scan3A_861 = %add3A_424, %scan3A_862 = %add3A_454, %scan3A_863 = %get3A_228, %scan3A_864 = %get3A_256, %scan3A_865 = %get3A_286, %scan3A_866 = %get3A_316, %scan3A_867 = %get3A_346, %scan3A_868 = %get3A_376, %scan3A_869 = %get3A_406, %scan3A_870 = %get3A_436) -> (vector<16xi32>, vector<16xi32>, vector<16xi32>, vector<16xi32>, vector<16xi32>, vector<16xi32>, vector<16xi32>, vector<16xi32>, vector<16xf32>, vector<16xf32>, vector<16xf32>, vector<16xf32>, vector<16xf32>, vector<16xf32>, vector<16xf32>, vector<16xf32>)  : i32 {
        %mul3A_871 = arith.constant 128 : i32
        %mul3A_872 = arith.muli %scan3A_854, %mul3A_871 : i32
        %add3A_873 = arith.constant 0 : i32
        %add3A_874 = arith.addi %mul3A_872, %add3A_873 : i32
        %get3A_875 = arith.constant 0 : i32
        %get3A_876 = arith.index_cast %get3A_875 : i32 to index
        %get3A_877 = arith.index_cast %add3A_874 : i32 to index
        %get3A_878 = tpu.vector_load %arg8[%get3A_876, %get3A_877] {strides = array<i32>} : memref<2x8192xf32, #tpu.memory_space<vmem>>, vector<16xf32>,
        %get3A_879 = arith.constant 0 : i32
        %get3A_880 = arith.index_cast %get3A_879 : i32 to index
        %get3A_881 = arith.index_cast %add3A_874 : i32 to index
        %get3A_882 = tpu.vector_load %arg9[%get3A_880, %get3A_881] {strides = array<i32>} : memref<2x8192xf32, #tpu.memory_space<vmem>>, vector<16xf32>,
        %get3A_883 = arith.constant 0 : i32
        %get3A_884 = arith.index_cast %get3A_883 : i32 to index
        %get3A_885 = arith.index_cast %add3A_874 : i32 to index
        %get3A_886 = tpu.vector_load %arg10[%get3A_884, %get3A_885] {strides = array<i32>} : memref<2x8192xf32, #tpu.memory_space<vmem>>, vector<16xf32>,
        %mul3A_887 = arith.constant 57.2957802 : f32
        %mul3A_888 = vector.broadcast %mul3A_887 : f32 to vector<16xf32>
        %mul3A_889 = arith.mulf %get3A_878, %mul3A_888 : vector<16xf32>
        %convert_element_type3A_890 = arith.fptosi %mul3A_889 : vector<16xf32> to vector<16xi32>
        %min3A_891 = arith.constant 179 : i32
        %min3A_892 = vector.broadcast %min3A_891 : i32 to vector<16xi32>
        %min3A_893 = arith.minsi %convert_element_type3A_890, %min3A_892 : vector<16xi32>
        %mul3A_894 = arith.constant 57.2957802 : f32
        %mul3A_895 = vector.broadcast %mul3A_894 : f32 to vector<16xf32>
        %mul3A_896 = arith.mulf %get3A_882, %mul3A_895 : vector<16xf32>
        %convert_element_type3A_897 = arith.fptosi %mul3A_896 : vector<16xf32> to vector<16xi32>
        %min3A_898 = arith.constant 359 : i32
        %min3A_899 = vector.broadcast %min3A_898 : i32 to vector<16xi32>
        %min3A_900 = arith.minsi %convert_element_type3A_897, %min3A_899 : vector<16xi32>
        %mul3A_901 = arith.constant 360 : i32
        %mul3A_902 = vector.broadcast %mul3A_901 : i32 to vector<16xi32>
        %mul3A_903 = arith.muli %min3A_893, %mul3A_902 : vector<16xi32>
        %add3A_904 = arith.addi %mul3A_903, %min3A_900 : vector<16xi32>
        %mul3A_905 = arith.constant 128 : i32
        %mul3A_906 = arith.muli %scan3A_854, %mul3A_905 : i32
        %add3A_907 = arith.constant 16 : i32
        %add3A_908 = arith.addi %mul3A_906, %add3A_907 : i32
        %get3A_909 = arith.constant 0 : i32
        %get3A_910 = arith.index_cast %get3A_909 : i32 to index
        %get3A_911 = arith.index_cast %add3A_908 : i32 to index
        %get3A_912 = tpu.vector_load %arg8[%get3A_910, %get3A_911] {strides = array<i32>} : memref<2x8192xf32, #tpu.memory_space<vmem>>, vector<16xf32>,
        %get3A_913 = arith.constant 0 : i32
        %get3A_914 = arith.index_cast %get3A_913 : i32 to index
        %get3A_915 = arith.index_cast %add3A_908 : i32 to index
        %get3A_916 = tpu.vector_load %arg9[%get3A_914, %get3A_915] {strides = array<i32>} : memref<2x8192xf32, #tpu.memory_space<vmem>>, vector<16xf32>,
        %get3A_917 = arith.constant 0 : i32
        %get3A_918 = arith.index_cast %get3A_917 : i32 to index
        %get3A_919 = arith.index_cast %add3A_908 : i32 to index
        %get3A_920 = tpu.vector_load %arg10[%get3A_918, %get3A_919] {strides = array<i32>} : memref<2x8192xf32, #tpu.memory_space<vmem>>, vector<16xf32>,
        %mul3A_921 = arith.constant 57.2957802 : f32
        %mul3A_922 = vector.broadcast %mul3A_921 : f32 to vector<16xf32>
        %mul3A_923 = arith.mulf %get3A_912, %mul3A_922 : vector<16xf32>
        %convert_element_type3A_924 = arith.fptosi %mul3A_923 : vector<16xf32> to vector<16xi32>
        %min3A_925 = arith.constant 179 : i32
        %min3A_926 = vector.broadcast %min3A_925 : i32 to vector<16xi32>
        %min3A_927 = arith.minsi %convert_element_type3A_924, %min3A_926 : vector<16xi32>
        %mul3A_928 = arith.constant 57.2957802 : f32
        %mul3A_929 = vector.broadcast %mul3A_928 : f32 to vector<16xf32>
        %mul3A_930 = arith.mulf %get3A_916, %mul3A_929 : vector<16xf32>
        %convert_element_type3A_931 = arith.fptosi %mul3A_930 : vector<16xf32> to vector<16xi32>
        %min3A_932 = arith.constant 359 : i32
        %min3A_933 = vector.broadcast %min3A_932 : i32 to vector<16xi32>
        %min3A_934 = arith.minsi %convert_element_type3A_931, %min3A_933 : vector<16xi32>
        %mul3A_935 = arith.constant 360 : i32
        %mul3A_936 = vector.broadcast %mul3A_935 : i32 to vector<16xi32>
        %mul3A_937 = arith.muli %min3A_927, %mul3A_936 : vector<16xi32>
        %add3A_938 = arith.addi %mul3A_937, %min3A_934 : vector<16xi32>
        %mul3A_939 = arith.constant 128 : i32
        %mul3A_940 = arith.muli %scan3A_854, %mul3A_939 : i32
        %add3A_941 = arith.constant 32 : i32
        %add3A_942 = arith.addi %mul3A_940, %add3A_941 : i32
        %get3A_943 = arith.constant 0 : i32
        %get3A_944 = arith.index_cast %get3A_943 : i32 to index
        %get3A_945 = arith.index_cast %add3A_942 : i32 to index
        %get3A_946 = tpu.vector_load %arg8[%get3A_944, %get3A_945] {strides = array<i32>} : memref<2x8192xf32, #tpu.memory_space<vmem>>, vector<16xf32>,
        %get3A_947 = arith.constant 0 : i32
        %get3A_948 = arith.index_cast %get3A_947 : i32 to index
        %get3A_949 = arith.index_cast %add3A_942 : i32 to index
        %get3A_950 = tpu.vector_load %arg9[%get3A_948, %get3A_949] {strides = array<i32>} : memref<2x8192xf32, #tpu.memory_space<vmem>>, vector<16xf32>,
        %get3A_951 = arith.constant 0 : i32
        %get3A_952 = arith.index_cast %get3A_951 : i32 to index
        %get3A_953 = arith.index_cast %add3A_942 : i32 to index
        %get3A_954 = tpu.vector_load %arg10[%get3A_952, %get3A_953] {strides = array<i32>} : memref<2x8192xf32, #tpu.memory_space<vmem>>, vector<16xf32>,
        %mul3A_955 = arith.constant 57.2957802 : f32
        %mul3A_956 = vector.broadcast %mul3A_955 : f32 to vector<16xf32>
        %mul3A_957 = arith.mulf %get3A_946, %mul3A_956 : vector<16xf32>
        %convert_element_type3A_958 = arith.fptosi %mul3A_957 : vector<16xf32> to vector<16xi32>
        %min3A_959 = arith.constant 179 : i32
        %min3A_960 = vector.broadcast %min3A_959 : i32 to vector<16xi32>
        %min3A_961 = arith.minsi %convert_element_type3A_958, %min3A_960 : vector<16xi32>
        %mul3A_962 = arith.constant 57.2957802 : f32
        %mul3A_963 = vector.broadcast %mul3A_962 : f32 to vector<16xf32>
        %mul3A_964 = arith.mulf %get3A_950, %mul3A_963 : vector<16xf32>
        %convert_element_type3A_965 = arith.fptosi %mul3A_964 : vector<16xf32> to vector<16xi32>
        %min3A_966 = arith.constant 359 : i32
        %min3A_967 = vector.broadcast %min3A_966 : i32 to vector<16xi32>
        %min3A_968 = arith.minsi %convert_element_type3A_965, %min3A_967 : vector<16xi32>
        %mul3A_969 = arith.constant 360 : i32
        %mul3A_970 = vector.broadcast %mul3A_969 : i32 to vector<16xi32>
        %mul3A_971 = arith.muli %min3A_961, %mul3A_970 : vector<16xi32>
        %add3A_972 = arith.addi %mul3A_971, %min3A_968 : vector<16xi32>
        %mul3A_973 = arith.constant 128 : i32
        %mul3A_974 = arith.muli %scan3A_854, %mul3A_973 : i32
        %add3A_975 = arith.constant 48 : i32
        %add3A_976 = arith.addi %mul3A_974, %add3A_975 : i32
        %get3A_977 = arith.constant 0 : i32
        %get3A_978 = arith.index_cast %get3A_977 : i32 to index
        %get3A_979 = arith.index_cast %add3A_976 : i32 to index
        %get3A_980 = tpu.vector_load %arg8[%get3A_978, %get3A_979] {strides = array<i32>} : memref<2x8192xf32, #tpu.memory_space<vmem>>, vector<16xf32>,
        %get3A_981 = arith.constant 0 : i32
        %get3A_982 = arith.index_cast %get3A_981 : i32 to index
        %get3A_983 = arith.index_cast %add3A_976 : i32 to index
        %get3A_984 = tpu.vector_load %arg9[%get3A_982, %get3A_983] {strides = array<i32>} : memref<2x8192xf32, #tpu.memory_space<vmem>>, vector<16xf32>,
        %get3A_985 = arith.constant 0 : i32
        %get3A_986 = arith.index_cast %get3A_985 : i32 to index
        %get3A_987 = arith.index_cast %add3A_976 : i32 to index
        %get3A_988 = tpu.vector_load %arg10[%get3A_986, %get3A_987] {strides = array<i32>} : memref<2x8192xf32, #tpu.memory_space<vmem>>, vector<16xf32>,
        %mul3A_989 = arith.constant 57.2957802 : f32
        %mul3A_990 = vector.broadcast %mul3A_989 : f32 to vector<16xf32>
        %mul3A_991 = arith.mulf %get3A_980, %mul3A_990 : vector<16xf32>
        %convert_element_type3A_992 = arith.fptosi %mul3A_991 : vector<16xf32> to vector<16xi32>
        %min3A_993 = arith.constant 179 : i32
        %min3A_994 = vector.broadcast %min3A_993 : i32 to vector<16xi32>
        %min3A_995 = arith.minsi %convert_element_type3A_992, %min3A_994 : vector<16xi32>
        %mul3A_996 = arith.constant 57.2957802 : f32
        %mul3A_997 = vector.broadcast %mul3A_996 : f32 to vector<16xf32>
        %mul3A_998 = arith.mulf %get3A_984, %mul3A_997 : vector<16xf32>
        %convert_element_type3A_999 = arith.fptosi %mul3A_998 : vector<16xf32> to vector<16xi32>
        %min3A_1000 = arith.constant 359 : i32
        %min3A_1001 = vector.broadcast %min3A_1000 : i32 to vector<16xi32>
        %min3A_1002 = arith.minsi %convert_element_type3A_999, %min3A_1001 : vector<16xi32>
        %mul3A_1003 = arith.constant 360 : i32
        %mul3A_1004 = vector.broadcast %mul3A_1003 : i32 to vector<16xi32>
        %mul3A_1005 = arith.muli %min3A_995, %mul3A_1004 : vector<16xi32>
        %add3A_1006 = arith.addi %mul3A_1005, %min3A_1002 : vector<16xi32>
        %mul3A_1007 = arith.constant 128 : i32
        %mul3A_1008 = arith.muli %scan3A_854, %mul3A_1007 : i32
        %add3A_1009 = arith.constant 64 : i32
        %add3A_1010 = arith.addi %mul3A_1008, %add3A_1009 : i32
        %get3A_1011 = arith.constant 0 : i32
        %get3A_1012 = arith.index_cast %get3A_1011 : i32 to index
        %get3A_1013 = arith.index_cast %add3A_1010 : i32 to index
        %get3A_1014 = tpu.vector_load %arg8[%get3A_1012, %get3A_1013] {strides = array<i32>} : memref<2x8192xf32, #tpu.memory_space<vmem>>, vector<16xf32>,
        %get3A_1015 = arith.constant 0 : i32
        %get3A_1016 = arith.index_cast %get3A_1015 : i32 to index
        %get3A_1017 = arith.index_cast %add3A_1010 : i32 to index
        %get3A_1018 = tpu.vector_load %arg9[%get3A_1016, %get3A_1017] {strides = array<i32>} : memref<2x8192xf32, #tpu.memory_space<vmem>>, vector<16xf32>,
        %get3A_1019 = arith.constant 0 : i32
        %get3A_1020 = arith.index_cast %get3A_1019 : i32 to index
        %get3A_1021 = arith.index_cast %add3A_1010 : i32 to index
        %get3A_1022 = tpu.vector_load %arg10[%get3A_1020, %get3A_1021] {strides = array<i32>} : memref<2x8192xf32, #tpu.memory_space<vmem>>, vector<16xf32>,
        %mul3A_1023 = arith.constant 57.2957802 : f32
        %mul3A_1024 = vector.broadcast %mul3A_1023 : f32 to vector<16xf32>
        %mul3A_1025 = arith.mulf %get3A_1014, %mul3A_1024 : vector<16xf32>
        %convert_element_type3A_1026 = arith.fptosi %mul3A_1025 : vector<16xf32> to vector<16xi32>
        %min3A_1027 = arith.constant 179 : i32
        %min3A_1028 = vector.broadcast %min3A_1027 : i32 to vector<16xi32>
        %min3A_1029 = arith.minsi %convert_element_type3A_1026, %min3A_1028 : vector<16xi32>
        %mul3A_1030 = arith.constant 57.2957802 : f32
        %mul3A_1031 = vector.broadcast %mul3A_1030 : f32 to vector<16xf32>
        %mul3A_1032 = arith.mulf %get3A_1018, %mul3A_1031 : vector<16xf32>
        %convert_element_type3A_1033 = arith.fptosi %mul3A_1032 : vector<16xf32> to vector<16xi32>
        %min3A_1034 = arith.constant 359 : i32
        %min3A_1035 = vector.broadcast %min3A_1034 : i32 to vector<16xi32>
        %min3A_1036 = arith.minsi %convert_element_type3A_1033, %min3A_1035 : vector<16xi32>
        %mul3A_1037 = arith.constant 360 : i32
        %mul3A_1038 = vector.broadcast %mul3A_1037 : i32 to vector<16xi32>
        %mul3A_1039 = arith.muli %min3A_1029, %mul3A_1038 : vector<16xi32>
        %add3A_1040 = arith.addi %mul3A_1039, %min3A_1036 : vector<16xi32>
        %mul3A_1041 = arith.constant 128 : i32
        %mul3A_1042 = arith.muli %scan3A_854, %mul3A_1041 : i32
        %add3A_1043 = arith.constant 80 : i32
        %add3A_1044 = arith.addi %mul3A_1042, %add3A_1043 : i32
        %get3A_1045 = arith.constant 0 : i32
        %get3A_1046 = arith.index_cast %get3A_1045 : i32 to index
        %get3A_1047 = arith.index_cast %add3A_1044 : i32 to index
        %get3A_1048 = tpu.vector_load %arg8[%get3A_1046, %get3A_1047] {strides = array<i32>} : memref<2x8192xf32, #tpu.memory_space<vmem>>, vector<16xf32>,
        %get3A_1049 = arith.constant 0 : i32
        %get3A_1050 = arith.index_cast %get3A_1049 : i32 to index
        %get3A_1051 = arith.index_cast %add3A_1044 : i32 to index
        %get3A_1052 = tpu.vector_load %arg9[%get3A_1050, %get3A_1051] {strides = array<i32>} : memref<2x8192xf32, #tpu.memory_space<vmem>>, vector<16xf32>,
        %get3A_1053 = arith.constant 0 : i32
        %get3A_1054 = arith.index_cast %get3A_1053 : i32 to index
        %get3A_1055 = arith.index_cast %add3A_1044 : i32 to index
        %get3A_1056 = tpu.vector_load %arg10[%get3A_1054, %get3A_1055] {strides = array<i32>} : memref<2x8192xf32, #tpu.memory_space<vmem>>, vector<16xf32>,
        %mul3A_1057 = arith.constant 57.2957802 : f32
        %mul3A_1058 = vector.broadcast %mul3A_1057 : f32 to vector<16xf32>
        %mul3A_1059 = arith.mulf %get3A_1048, %mul3A_1058 : vector<16xf32>
        %convert_element_type3A_1060 = arith.fptosi %mul3A_1059 : vector<16xf32> to vector<16xi32>
        %min3A_1061 = arith.constant 179 : i32
        %min3A_1062 = vector.broadcast %min3A_1061 : i32 to vector<16xi32>
        %min3A_1063 = arith.minsi %convert_element_type3A_1060, %min3A_1062 : vector<16xi32>
        %mul3A_1064 = arith.constant 57.2957802 : f32
        %mul3A_1065 = vector.broadcast %mul3A_1064 : f32 to vector<16xf32>
        %mul3A_1066 = arith.mulf %get3A_1052, %mul3A_1065 : vector<16xf32>
        %convert_element_type3A_1067 = arith.fptosi %mul3A_1066 : vector<16xf32> to vector<16xi32>
        %min3A_1068 = arith.constant 359 : i32
        %min3A_1069 = vector.broadcast %min3A_1068 : i32 to vector<16xi32>
        %min3A_1070 = arith.minsi %convert_element_type3A_1067, %min3A_1069 : vector<16xi32>
        %mul3A_1071 = arith.constant 360 : i32
        %mul3A_1072 = vector.broadcast %mul3A_1071 : i32 to vector<16xi32>
        %mul3A_1073 = arith.muli %min3A_1063, %mul3A_1072 : vector<16xi32>
        %add3A_1074 = arith.addi %mul3A_1073, %min3A_1070 : vector<16xi32>
        %mul3A_1075 = arith.constant 128 : i32
        %mul3A_1076 = arith.muli %scan3A_854, %mul3A_1075 : i32
        %add3A_1077 = arith.constant 96 : i32
        %add3A_1078 = arith.addi %mul3A_1076, %add3A_1077 : i32
        %get3A_1079 = arith.constant 0 : i32
        %get3A_1080 = arith.index_cast %get3A_1079 : i32 to index
        %get3A_1081 = arith.index_cast %add3A_1078 : i32 to index
        %get3A_1082 = tpu.vector_load %arg8[%get3A_1080, %get3A_1081] {strides = array<i32>} : memref<2x8192xf32, #tpu.memory_space<vmem>>, vector<16xf32>,
        %get3A_1083 = arith.constant 0 : i32
        %get3A_1084 = arith.index_cast %get3A_1083 : i32 to index
        %get3A_1085 = arith.index_cast %add3A_1078 : i32 to index
        %get3A_1086 = tpu.vector_load %arg9[%get3A_1084, %get3A_1085] {strides = array<i32>} : memref<2x8192xf32, #tpu.memory_space<vmem>>, vector<16xf32>,
        %get3A_1087 = arith.constant 0 : i32
        %get3A_1088 = arith.index_cast %get3A_1087 : i32 to index
        %get3A_1089 = arith.index_cast %add3A_1078 : i32 to index
        %get3A_1090 = tpu.vector_load %arg10[%get3A_1088, %get3A_1089] {strides = array<i32>} : memref<2x8192xf32, #tpu.memory_space<vmem>>, vector<16xf32>,
        %mul3A_1091 = arith.constant 57.2957802 : f32
        %mul3A_1092 = vector.broadcast %mul3A_1091 : f32 to vector<16xf32>
        %mul3A_1093 = arith.mulf %get3A_1082, %mul3A_1092 : vector<16xf32>
        %convert_element_type3A_1094 = arith.fptosi %mul3A_1093 : vector<16xf32> to vector<16xi32>
        %min3A_1095 = arith.constant 179 : i32
        %min3A_1096 = vector.broadcast %min3A_1095 : i32 to vector<16xi32>
        %min3A_1097 = arith.minsi %convert_element_type3A_1094, %min3A_1096 : vector<16xi32>
        %mul3A_1098 = arith.constant 57.2957802 : f32
        %mul3A_1099 = vector.broadcast %mul3A_1098 : f32 to vector<16xf32>
        %mul3A_1100 = arith.mulf %get3A_1086, %mul3A_1099 : vector<16xf32>
        %convert_element_type3A_1101 = arith.fptosi %mul3A_1100 : vector<16xf32> to vector<16xi32>
        %min3A_1102 = arith.constant 359 : i32
        %min3A_1103 = vector.broadcast %min3A_1102 : i32 to vector<16xi32>
        %min3A_1104 = arith.minsi %convert_element_type3A_1101, %min3A_1103 : vector<16xi32>
        %mul3A_1105 = arith.constant 360 : i32
        %mul3A_1106 = vector.broadcast %mul3A_1105 : i32 to vector<16xi32>
        %mul3A_1107 = arith.muli %min3A_1097, %mul3A_1106 : vector<16xi32>
        %add3A_1108 = arith.addi %mul3A_1107, %min3A_1104 : vector<16xi32>
        %mul3A_1109 = arith.constant 128 : i32
        %mul3A_1110 = arith.muli %scan3A_854, %mul3A_1109 : i32
        %add3A_1111 = arith.constant 112 : i32
        %add3A_1112 = arith.addi %mul3A_1110, %add3A_1111 : i32
        %get3A_1113 = arith.constant 0 : i32
        %get3A_1114 = arith.index_cast %get3A_1113 : i32 to index
        %get3A_1115 = arith.index_cast %add3A_1112 : i32 to index
        %get3A_1116 = tpu.vector_load %arg8[%get3A_1114, %get3A_1115] {strides = array<i32>} : memref<2x8192xf32, #tpu.memory_space<vmem>>, vector<16xf32>,
        %get3A_1117 = arith.constant 0 : i32
        %get3A_1118 = arith.index_cast %get3A_1117 : i32 to index
        %get3A_1119 = arith.index_cast %add3A_1112 : i32 to index
        %get3A_1120 = tpu.vector_load %arg9[%get3A_1118, %get3A_1119] {strides = array<i32>} : memref<2x8192xf32, #tpu.memory_space<vmem>>, vector<16xf32>,
        %get3A_1121 = arith.constant 0 : i32
        %get3A_1122 = arith.index_cast %get3A_1121 : i32 to index
        %get3A_1123 = arith.index_cast %add3A_1112 : i32 to index
        %get3A_1124 = tpu.vector_load %arg10[%get3A_1122, %get3A_1123] {strides = array<i32>} : memref<2x8192xf32, #tpu.memory_space<vmem>>, vector<16xf32>,
        %mul3A_1125 = arith.constant 57.2957802 : f32
        %mul3A_1126 = vector.broadcast %mul3A_1125 : f32 to vector<16xf32>
        %mul3A_1127 = arith.mulf %get3A_1116, %mul3A_1126 : vector<16xf32>
        %convert_element_type3A_1128 = arith.fptosi %mul3A_1127 : vector<16xf32> to vector<16xi32>
        %min3A_1129 = arith.constant 179 : i32
        %min3A_1130 = vector.broadcast %min3A_1129 : i32 to vector<16xi32>
        %min3A_1131 = arith.minsi %convert_element_type3A_1128, %min3A_1130 : vector<16xi32>
        %mul3A_1132 = arith.constant 57.2957802 : f32
        %mul3A_1133 = vector.broadcast %mul3A_1132 : f32 to vector<16xf32>
        %mul3A_1134 = arith.mulf %get3A_1120, %mul3A_1133 : vector<16xf32>
        %convert_element_type3A_1135 = arith.fptosi %mul3A_1134 : vector<16xf32> to vector<16xi32>
        %min3A_1136 = arith.constant 359 : i32
        %min3A_1137 = vector.broadcast %min3A_1136 : i32 to vector<16xi32>
        %min3A_1138 = arith.minsi %convert_element_type3A_1135, %min3A_1137 : vector<16xi32>
        %mul3A_1139 = arith.constant 360 : i32
        %mul3A_1140 = vector.broadcast %mul3A_1139 : i32 to vector<16xi32>
        %mul3A_1141 = arith.muli %min3A_1131, %mul3A_1140 : vector<16xi32>
        %add3A_1142 = arith.addi %mul3A_1141, %min3A_1138 : vector<16xi32>
        %sub3A_1143 = arith.constant 1 : i32
        %sub3A_1144 = arith.subi %scan3A_854, %sub3A_1143 : i32
        %mul3A_1145 = arith.constant 128 : i32
        %mul3A_1146 = arith.muli %sub3A_1144, %mul3A_1145 : i32
        %add3A_1147 = arith.constant 0 : i32
        %add3A_1148 = arith.addi %mul3A_1146, %add3A_1147 : i32
        %swap3A_1149 = arith.constant 0 : i32
        %swap3A_1150 = arith.index_cast %swap3A_1149 : i32 to index
        %swap3A_1151 = arith.index_cast %add3A_1148 : i32 to index
        %swap3A_1152 = tpu.vector_load %arg11[%swap3A_1150, %swap3A_1151] {strides = array<i32>} : memref<2x8192xi32, #tpu.memory_space<vmem>>, vector<16xi32>,
        tpu.vector_store %arg11[%swap3A_1150, %swap3A_1151], %scan3A_855 {strides = array<i32>} : memref<2x8192xi32, #tpu.memory_space<vmem>>, vector<16xi32>,
        tpu.vector_store_idx %arg12[%scan3A_855], %scan3A_863 {add = true} : memref<64896xf32, #tpu.memory_space<vmem>>[vector<16xi32>], vector<16xf32>,
        %sub3A_1153 = arith.constant 1 : i32
        %sub3A_1154 = arith.subi %scan3A_854, %sub3A_1153 : i32
        %mul3A_1155 = arith.constant 128 : i32
        %mul3A_1156 = arith.muli %sub3A_1154, %mul3A_1155 : i32
        %add3A_1157 = arith.constant 16 : i32
        %add3A_1158 = arith.addi %mul3A_1156, %add3A_1157 : i32
        %swap3A_1159 = arith.constant 0 : i32
        %swap3A_1160 = arith.index_cast %swap3A_1159 : i32 to index
        %swap3A_1161 = arith.index_cast %add3A_1158 : i32 to index
        %swap3A_1162 = tpu.vector_load %arg11[%swap3A_1160, %swap3A_1161] {strides = array<i32>} : memref<2x8192xi32, #tpu.memory_space<vmem>>, vector<16xi32>,
        tpu.vector_store %arg11[%swap3A_1160, %swap3A_1161], %scan3A_856 {strides = array<i32>} : memref<2x8192xi32, #tpu.memory_space<vmem>>, vector<16xi32>,
        tpu.vector_store_idx %arg12[%scan3A_856], %scan3A_864 {add = true} : memref<64896xf32, #tpu.memory_space<vmem>>[vector<16xi32>], vector<16xf32>,
        %sub3A_1163 = arith.constant 1 : i32
        %sub3A_1164 = arith.subi %scan3A_854, %sub3A_1163 : i32
        %mul3A_1165 = arith.constant 128 : i32
        %mul3A_1166 = arith.muli %sub3A_1164, %mul3A_1165 : i32
        %add3A_1167 = arith.constant 32 : i32
        %add3A_1168 = arith.addi %mul3A_1166, %add3A_1167 : i32
        %swap3A_1169 = arith.constant 0 : i32
        %swap3A_1170 = arith.index_cast %swap3A_1169 : i32 to index
        %swap3A_1171 = arith.index_cast %add3A_1168 : i32 to index
        %swap3A_1172 = tpu.vector_load %arg11[%swap3A_1170, %swap3A_1171] {strides = array<i32>} : memref<2x8192xi32, #tpu.memory_space<vmem>>, vector<16xi32>,
        tpu.vector_store %arg11[%swap3A_1170, %swap3A_1171], %scan3A_857 {strides = array<i32>} : memref<2x8192xi32, #tpu.memory_space<vmem>>, vector<16xi32>,
        tpu.vector_store_idx %arg12[%scan3A_857], %scan3A_865 {add = true} : memref<64896xf32, #tpu.memory_space<vmem>>[vector<16xi32>], vector<16xf32>,
        %sub3A_1173 = arith.constant 1 : i32
        %sub3A_1174 = arith.subi %scan3A_854, %sub3A_1173 : i32
        %mul3A_1175 = arith.constant 128 : i32
        %mul3A_1176 = arith.muli %sub3A_1174, %mul3A_1175 : i32
        %add3A_1177 = arith.constant 48 : i32
        %add3A_1178 = arith.addi %mul3A_1176, %add3A_1177 : i32
        %swap3A_1179 = arith.constant 0 : i32
        %swap3A_1180 = arith.index_cast %swap3A_1179 : i32 to index
        %swap3A_1181 = arith.index_cast %add3A_1178 : i32 to index
        %swap3A_1182 = tpu.vector_load %arg11[%swap3A_1180, %swap3A_1181] {strides = array<i32>} : memref<2x8192xi32, #tpu.memory_space<vmem>>, vector<16xi32>,
        tpu.vector_store %arg11[%swap3A_1180, %swap3A_1181], %scan3A_858 {strides = array<i32>} : memref<2x8192xi32, #tpu.memory_space<vmem>>, vector<16xi32>,
        tpu.vector_store_idx %arg12[%scan3A_858], %scan3A_866 {add = true} : memref<64896xf32, #tpu.memory_space<vmem>>[vector<16xi32>], vector<16xf32>,
        %sub3A_1183 = arith.constant 1 : i32
        %sub3A_1184 = arith.subi %scan3A_854, %sub3A_1183 : i32
        %mul3A_1185 = arith.constant 128 : i32
        %mul3A_1186 = arith.muli %sub3A_1184, %mul3A_1185 : i32
        %add3A_1187 = arith.constant 64 : i32
        %add3A_1188 = arith.addi %mul3A_1186, %add3A_1187 : i32
        %swap3A_1189 = arith.constant 0 : i32
        %swap3A_1190 = arith.index_cast %swap3A_1189 : i32 to index
        %swap3A_1191 = arith.index_cast %add3A_1188 : i32 to index
        %swap3A_1192 = tpu.vector_load %arg11[%swap3A_1190, %swap3A_1191] {strides = array<i32>} : memref<2x8192xi32, #tpu.memory_space<vmem>>, vector<16xi32>,
        tpu.vector_store %arg11[%swap3A_1190, %swap3A_1191], %scan3A_859 {strides = array<i32>} : memref<2x8192xi32, #tpu.memory_space<vmem>>, vector<16xi32>,
        tpu.vector_store_idx %arg12[%scan3A_859], %scan3A_867 {add = true} : memref<64896xf32, #tpu.memory_space<vmem>>[vector<16xi32>], vector<16xf32>,
        %sub3A_1193 = arith.constant 1 : i32
        %sub3A_1194 = arith.subi %scan3A_854, %sub3A_1193 : i32
        %mul3A_1195 = arith.constant 128 : i32
        %mul3A_1196 = arith.muli %sub3A_1194, %mul3A_1195 : i32
        %add3A_1197 = arith.constant 80 : i32
        %add3A_1198 = arith.addi %mul3A_1196, %add3A_1197 : i32
        %swap3A_1199 = arith.constant 0 : i32
        %swap3A_1200 = arith.index_cast %swap3A_1199 : i32 to index
        %swap3A_1201 = arith.index_cast %add3A_1198 : i32 to index
        %swap3A_1202 = tpu.vector_load %arg11[%swap3A_1200, %swap3A_1201] {strides = array<i32>} : memref<2x8192xi32, #tpu.memory_space<vmem>>, vector<16xi32>,
        tpu.vector_store %arg11[%swap3A_1200, %swap3A_1201], %scan3A_860 {strides = array<i32>} : memref<2x8192xi32, #tpu.memory_space<vmem>>, vector<16xi32>,
        tpu.vector_store_idx %arg12[%scan3A_860], %scan3A_868 {add = true} : memref<64896xf32, #tpu.memory_space<vmem>>[vector<16xi32>], vector<16xf32>,
        %sub3A_1203 = arith.constant 1 : i32
        %sub3A_1204 = arith.subi %scan3A_854, %sub3A_1203 : i32
        %mul3A_1205 = arith.constant 128 : i32
        %mul3A_1206 = arith.muli %sub3A_1204, %mul3A_1205 : i32
        %add3A_1207 = arith.constant 96 : i32
        %add3A_1208 = arith.addi %mul3A_1206, %add3A_1207 : i32
        %swap3A_1209 = arith.constant 0 : i32
        %swap3A_1210 = arith.index_cast %swap3A_1209 : i32 to index
        %swap3A_1211 = arith.index_cast %add3A_1208 : i32 to index
        %swap3A_1212 = tpu.vector_load %arg11[%swap3A_1210, %swap3A_1211] {strides = array<i32>} : memref<2x8192xi32, #tpu.memory_space<vmem>>, vector<16xi32>,
        tpu.vector_store %arg11[%swap3A_1210, %swap3A_1211], %scan3A_861 {strides = array<i32>} : memref<2x8192xi32, #tpu.memory_space<vmem>>, vector<16xi32>,
        tpu.vector_store_idx %arg12[%scan3A_861], %scan3A_869 {add = true} : memref<64896xf32, #tpu.memory_space<vmem>>[vector<16xi32>], vector<16xf32>,
        %sub3A_1213 = arith.constant 1 : i32
        %sub3A_1214 = arith.subi %scan3A_854, %sub3A_1213 : i32
        %mul3A_1215 = arith.constant 128 : i32
        %mul3A_1216 = arith.muli %sub3A_1214, %mul3A_1215 : i32
        %add3A_1217 = arith.constant 112 : i32
        %add3A_1218 = arith.addi %mul3A_1216, %add3A_1217 : i32
        %swap3A_1219 = arith.constant 0 : i32
        %swap3A_1220 = arith.index_cast %swap3A_1219 : i32 to index
        %swap3A_1221 = arith.index_cast %add3A_1218 : i32 to index
        %swap3A_1222 = tpu.vector_load %arg11[%swap3A_1220, %swap3A_1221] {strides = array<i32>} : memref<2x8192xi32, #tpu.memory_space<vmem>>, vector<16xi32>,
        tpu.vector_store %arg11[%swap3A_1220, %swap3A_1221], %scan3A_862 {strides = array<i32>} : memref<2x8192xi32, #tpu.memory_space<vmem>>, vector<16xi32>,
        tpu.vector_store_idx %arg12[%scan3A_862], %scan3A_870 {add = true} : memref<64896xf32, #tpu.memory_space<vmem>>[vector<16xi32>], vector<16xf32>,
        scf.yield %add3A_904, %add3A_938, %add3A_972, %add3A_1006, %add3A_1040, %add3A_1074, %add3A_1108, %add3A_1142, %get3A_886, %get3A_920, %get3A_954, %get3A_988, %get3A_1022, %get3A_1056, %get3A_1090, %get3A_1124 : vector<16xi32>, vector<16xi32>, vector<16xi32>, vector<16xi32>, vector<16xi32>, vector<16xi32>, vector<16xi32>, vector<16xi32>, vector<16xf32>, vector<16xf32>, vector<16xf32>, vector<16xf32>, vector<16xf32>, vector<16xf32>, vector<16xf32>, vector<16xf32>
      }
      %scan3A_460 = arith.constant 63 : i32
      %swap3A = arith.constant 0 : i32
      %swap3A_461 = arith.index_cast %swap3A : i32 to index
      %swap3A_462 = arith.constant 8064 : index
      %swap3A_463 = tpu.vector_load %arg11[%swap3A_461, %swap3A_462] {strides = array<i32>} : memref<2x8192xi32, #tpu.memory_space<vmem>>, vector<16xi32>,
      tpu.vector_store %arg11[%swap3A_461, %swap3A_462], %scan3A_459#0 {strides = array<i32>} : memref<2x8192xi32, #tpu.memory_space<vmem>>, vector<16xi32>,
      tpu.vector_store_idx %arg12[%scan3A_459#0], %scan3A_459#8 {add = true} : memref<64896xf32, #tpu.memory_space<vmem>>[vector<16xi32>], vector<16xf32>,
      %swap3A_464 = arith.constant 0 : i32
      %swap3A_465 = arith.index_cast %swap3A_464 : i32 to index
      %swap3A_466 = arith.constant 8080 : index
      %swap3A_467 = tpu.vector_load %arg11[%swap3A_465, %swap3A_466] {strides = array<i32>} : memref<2x8192xi32, #tpu.memory_space<vmem>>, vector<16xi32>,
      tpu.vector_store %arg11[%swap3A_465, %swap3A_466], %scan3A_459#1 {strides = array<i32>} : memref<2x8192xi32, #tpu.memory_space<vmem>>, vector<16xi32>,
      tpu.vector_store_idx %arg12[%scan3A_459#1], %scan3A_459#9 {add = true} : memref<64896xf32, #tpu.memory_space<vmem>>[vector<16xi32>], vector<16xf32>,
      %swap3A_468 = arith.constant 0 : i32
      %swap3A_469 = arith.index_cast %swap3A_468 : i32 to index
      %swap3A_470 = arith.constant 8096 : index
      %swap3A_471 = tpu.vector_load %arg11[%swap3A_469, %swap3A_470] {strides = array<i32>} : memref<2x8192xi32, #tpu.memory_space<vmem>>, vector<16xi32>,
      tpu.vector_store %arg11[%swap3A_469, %swap3A_470], %scan3A_459#2 {strides = array<i32>} : memref<2x8192xi32, #tpu.memory_space<vmem>>, vector<16xi32>,
      tpu.vector_store_idx %arg12[%scan3A_459#2], %scan3A_459#10 {add = true} : memref<64896xf32, #tpu.memory_space<vmem>>[vector<16xi32>], vector<16xf32>,
      %swap3A_472 = arith.constant 0 : i32
      %swap3A_473 = arith.index_cast %swap3A_472 : i32 to index
      %swap3A_474 = arith.constant 8112 : index
      %swap3A_475 = tpu.vector_load %arg11[%swap3A_473, %swap3A_474] {strides = array<i32>} : memref<2x8192xi32, #tpu.memory_space<vmem>>, vector<16xi32>,
      tpu.vector_store %arg11[%swap3A_473, %swap3A_474], %scan3A_459#3 {strides = array<i32>} : memref<2x8192xi32, #tpu.memory_space<vmem>>, vector<16xi32>,
      tpu.vector_store_idx %arg12[%scan3A_459#3], %scan3A_459#11 {add = true} : memref<64896xf32, #tpu.memory_space<vmem>>[vector<16xi32>], vector<16xf32>,
      %swap3A_476 = arith.constant 0 : i32
      %swap3A_477 = arith.index_cast %swap3A_476 : i32 to index
      %swap3A_478 = arith.constant 8128 : index
      %swap3A_479 = tpu.vector_load %arg11[%swap3A_477, %swap3A_478] {strides = array<i32>} : memref<2x8192xi32, #tpu.memory_space<vmem>>, vector<16xi32>,
      tpu.vector_store %arg11[%swap3A_477, %swap3A_478], %scan3A_459#4 {strides = array<i32>} : memref<2x8192xi32, #tpu.memory_space<vmem>>, vector<16xi32>,
      tpu.vector_store_idx %arg12[%scan3A_459#4], %scan3A_459#12 {add = true} : memref<64896xf32, #tpu.memory_space<vmem>>[vector<16xi32>], vector<16xf32>,
      %swap3A_480 = arith.constant 0 : i32
      %swap3A_481 = arith.index_cast %swap3A_480 : i32 to index
      %swap3A_482 = arith.constant 8144 : index
      %swap3A_483 = tpu.vector_load %arg11[%swap3A_481, %swap3A_482] {strides = array<i32>} : memref<2x8192xi32, #tpu.memory_space<vmem>>, vector<16xi32>,
      tpu.vector_store %arg11[%swap3A_481, %swap3A_482], %scan3A_459#5 {strides = array<i32>} : memref<2x8192xi32, #tpu.memory_space<vmem>>, vector<16xi32>,
      tpu.vector_store_idx %arg12[%scan3A_459#5], %scan3A_459#13 {add = true} : memref<64896xf32, #tpu.memory_space<vmem>>[vector<16xi32>], vector<16xf32>,
      %swap3A_484 = arith.constant 0 : i32
      %swap3A_485 = arith.index_cast %swap3A_484 : i32 to index
      %swap3A_486 = arith.constant 8160 : index
      %swap3A_487 = tpu.vector_load %arg11[%swap3A_485, %swap3A_486] {strides = array<i32>} : memref<2x8192xi32, #tpu.memory_space<vmem>>, vector<16xi32>,
      tpu.vector_store %arg11[%swap3A_485, %swap3A_486], %scan3A_459#6 {strides = array<i32>} : memref<2x8192xi32, #tpu.memory_space<vmem>>, vector<16xi32>,
      tpu.vector_store_idx %arg12[%scan3A_459#6], %scan3A_459#14 {add = true} : memref<64896xf32, #tpu.memory_space<vmem>>[vector<16xi32>], vector<16xf32>,
      %swap3A_488 = arith.constant 0 : i32
      %swap3A_489 = arith.index_cast %swap3A_488 : i32 to index
      %swap3A_490 = arith.constant 8176 : index
      %swap3A_491 = tpu.vector_load %arg11[%swap3A_489, %swap3A_490] {strides = array<i32>} : memref<2x8192xi32, #tpu.memory_space<vmem>>, vector<16xi32>,
      tpu.vector_store %arg11[%swap3A_489, %swap3A_490], %scan3A_459#7 {strides = array<i32>} : memref<2x8192xi32, #tpu.memory_space<vmem>>, vector<16xi32>,
      tpu.vector_store_idx %arg12[%scan3A_459#7], %scan3A_459#15 {add = true} : memref<64896xf32, #tpu.memory_space<vmem>>[vector<16xi32>], vector<16xf32>,
      %add3A_492 = arith.constant 2 : i32
      %add3A_493 = arith.addi %add3A_184, %add3A_492 : i32
      %lt3A_494 = arith.constant 32 : i32
      %lt3A_495 = arith.cmpi slt, %add3A_493, %lt3A_494 : i32
      %convert_element_type3A_496 = arith.extui %lt3A_495 : i1 to i32
      %cond3A = arith.constant 0 : i32
      %cond3A_497 = arith.cmpi ne, %convert_element_type3A_496, %cond3A : i32
      scf.if %cond3A_497 {
        %add3A_854 = arith.constant 2 : i32
        %add3A_855 = arith.addi %add3A_184, %add3A_854 : i32
        %mul3A_856 = arith.constant 8192 : i32
        %mul3A_857 = arith.muli %add3A_855, %mul3A_856 : i32
        %add3A_858 = arith.addi %mul3A_32, %mul3A_857 : i32
        %dma_start3A_859 = arith.constant 0 : i32
        %dma_start3A_860 = arith.constant 0 : i32
        %dma_start3A_861 = tpu.memref_slice %arg8[%dma_start3A_859, %dma_start3A_860] : memref<2x8192xf32, #tpu.memory_space<vmem>> -> memref<1x8192xf32, #tpu.memory_space<vmem>>
        %dma_start3A_862 = tpu.memref_squeeze %dma_start3A_861 : memref<1x8192xf32, #tpu.memory_space<vmem>> -> memref<8192xf32, #tpu.memory_space<vmem>>
        %dma_start3A_863 = tpu.memref_slice %arg2[%select_n3A, %add3A_858] : memref<16x524288xf32, #tpu.memory_space<hbm>> -> memref<1x8192xf32, #tpu.memory_space<hbm>>
        %dma_start3A_864 = tpu.memref_squeeze %dma_start3A_863 : memref<1x8192xf32, #tpu.memory_space<hbm>> -> memref<8192xf32, #tpu.memory_space<hbm>>
        %dma_start3A_865 = arith.constant 0 : i32
        %dma_start3A_866 = tpu.memref_slice %arg8[%dma_start3A_859, %dma_start3A_865] : memref<2x8192xf32, #tpu.memory_space<vmem>> -> memref<1x8192xf32, #tpu.memory_space<vmem>>
        %dma_start3A_867 = tpu.memref_squeeze %dma_start3A_866 : memref<1x8192xf32, #tpu.memory_space<vmem>> -> memref<8192xf32, #tpu.memory_space<vmem>>
        %dma_start3A_868 = tpu.memref_slice %arg2[%select_n3A, %add3A_858] : memref<16x524288xf32, #tpu.memory_space<hbm>> -> memref<1x8192xf32, #tpu.memory_space<hbm>>
        %dma_start3A_869 = tpu.memref_squeeze %dma_start3A_868 : memref<1x8192xf32, #tpu.memory_space<hbm>> -> memref<8192xf32, #tpu.memory_space<hbm>>
        tpu.enqueue_dma source(%dma_start3A_869 : memref<8192xf32, #tpu.memory_space<hbm>>) target(%dma_start3A_867 : memref<8192xf32, #tpu.memory_space<vmem>>) target_semaphore(%arg13 : memref<!tpu.dma_semaphore, #tpu.memory_space<semaphore_mem>>)
        %dma_start3A_870 = arith.constant 0 : i32
        %dma_start3A_871 = arith.constant 0 : i32
        %dma_start3A_872 = tpu.memref_slice %arg9[%dma_start3A_870, %dma_start3A_871] : memref<2x8192xf32, #tpu.memory_space<vmem>> -> memref<1x8192xf32, #tpu.memory_space<vmem>>
        %dma_start3A_873 = tpu.memref_squeeze %dma_start3A_872 : memref<1x8192xf32, #tpu.memory_space<vmem>> -> memref<8192xf32, #tpu.memory_space<vmem>>
        %dma_start3A_874 = tpu.memref_slice %arg3[%select_n3A, %add3A_858] : memref<16x524288xf32, #tpu.memory_space<hbm>> -> memref<1x8192xf32, #tpu.memory_space<hbm>>
        %dma_start3A_875 = tpu.memref_squeeze %dma_start3A_874 : memref<1x8192xf32, #tpu.memory_space<hbm>> -> memref<8192xf32, #tpu.memory_space<hbm>>
        %dma_start3A_876 = arith.constant 0 : i32
        %dma_start3A_877 = tpu.memref_slice %arg9[%dma_start3A_870, %dma_start3A_876] : memref<2x8192xf32, #tpu.memory_space<vmem>> -> memref<1x8192xf32, #tpu.memory_space<vmem>>
        %dma_start3A_878 = tpu.memref_squeeze %dma_start3A_877 : memref<1x8192xf32, #tpu.memory_space<vmem>> -> memref<8192xf32, #tpu.memory_space<vmem>>
        %dma_start3A_879 = tpu.memref_slice %arg3[%select_n3A, %add3A_858] : memref<16x524288xf32, #tpu.memory_space<hbm>> -> memref<1x8192xf32, #tpu.memory_space<hbm>>
        %dma_start3A_880 = tpu.memref_squeeze %dma_start3A_879 : memref<1x8192xf32, #tpu.memory_space<hbm>> -> memref<8192xf32, #tpu.memory_space<hbm>>
        tpu.enqueue_dma source(%dma_start3A_880 : memref<8192xf32, #tpu.memory_space<hbm>>) target(%dma_start3A_878 : memref<8192xf32, #tpu.memory_space<vmem>>) target_semaphore(%arg13 : memref<!tpu.dma_semaphore, #tpu.memory_space<semaphore_mem>>)
        %dma_start3A_881 = arith.constant 0 : i32
        %dma_start3A_882 = arith.constant 0 : i32
        %dma_start3A_883 = tpu.memref_slice %arg10[%dma_start3A_881, %dma_start3A_882] : memref<2x8192xf32, #tpu.memory_space<vmem>> -> memref<1x8192xf32, #tpu.memory_space<vmem>>
        %dma_start3A_884 = tpu.memref_squeeze %dma_start3A_883 : memref<1x8192xf32, #tpu.memory_space<vmem>> -> memref<8192xf32, #tpu.memory_space<vmem>>
        %dma_start3A_885 = tpu.memref_slice %arg4[%select_n3A, %add3A_858] : memref<16x524288xf32, #tpu.memory_space<hbm>> -> memref<1x8192xf32, #tpu.memory_space<hbm>>
        %dma_start3A_886 = tpu.memref_squeeze %dma_start3A_885 : memref<1x8192xf32, #tpu.memory_space<hbm>> -> memref<8192xf32, #tpu.memory_space<hbm>>
        %dma_start3A_887 = arith.constant 0 : i32
        %dma_start3A_888 = tpu.memref_slice %arg10[%dma_start3A_881, %dma_start3A_887] : memref<2x8192xf32, #tpu.memory_space<vmem>> -> memref<1x8192xf32, #tpu.memory_space<vmem>>
        %dma_start3A_889 = tpu.memref_squeeze %dma_start3A_888 : memref<1x8192xf32, #tpu.memory_space<vmem>> -> memref<8192xf32, #tpu.memory_space<vmem>>
        %dma_start3A_890 = tpu.memref_slice %arg4[%select_n3A, %add3A_858] : memref<16x524288xf32, #tpu.memory_space<hbm>> -> memref<1x8192xf32, #tpu.memory_space<hbm>>
        %dma_start3A_891 = tpu.memref_squeeze %dma_start3A_890 : memref<1x8192xf32, #tpu.memory_space<hbm>> -> memref<8192xf32, #tpu.memory_space<hbm>>
        tpu.enqueue_dma source(%dma_start3A_891 : memref<8192xf32, #tpu.memory_space<hbm>>) target(%dma_start3A_889 : memref<8192xf32, #tpu.memory_space<vmem>>) target_semaphore(%arg13 : memref<!tpu.dma_semaphore, #tpu.memory_space<semaphore_mem>>)
      } else {
      }
      %ge3A = arith.constant 2 : i32
      %ge3A_498 = arith.cmpi sge, %add3A_184, %ge3A : i32
      %convert_element_type3A_499 = arith.extui %ge3A_498 : i1 to i32
      %cond3A_500 = arith.constant 0 : i32
      %cond3A_501 = arith.cmpi ne, %convert_element_type3A_499, %cond3A_500 : i32
      scf.if %cond3A_501 {
        %dma_wait3A_854 = arith.constant 0 : i32
        %dma_wait3A_855 = arith.constant 0 : i32
        %dma_wait3A_856 = tpu.memref_slice %arg11[%dma_wait3A_854, %dma_wait3A_855] : memref<2x8192xi32, #tpu.memory_space<vmem>> -> memref<1x8192xi32, #tpu.memory_space<vmem>>
        %dma_wait3A_857 = tpu.memref_squeeze %dma_wait3A_856 : memref<1x8192xi32, #tpu.memory_space<vmem>> -> memref<8192xi32, #tpu.memory_space<vmem>>
        %dma_wait3A_858 = tpu.memref_slice %arg7[%mul3A_39] : memref<8388608xi32, #tpu.memory_space<hbm>> -> memref<8192xi32, #tpu.memory_space<hbm>>
        %dma_wait3A_859 = tpu.memref_slice %arg7[%mul3A_39] : memref<8388608xi32, #tpu.memory_space<hbm>> -> memref<8192xi32, #tpu.memory_space<hbm>>
        %dma_wait3A_860 = arith.constant 0 : i32
        %dma_wait3A_861 = tpu.memref_slice %arg11[%dma_wait3A_854, %dma_wait3A_860] : memref<2x8192xi32, #tpu.memory_space<vmem>> -> memref<1x8192xi32, #tpu.memory_space<vmem>>
        %dma_wait3A_862 = tpu.memref_squeeze %dma_wait3A_861 : memref<1x8192xi32, #tpu.memory_space<vmem>> -> memref<8192xi32, #tpu.memory_space<vmem>>
        tpu.wait_dma2 semaphore(%arg15 : memref<!tpu.dma_semaphore, #tpu.memory_space<semaphore_mem>>) src(%dma_wait3A_862 : memref<8192xi32, #tpu.memory_space<vmem>>) dst(%dma_wait3A_859 : memref<8192xi32, #tpu.memory_space<hbm>>)
      } else {
      }
      %mul3A_502 = arith.constant 8192 : i32
      %mul3A_503 = arith.muli %add3A_184, %mul3A_502 : i32
      %add3A_504 = arith.addi %mul3A_39, %mul3A_503 : i32
      %dma_start3A_505 = arith.constant 0 : i32
      %dma_start3A_506 = arith.constant 0 : i32
      %dma_start3A_507 = tpu.memref_slice %arg11[%dma_start3A_505, %dma_start3A_506] : memref<2x8192xi32, #tpu.memory_space<vmem>> -> memref<1x8192xi32, #tpu.memory_space<vmem>>
      %dma_start3A_508 = tpu.memref_squeeze %dma_start3A_507 : memref<1x8192xi32, #tpu.memory_space<vmem>> -> memref<8192xi32, #tpu.memory_space<vmem>>
      %dma_start3A_509 = tpu.memref_slice %arg7[%add3A_504] : memref<8388608xi32, #tpu.memory_space<hbm>> -> memref<8192xi32, #tpu.memory_space<hbm>>
      %dma_start3A_510 = tpu.memref_slice %arg7[%add3A_504] : memref<8388608xi32, #tpu.memory_space<hbm>> -> memref<8192xi32, #tpu.memory_space<hbm>>
      %dma_start3A_511 = arith.constant 0 : i32
      %dma_start3A_512 = tpu.memref_slice %arg11[%dma_start3A_505, %dma_start3A_511] : memref<2x8192xi32, #tpu.memory_space<vmem>> -> memref<1x8192xi32, #tpu.memory_space<vmem>>
      %dma_start3A_513 = tpu.memref_squeeze %dma_start3A_512 : memref<1x8192xi32, #tpu.memory_space<vmem>> -> memref<8192xi32, #tpu.memory_space<vmem>>
      tpu.enqueue_dma source(%dma_start3A_513 : memref<8192xi32, #tpu.memory_space<vmem>>) target(%dma_start3A_510 : memref<8192xi32, #tpu.memory_space<hbm>>) target_semaphore(%arg15 : memref<!tpu.dma_semaphore, #tpu.memory_space<semaphore_mem>>)
      %mul3A_514 = arith.constant 2 : i32
      %mul3A_515 = arith.muli %mul3A_514, %scan3A_179 : i32
      %add3A_516 = arith.constant 1 : i32
      %add3A_517 = arith.addi %mul3A_515, %add3A_516 : i32
      %dma_wait3A_518 = arith.constant 1 : i32
      %dma_wait3A_519 = arith.constant 0 : i32
      %dma_wait3A_520 = tpu.memref_slice %arg8[%dma_wait3A_518, %dma_wait3A_519] : memref<2x8192xf32, #tpu.memory_space<vmem>> -> memref<1x8192xf32, #tpu.memory_space<vmem>>
      %dma_wait3A_521 = tpu.memref_squeeze %dma_wait3A_520 : memref<1x8192xf32, #tpu.memory_space<vmem>> -> memref<8192xf32, #tpu.memory_space<vmem>>
      %dma_wait3A_522 = tpu.memref_slice %arg2[%select_n3A, %mul3A_32] : memref<16x524288xf32, #tpu.memory_space<hbm>> -> memref<1x8192xf32, #tpu.memory_space<hbm>>
      %dma_wait3A_523 = tpu.memref_squeeze %dma_wait3A_522 : memref<1x8192xf32, #tpu.memory_space<hbm>> -> memref<8192xf32, #tpu.memory_space<hbm>>
      %dma_wait3A_524 = arith.constant 0 : i32
      %dma_wait3A_525 = tpu.memref_slice %arg8[%dma_wait3A_518, %dma_wait3A_524] : memref<2x8192xf32, #tpu.memory_space<vmem>> -> memref<1x8192xf32, #tpu.memory_space<vmem>>
      %dma_wait3A_526 = tpu.memref_squeeze %dma_wait3A_525 : memref<1x8192xf32, #tpu.memory_space<vmem>> -> memref<8192xf32, #tpu.memory_space<vmem>>
      %dma_wait3A_527 = tpu.memref_slice %arg2[%select_n3A, %mul3A_32] : memref<16x524288xf32, #tpu.memory_space<hbm>> -> memref<1x8192xf32, #tpu.memory_space<hbm>>
      %dma_wait3A_528 = tpu.memref_squeeze %dma_wait3A_527 : memref<1x8192xf32, #tpu.memory_space<hbm>> -> memref<8192xf32, #tpu.memory_space<hbm>>
      tpu.wait_dma2 semaphore(%arg14 : memref<!tpu.dma_semaphore, #tpu.memory_space<semaphore_mem>>) src(%dma_wait3A_528 : memref<8192xf32, #tpu.memory_space<hbm>>) dst(%dma_wait3A_526 : memref<8192xf32, #tpu.memory_space<vmem>>)
      %dma_wait3A_529 = arith.constant 1 : i32
      %dma_wait3A_530 = arith.constant 0 : i32
      %dma_wait3A_531 = tpu.memref_slice %arg9[%dma_wait3A_529, %dma_wait3A_530] : memref<2x8192xf32, #tpu.memory_space<vmem>> -> memref<1x8192xf32, #tpu.memory_space<vmem>>
      %dma_wait3A_532 = tpu.memref_squeeze %dma_wait3A_531 : memref<1x8192xf32, #tpu.memory_space<vmem>> -> memref<8192xf32, #tpu.memory_space<vmem>>
      %dma_wait3A_533 = tpu.memref_slice %arg3[%select_n3A, %mul3A_32] : memref<16x524288xf32, #tpu.memory_space<hbm>> -> memref<1x8192xf32, #tpu.memory_space<hbm>>
      %dma_wait3A_534 = tpu.memref_squeeze %dma_wait3A_533 : memref<1x8192xf32, #tpu.memory_space<hbm>> -> memref<8192xf32, #tpu.memory_space<hbm>>
      %dma_wait3A_535 = arith.constant 0 : i32
      %dma_wait3A_536 = tpu.memref_slice %arg9[%dma_wait3A_529, %dma_wait3A_535] : memref<2x8192xf32, #tpu.memory_space<vmem>> -> memref<1x8192xf32, #tpu.memory_space<vmem>>
      %dma_wait3A_537 = tpu.memref_squeeze %dma_wait3A_536 : memref<1x8192xf32, #tpu.memory_space<vmem>> -> memref<8192xf32, #tpu.memory_space<vmem>>
      %dma_wait3A_538 = tpu.memref_slice %arg3[%select_n3A, %mul3A_32] : memref<16x524288xf32, #tpu.memory_space<hbm>> -> memref<1x8192xf32, #tpu.memory_space<hbm>>
      %dma_wait3A_539 = tpu.memref_squeeze %dma_wait3A_538 : memref<1x8192xf32, #tpu.memory_space<hbm>> -> memref<8192xf32, #tpu.memory_space<hbm>>
      tpu.wait_dma2 semaphore(%arg14 : memref<!tpu.dma_semaphore, #tpu.memory_space<semaphore_mem>>) src(%dma_wait3A_539 : memref<8192xf32, #tpu.memory_space<hbm>>) dst(%dma_wait3A_537 : memref<8192xf32, #tpu.memory_space<vmem>>)
      %dma_wait3A_540 = arith.constant 1 : i32
      %dma_wait3A_541 = arith.constant 0 : i32
      %dma_wait3A_542 = tpu.memref_slice %arg10[%dma_wait3A_540, %dma_wait3A_541] : memref<2x8192xf32, #tpu.memory_space<vmem>> -> memref<1x8192xf32, #tpu.memory_space<vmem>>
      %dma_wait3A_543 = tpu.memref_squeeze %dma_wait3A_542 : memref<1x8192xf32, #tpu.memory_space<vmem>> -> memref<8192xf32, #tpu.memory_space<vmem>>
      %dma_wait3A_544 = tpu.memref_slice %arg4[%select_n3A, %mul3A_32] : memref<16x524288xf32, #tpu.memory_space<hbm>> -> memref<1x8192xf32, #tpu.memory_space<hbm>>
      %dma_wait3A_545 = tpu.memref_squeeze %dma_wait3A_544 : memref<1x8192xf32, #tpu.memory_space<hbm>> -> memref<8192xf32, #tpu.memory_space<hbm>>
      %dma_wait3A_546 = arith.constant 0 : i32
      %dma_wait3A_547 = tpu.memref_slice %arg10[%dma_wait3A_540, %dma_wait3A_546] : memref<2x8192xf32, #tpu.memory_space<vmem>> -> memref<1x8192xf32, #tpu.memory_space<vmem>>
      %dma_wait3A_548 = tpu.memref_squeeze %dma_wait3A_547 : memref<1x8192xf32, #tpu.memory_space<vmem>> -> memref<8192xf32, #tpu.memory_space<vmem>>
      %dma_wait3A_549 = tpu.memref_slice %arg4[%select_n3A, %mul3A_32] : memref<16x524288xf32, #tpu.memory_space<hbm>> -> memref<1x8192xf32, #tpu.memory_space<hbm>>
      %dma_wait3A_550 = tpu.memref_squeeze %dma_wait3A_549 : memref<1x8192xf32, #tpu.memory_space<hbm>> -> memref<8192xf32, #tpu.memory_space<hbm>>
      tpu.wait_dma2 semaphore(%arg14 : memref<!tpu.dma_semaphore, #tpu.memory_space<semaphore_mem>>) src(%dma_wait3A_550 : memref<8192xf32, #tpu.memory_space<hbm>>) dst(%dma_wait3A_548 : memref<8192xf32, #tpu.memory_space<vmem>>)
      %get3A_551 = arith.constant 1 : i32
      %get3A_552 = arith.index_cast %get3A_551 : i32 to index
      %get3A_553 = arith.constant 0 : index
      %get3A_554 = tpu.vector_load %arg8[%get3A_552, %get3A_553] {strides = array<i32>} : memref<2x8192xf32, #tpu.memory_space<vmem>>, vector<16xf32>,
      %get3A_555 = arith.constant 1 : i32
      %get3A_556 = arith.index_cast %get3A_555 : i32 to index
      %get3A_557 = arith.constant 0 : index
      %get3A_558 = tpu.vector_load %arg9[%get3A_556, %get3A_557] {strides = array<i32>} : memref<2x8192xf32, #tpu.memory_space<vmem>>, vector<16xf32>,
      %get3A_559 = arith.constant 1 : i32
      %get3A_560 = arith.index_cast %get3A_559 : i32 to index
      %get3A_561 = arith.constant 0 : index
      %get3A_562 = tpu.vector_load %arg10[%get3A_560, %get3A_561] {strides = array<i32>} : memref<2x8192xf32, #tpu.memory_space<vmem>>, vector<16xf32>,
      %mul3A_563 = arith.constant 57.2957802 : f32
      %mul3A_564 = vector.broadcast %mul3A_563 : f32 to vector<16xf32>
      %mul3A_565 = arith.mulf %get3A_554, %mul3A_564 : vector<16xf32>
      %convert_element_type3A_566 = arith.fptosi %mul3A_565 : vector<16xf32> to vector<16xi32>
      %min3A_567 = arith.constant 179 : i32
      %min3A_568 = vector.broadcast %min3A_567 : i32 to vector<16xi32>
      %min3A_569 = arith.minsi %convert_element_type3A_566, %min3A_568 : vector<16xi32>
      %mul3A_570 = arith.constant 57.2957802 : f32
      %mul3A_571 = vector.broadcast %mul3A_570 : f32 to vector<16xf32>
      %mul3A_572 = arith.mulf %get3A_558, %mul3A_571 : vector<16xf32>
      %convert_element_type3A_573 = arith.fptosi %mul3A_572 : vector<16xf32> to vector<16xi32>
      %min3A_574 = arith.constant 359 : i32
      %min3A_575 = vector.broadcast %min3A_574 : i32 to vector<16xi32>
      %min3A_576 = arith.minsi %convert_element_type3A_573, %min3A_575 : vector<16xi32>
      %mul3A_577 = arith.constant 360 : i32
      %mul3A_578 = vector.broadcast %mul3A_577 : i32 to vector<16xi32>
      %mul3A_579 = arith.muli %min3A_569, %mul3A_578 : vector<16xi32>
      %add3A_580 = arith.addi %mul3A_579, %min3A_576 : vector<16xi32>
      %get3A_581 = arith.constant 1 : i32
      %get3A_582 = arith.index_cast %get3A_581 : i32 to index
      %get3A_583 = arith.constant 16 : index
      %get3A_584 = tpu.vector_load %arg8[%get3A_582, %get3A_583] {strides = array<i32>} : memref<2x8192xf32, #tpu.memory_space<vmem>>, vector<16xf32>,
      %get3A_585 = arith.constant 1 : i32
      %get3A_586 = arith.index_cast %get3A_585 : i32 to index
      %get3A_587 = arith.constant 16 : index
      %get3A_588 = tpu.vector_load %arg9[%get3A_586, %get3A_587] {strides = array<i32>} : memref<2x8192xf32, #tpu.memory_space<vmem>>, vector<16xf32>,
      %get3A_589 = arith.constant 1 : i32
      %get3A_590 = arith.index_cast %get3A_589 : i32 to index
      %get3A_591 = arith.constant 16 : index
      %get3A_592 = tpu.vector_load %arg10[%get3A_590, %get3A_591] {strides = array<i32>} : memref<2x8192xf32, #tpu.memory_space<vmem>>, vector<16xf32>,
      %mul3A_593 = arith.constant 57.2957802 : f32
      %mul3A_594 = vector.broadcast %mul3A_593 : f32 to vector<16xf32>
      %mul3A_595 = arith.mulf %get3A_584, %mul3A_594 : vector<16xf32>
      %convert_element_type3A_596 = arith.fptosi %mul3A_595 : vector<16xf32> to vector<16xi32>
      %min3A_597 = arith.constant 179 : i32
      %min3A_598 = vector.broadcast %min3A_597 : i32 to vector<16xi32>
      %min3A_599 = arith.minsi %convert_element_type3A_596, %min3A_598 : vector<16xi32>
      %mul3A_600 = arith.constant 57.2957802 : f32
      %mul3A_601 = vector.broadcast %mul3A_600 : f32 to vector<16xf32>
      %mul3A_602 = arith.mulf %get3A_588, %mul3A_601 : vector<16xf32>
      %convert_element_type3A_603 = arith.fptosi %mul3A_602 : vector<16xf32> to vector<16xi32>
      %min3A_604 = arith.constant 359 : i32
      %min3A_605 = vector.broadcast %min3A_604 : i32 to vector<16xi32>
      %min3A_606 = arith.minsi %convert_element_type3A_603, %min3A_605 : vector<16xi32>
      %mul3A_607 = arith.constant 360 : i32
      %mul3A_608 = vector.broadcast %mul3A_607 : i32 to vector<16xi32>
      %mul3A_609 = arith.muli %min3A_599, %mul3A_608 : vector<16xi32>
      %add3A_610 = arith.addi %mul3A_609, %min3A_606 : vector<16xi32>
      %get3A_611 = arith.constant 1 : i32
      %get3A_612 = arith.index_cast %get3A_611 : i32 to index
      %get3A_613 = arith.constant 32 : index
      %get3A_614 = tpu.vector_load %arg8[%get3A_612, %get3A_613] {strides = array<i32>} : memref<2x8192xf32, #tpu.memory_space<vmem>>, vector<16xf32>,
      %get3A_615 = arith.constant 1 : i32
      %get3A_616 = arith.index_cast %get3A_615 : i32 to index
      %get3A_617 = arith.constant 32 : index
      %get3A_618 = tpu.vector_load %arg9[%get3A_616, %get3A_617] {strides = array<i32>} : memref<2x8192xf32, #tpu.memory_space<vmem>>, vector<16xf32>,
      %get3A_619 = arith.constant 1 : i32
      %get3A_620 = arith.index_cast %get3A_619 : i32 to index
      %get3A_621 = arith.constant 32 : index
      %get3A_622 = tpu.vector_load %arg10[%get3A_620, %get3A_621] {strides = array<i32>} : memref<2x8192xf32, #tpu.memory_space<vmem>>, vector<16xf32>,
      %mul3A_623 = arith.constant 57.2957802 : f32
      %mul3A_624 = vector.broadcast %mul3A_623 : f32 to vector<16xf32>
      %mul3A_625 = arith.mulf %get3A_614, %mul3A_624 : vector<16xf32>
      %convert_element_type3A_626 = arith.fptosi %mul3A_625 : vector<16xf32> to vector<16xi32>
      %min3A_627 = arith.constant 179 : i32
      %min3A_628 = vector.broadcast %min3A_627 : i32 to vector<16xi32>
      %min3A_629 = arith.minsi %convert_element_type3A_626, %min3A_628 : vector<16xi32>
      %mul3A_630 = arith.constant 57.2957802 : f32
      %mul3A_631 = vector.broadcast %mul3A_630 : f32 to vector<16xf32>
      %mul3A_632 = arith.mulf %get3A_618, %mul3A_631 : vector<16xf32>
      %convert_element_type3A_633 = arith.fptosi %mul3A_632 : vector<16xf32> to vector<16xi32>
      %min3A_634 = arith.constant 359 : i32
      %min3A_635 = vector.broadcast %min3A_634 : i32 to vector<16xi32>
      %min3A_636 = arith.minsi %convert_element_type3A_633, %min3A_635 : vector<16xi32>
      %mul3A_637 = arith.constant 360 : i32
      %mul3A_638 = vector.broadcast %mul3A_637 : i32 to vector<16xi32>
      %mul3A_639 = arith.muli %min3A_629, %mul3A_638 : vector<16xi32>
      %add3A_640 = arith.addi %mul3A_639, %min3A_636 : vector<16xi32>
      %get3A_641 = arith.constant 1 : i32
      %get3A_642 = arith.index_cast %get3A_641 : i32 to index
      %get3A_643 = arith.constant 48 : index
      %get3A_644 = tpu.vector_load %arg8[%get3A_642, %get3A_643] {strides = array<i32>} : memref<2x8192xf32, #tpu.memory_space<vmem>>, vector<16xf32>,
      %get3A_645 = arith.constant 1 : i32
      %get3A_646 = arith.index_cast %get3A_645 : i32 to index
      %get3A_647 = arith.constant 48 : index
      %get3A_648 = tpu.vector_load %arg9[%get3A_646, %get3A_647] {strides = array<i32>} : memref<2x8192xf32, #tpu.memory_space<vmem>>, vector<16xf32>,
      %get3A_649 = arith.constant 1 : i32
      %get3A_650 = arith.index_cast %get3A_649 : i32 to index
      %get3A_651 = arith.constant 48 : index
      %get3A_652 = tpu.vector_load %arg10[%get3A_650, %get3A_651] {strides = array<i32>} : memref<2x8192xf32, #tpu.memory_space<vmem>>, vector<16xf32>,
      %mul3A_653 = arith.constant 57.2957802 : f32
      %mul3A_654 = vector.broadcast %mul3A_653 : f32 to vector<16xf32>
      %mul3A_655 = arith.mulf %get3A_644, %mul3A_654 : vector<16xf32>
      %convert_element_type3A_656 = arith.fptosi %mul3A_655 : vector<16xf32> to vector<16xi32>
      %min3A_657 = arith.constant 179 : i32
      %min3A_658 = vector.broadcast %min3A_657 : i32 to vector<16xi32>
      %min3A_659 = arith.minsi %convert_element_type3A_656, %min3A_658 : vector<16xi32>
      %mul3A_660 = arith.constant 57.2957802 : f32
      %mul3A_661 = vector.broadcast %mul3A_660 : f32 to vector<16xf32>
      %mul3A_662 = arith.mulf %get3A_648, %mul3A_661 : vector<16xf32>
      %convert_element_type3A_663 = arith.fptosi %mul3A_662 : vector<16xf32> to vector<16xi32>
      %min3A_664 = arith.constant 359 : i32
      %min3A_665 = vector.broadcast %min3A_664 : i32 to vector<16xi32>
      %min3A_666 = arith.minsi %convert_element_type3A_663, %min3A_665 : vector<16xi32>
      %mul3A_667 = arith.constant 360 : i32
      %mul3A_668 = vector.broadcast %mul3A_667 : i32 to vector<16xi32>
      %mul3A_669 = arith.muli %min3A_659, %mul3A_668 : vector<16xi32>
      %add3A_670 = arith.addi %mul3A_669, %min3A_666 : vector<16xi32>
      %get3A_671 = arith.constant 1 : i32
      %get3A_672 = arith.index_cast %get3A_671 : i32 to index
      %get3A_673 = arith.constant 64 : index
      %get3A_674 = tpu.vector_load %arg8[%get3A_672, %get3A_673] {strides = array<i32>} : memref<2x8192xf32, #tpu.memory_space<vmem>>, vector<16xf32>,
      %get3A_675 = arith.constant 1 : i32
      %get3A_676 = arith.index_cast %get3A_675 : i32 to index
      %get3A_677 = arith.constant 64 : index
      %get3A_678 = tpu.vector_load %arg9[%get3A_676, %get3A_677] {strides = array<i32>} : memref<2x8192xf32, #tpu.memory_space<vmem>>, vector<16xf32>,
      %get3A_679 = arith.constant 1 : i32
      %get3A_680 = arith.index_cast %get3A_679 : i32 to index
      %get3A_681 = arith.constant 64 : index
      %get3A_682 = tpu.vector_load %arg10[%get3A_680, %get3A_681] {strides = array<i32>} : memref<2x8192xf32, #tpu.memory_space<vmem>>, vector<16xf32>,
      %mul3A_683 = arith.constant 57.2957802 : f32
      %mul3A_684 = vector.broadcast %mul3A_683 : f32 to vector<16xf32>
      %mul3A_685 = arith.mulf %get3A_674, %mul3A_684 : vector<16xf32>
      %convert_element_type3A_686 = arith.fptosi %mul3A_685 : vector<16xf32> to vector<16xi32>
      %min3A_687 = arith.constant 179 : i32
      %min3A_688 = vector.broadcast %min3A_687 : i32 to vector<16xi32>
      %min3A_689 = arith.minsi %convert_element_type3A_686, %min3A_688 : vector<16xi32>
      %mul3A_690 = arith.constant 57.2957802 : f32
      %mul3A_691 = vector.broadcast %mul3A_690 : f32 to vector<16xf32>
      %mul3A_692 = arith.mulf %get3A_678, %mul3A_691 : vector<16xf32>
      %convert_element_type3A_693 = arith.fptosi %mul3A_692 : vector<16xf32> to vector<16xi32>
      %min3A_694 = arith.constant 359 : i32
      %min3A_695 = vector.broadcast %min3A_694 : i32 to vector<16xi32>
      %min3A_696 = arith.minsi %convert_element_type3A_693, %min3A_695 : vector<16xi32>
      %mul3A_697 = arith.constant 360 : i32
      %mul3A_698 = vector.broadcast %mul3A_697 : i32 to vector<16xi32>
      %mul3A_699 = arith.muli %min3A_689, %mul3A_698 : vector<16xi32>
      %add3A_700 = arith.addi %mul3A_699, %min3A_696 : vector<16xi32>
      %get3A_701 = arith.constant 1 : i32
      %get3A_702 = arith.index_cast %get3A_701 : i32 to index
      %get3A_703 = arith.constant 80 : index
      %get3A_704 = tpu.vector_load %arg8[%get3A_702, %get3A_703] {strides = array<i32>} : memref<2x8192xf32, #tpu.memory_space<vmem>>, vector<16xf32>,
      %get3A_705 = arith.constant 1 : i32
      %get3A_706 = arith.index_cast %get3A_705 : i32 to index
      %get3A_707 = arith.constant 80 : index
      %get3A_708 = tpu.vector_load %arg9[%get3A_706, %get3A_707] {strides = array<i32>} : memref<2x8192xf32, #tpu.memory_space<vmem>>, vector<16xf32>,
      %get3A_709 = arith.constant 1 : i32
      %get3A_710 = arith.index_cast %get3A_709 : i32 to index
      %get3A_711 = arith.constant 80 : index
      %get3A_712 = tpu.vector_load %arg10[%get3A_710, %get3A_711] {strides = array<i32>} : memref<2x8192xf32, #tpu.memory_space<vmem>>, vector<16xf32>,
      %mul3A_713 = arith.constant 57.2957802 : f32
      %mul3A_714 = vector.broadcast %mul3A_713 : f32 to vector<16xf32>
      %mul3A_715 = arith.mulf %get3A_704, %mul3A_714 : vector<16xf32>
      %convert_element_type3A_716 = arith.fptosi %mul3A_715 : vector<16xf32> to vector<16xi32>
      %min3A_717 = arith.constant 179 : i32
      %min3A_718 = vector.broadcast %min3A_717 : i32 to vector<16xi32>
      %min3A_719 = arith.minsi %convert_element_type3A_716, %min3A_718 : vector<16xi32>
      %mul3A_720 = arith.constant 57.2957802 : f32
      %mul3A_721 = vector.broadcast %mul3A_720 : f32 to vector<16xf32>
      %mul3A_722 = arith.mulf %get3A_708, %mul3A_721 : vector<16xf32>
      %convert_element_type3A_723 = arith.fptosi %mul3A_722 : vector<16xf32> to vector<16xi32>
      %min3A_724 = arith.constant 359 : i32
      %min3A_725 = vector.broadcast %min3A_724 : i32 to vector<16xi32>
      %min3A_726 = arith.minsi %convert_element_type3A_723, %min3A_725 : vector<16xi32>
      %mul3A_727 = arith.constant 360 : i32
      %mul3A_728 = vector.broadcast %mul3A_727 : i32 to vector<16xi32>
      %mul3A_729 = arith.muli %min3A_719, %mul3A_728 : vector<16xi32>
      %add3A_730 = arith.addi %mul3A_729, %min3A_726 : vector<16xi32>
      %get3A_731 = arith.constant 1 : i32
      %get3A_732 = arith.index_cast %get3A_731 : i32 to index
      %get3A_733 = arith.constant 96 : index
      %get3A_734 = tpu.vector_load %arg8[%get3A_732, %get3A_733] {strides = array<i32>} : memref<2x8192xf32, #tpu.memory_space<vmem>>, vector<16xf32>,
      %get3A_735 = arith.constant 1 : i32
      %get3A_736 = arith.index_cast %get3A_735 : i32 to index
      %get3A_737 = arith.constant 96 : index
      %get3A_738 = tpu.vector_load %arg9[%get3A_736, %get3A_737] {strides = array<i32>} : memref<2x8192xf32, #tpu.memory_space<vmem>>, vector<16xf32>,
      %get3A_739 = arith.constant 1 : i32
      %get3A_740 = arith.index_cast %get3A_739 : i32 to index
      %get3A_741 = arith.constant 96 : index
      %get3A_742 = tpu.vector_load %arg10[%get3A_740, %get3A_741] {strides = array<i32>} : memref<2x8192xf32, #tpu.memory_space<vmem>>, vector<16xf32>,
      %mul3A_743 = arith.constant 57.2957802 : f32
      %mul3A_744 = vector.broadcast %mul3A_743 : f32 to vector<16xf32>
      %mul3A_745 = arith.mulf %get3A_734, %mul3A_744 : vector<16xf32>
      %convert_element_type3A_746 = arith.fptosi %mul3A_745 : vector<16xf32> to vector<16xi32>
      %min3A_747 = arith.constant 179 : i32
      %min3A_748 = vector.broadcast %min3A_747 : i32 to vector<16xi32>
      %min3A_749 = arith.minsi %convert_element_type3A_746, %min3A_748 : vector<16xi32>
      %mul3A_750 = arith.constant 57.2957802 : f32
      %mul3A_751 = vector.broadcast %mul3A_750 : f32 to vector<16xf32>
      %mul3A_752 = arith.mulf %get3A_738, %mul3A_751 : vector<16xf32>
      %convert_element_type3A_753 = arith.fptosi %mul3A_752 : vector<16xf32> to vector<16xi32>
      %min3A_754 = arith.constant 359 : i32
      %min3A_755 = vector.broadcast %min3A_754 : i32 to vector<16xi32>
      %min3A_756 = arith.minsi %convert_element_type3A_753, %min3A_755 : vector<16xi32>
      %mul3A_757 = arith.constant 360 : i32
      %mul3A_758 = vector.broadcast %mul3A_757 : i32 to vector<16xi32>
      %mul3A_759 = arith.muli %min3A_749, %mul3A_758 : vector<16xi32>
      %add3A_760 = arith.addi %mul3A_759, %min3A_756 : vector<16xi32>
      %get3A_761 = arith.constant 1 : i32
      %get3A_762 = arith.index_cast %get3A_761 : i32 to index
      %get3A_763 = arith.constant 112 : index
      %get3A_764 = tpu.vector_load %arg8[%get3A_762, %get3A_763] {strides = array<i32>} : memref<2x8192xf32, #tpu.memory_space<vmem>>, vector<16xf32>,
      %get3A_765 = arith.constant 1 : i32
      %get3A_766 = arith.index_cast %get3A_765 : i32 to index
      %get3A_767 = arith.constant 112 : index
      %get3A_768 = tpu.vector_load %arg9[%get3A_766, %get3A_767] {strides = array<i32>} : memref<2x8192xf32, #tpu.memory_space<vmem>>, vector<16xf32>,
      %get3A_769 = arith.constant 1 : i32
      %get3A_770 = arith.index_cast %get3A_769 : i32 to index
      %get3A_771 = arith.constant 112 : index
      %get3A_772 = tpu.vector_load %arg10[%get3A_770, %get3A_771] {strides = array<i32>} : memref<2x8192xf32, #tpu.memory_space<vmem>>, vector<16xf32>,
      %mul3A_773 = arith.constant 57.2957802 : f32
      %mul3A_774 = vector.broadcast %mul3A_773 : f32 to vector<16xf32>
      %mul3A_775 = arith.mulf %get3A_764, %mul3A_774 : vector<16xf32>
      %convert_element_type3A_776 = arith.fptosi %mul3A_775 : vector<16xf32> to vector<16xi32>
      %min3A_777 = arith.constant 179 : i32
      %min3A_778 = vector.broadcast %min3A_777 : i32 to vector<16xi32>
      %min3A_779 = arith.minsi %convert_element_type3A_776, %min3A_778 : vector<16xi32>
      %mul3A_780 = arith.constant 57.2957802 : f32
      %mul3A_781 = vector.broadcast %mul3A_780 : f32 to vector<16xf32>
      %mul3A_782 = arith.mulf %get3A_768, %mul3A_781 : vector<16xf32>
      %convert_element_type3A_783 = arith.fptosi %mul3A_782 : vector<16xf32> to vector<16xi32>
      %min3A_784 = arith.constant 359 : i32
      %min3A_785 = vector.broadcast %min3A_784 : i32 to vector<16xi32>
      %min3A_786 = arith.minsi %convert_element_type3A_783, %min3A_785 : vector<16xi32>
      %mul3A_787 = arith.constant 360 : i32
      %mul3A_788 = vector.broadcast %mul3A_787 : i32 to vector<16xi32>
      %mul3A_789 = arith.muli %min3A_779, %mul3A_788 : vector<16xi32>
      %add3A_790 = arith.addi %mul3A_789, %min3A_786 : vector<16xi32>
      %scan3A_791 = arith.constant 1 : i32
      %scan3A_792 = arith.constant 63 : i32
      %scan3A_793 = arith.addi %scan3A_791, %scan3A_792 : i32
      %scan3A_794 = arith.constant 1 : i32
      %scan3A_795:16 = scf.for %scan3A_854 = %scan3A_791 to %scan3A_793 step %scan3A_794 iter_args(%scan3A_855 = %add3A_580, %scan3A_856 = %add3A_610, %scan3A_857 = %add3A_640, %scan3A_858 = %add3A_670, %scan3A_859 = %add3A_700, %scan3A_860 = %add3A_730, %scan3A_861 = %add3A_760, %scan3A_862 = %add3A_790, %scan3A_863 = %get3A_562, %scan3A_864 = %get3A_592, %scan3A_865 = %get3A_622, %scan3A_866 = %get3A_652, %scan3A_867 = %get3A_682, %scan3A_868 = %get3A_712, %scan3A_869 = %get3A_742, %scan3A_870 = %get3A_772) -> (vector<16xi32>, vector<16xi32>, vector<16xi32>, vector<16xi32>, vector<16xi32>, vector<16xi32>, vector<16xi32>, vector<16xi32>, vector<16xf32>, vector<16xf32>, vector<16xf32>, vector<16xf32>, vector<16xf32>, vector<16xf32>, vector<16xf32>, vector<16xf32>)  : i32 {
        %mul3A_871 = arith.constant 128 : i32
        %mul3A_872 = arith.muli %scan3A_854, %mul3A_871 : i32
        %add3A_873 = arith.constant 0 : i32
        %add3A_874 = arith.addi %mul3A_872, %add3A_873 : i32
        %get3A_875 = arith.constant 1 : i32
        %get3A_876 = arith.index_cast %get3A_875 : i32 to index
        %get3A_877 = arith.index_cast %add3A_874 : i32 to index
        %get3A_878 = tpu.vector_load %arg8[%get3A_876, %get3A_877] {strides = array<i32>} : memref<2x8192xf32, #tpu.memory_space<vmem>>, vector<16xf32>,
        %get3A_879 = arith.constant 1 : i32
        %get3A_880 = arith.index_cast %get3A_879 : i32 to index
        %get3A_881 = arith.index_cast %add3A_874 : i32 to index
        %get3A_882 = tpu.vector_load %arg9[%get3A_880, %get3A_881] {strides = array<i32>} : memref<2x8192xf32, #tpu.memory_space<vmem>>, vector<16xf32>,
        %get3A_883 = arith.constant 1 : i32
        %get3A_884 = arith.index_cast %get3A_883 : i32 to index
        %get3A_885 = arith.index_cast %add3A_874 : i32 to index
        %get3A_886 = tpu.vector_load %arg10[%get3A_884, %get3A_885] {strides = array<i32>} : memref<2x8192xf32, #tpu.memory_space<vmem>>, vector<16xf32>,
        %mul3A_887 = arith.constant 57.2957802 : f32
        %mul3A_888 = vector.broadcast %mul3A_887 : f32 to vector<16xf32>
        %mul3A_889 = arith.mulf %get3A_878, %mul3A_888 : vector<16xf32>
        %convert_element_type3A_890 = arith.fptosi %mul3A_889 : vector<16xf32> to vector<16xi32>
        %min3A_891 = arith.constant 179 : i32
        %min3A_892 = vector.broadcast %min3A_891 : i32 to vector<16xi32>
        %min3A_893 = arith.minsi %convert_element_type3A_890, %min3A_892 : vector<16xi32>
        %mul3A_894 = arith.constant 57.2957802 : f32
        %mul3A_895 = vector.broadcast %mul3A_894 : f32 to vector<16xf32>
        %mul3A_896 = arith.mulf %get3A_882, %mul3A_895 : vector<16xf32>
        %convert_element_type3A_897 = arith.fptosi %mul3A_896 : vector<16xf32> to vector<16xi32>
        %min3A_898 = arith.constant 359 : i32
        %min3A_899 = vector.broadcast %min3A_898 : i32 to vector<16xi32>
        %min3A_900 = arith.minsi %convert_element_type3A_897, %min3A_899 : vector<16xi32>
        %mul3A_901 = arith.constant 360 : i32
        %mul3A_902 = vector.broadcast %mul3A_901 : i32 to vector<16xi32>
        %mul3A_903 = arith.muli %min3A_893, %mul3A_902 : vector<16xi32>
        %add3A_904 = arith.addi %mul3A_903, %min3A_900 : vector<16xi32>
        %mul3A_905 = arith.constant 128 : i32
        %mul3A_906 = arith.muli %scan3A_854, %mul3A_905 : i32
        %add3A_907 = arith.constant 16 : i32
        %add3A_908 = arith.addi %mul3A_906, %add3A_907 : i32
        %get3A_909 = arith.constant 1 : i32
        %get3A_910 = arith.index_cast %get3A_909 : i32 to index
        %get3A_911 = arith.index_cast %add3A_908 : i32 to index
        %get3A_912 = tpu.vector_load %arg8[%get3A_910, %get3A_911] {strides = array<i32>} : memref<2x8192xf32, #tpu.memory_space<vmem>>, vector<16xf32>,
        %get3A_913 = arith.constant 1 : i32
        %get3A_914 = arith.index_cast %get3A_913 : i32 to index
        %get3A_915 = arith.index_cast %add3A_908 : i32 to index
        %get3A_916 = tpu.vector_load %arg9[%get3A_914, %get3A_915] {strides = array<i32>} : memref<2x8192xf32, #tpu.memory_space<vmem>>, vector<16xf32>,
        %get3A_917 = arith.constant 1 : i32
        %get3A_918 = arith.index_cast %get3A_917 : i32 to index
        %get3A_919 = arith.index_cast %add3A_908 : i32 to index
        %get3A_920 = tpu.vector_load %arg10[%get3A_918, %get3A_919] {strides = array<i32>} : memref<2x8192xf32, #tpu.memory_space<vmem>>, vector<16xf32>,
        %mul3A_921 = arith.constant 57.2957802 : f32
        %mul3A_922 = vector.broadcast %mul3A_921 : f32 to vector<16xf32>
        %mul3A_923 = arith.mulf %get3A_912, %mul3A_922 : vector<16xf32>
        %convert_element_type3A_924 = arith.fptosi %mul3A_923 : vector<16xf32> to vector<16xi32>
        %min3A_925 = arith.constant 179 : i32
        %min3A_926 = vector.broadcast %min3A_925 : i32 to vector<16xi32>
        %min3A_927 = arith.minsi %convert_element_type3A_924, %min3A_926 : vector<16xi32>
        %mul3A_928 = arith.constant 57.2957802 : f32
        %mul3A_929 = vector.broadcast %mul3A_928 : f32 to vector<16xf32>
        %mul3A_930 = arith.mulf %get3A_916, %mul3A_929 : vector<16xf32>
        %convert_element_type3A_931 = arith.fptosi %mul3A_930 : vector<16xf32> to vector<16xi32>
        %min3A_932 = arith.constant 359 : i32
        %min3A_933 = vector.broadcast %min3A_932 : i32 to vector<16xi32>
        %min3A_934 = arith.minsi %convert_element_type3A_931, %min3A_933 : vector<16xi32>
        %mul3A_935 = arith.constant 360 : i32
        %mul3A_936 = vector.broadcast %mul3A_935 : i32 to vector<16xi32>
        %mul3A_937 = arith.muli %min3A_927, %mul3A_936 : vector<16xi32>
        %add3A_938 = arith.addi %mul3A_937, %min3A_934 : vector<16xi32>
        %mul3A_939 = arith.constant 128 : i32
        %mul3A_940 = arith.muli %scan3A_854, %mul3A_939 : i32
        %add3A_941 = arith.constant 32 : i32
        %add3A_942 = arith.addi %mul3A_940, %add3A_941 : i32
        %get3A_943 = arith.constant 1 : i32
        %get3A_944 = arith.index_cast %get3A_943 : i32 to index
        %get3A_945 = arith.index_cast %add3A_942 : i32 to index
        %get3A_946 = tpu.vector_load %arg8[%get3A_944, %get3A_945] {strides = array<i32>} : memref<2x8192xf32, #tpu.memory_space<vmem>>, vector<16xf32>,
        %get3A_947 = arith.constant 1 : i32
        %get3A_948 = arith.index_cast %get3A_947 : i32 to index
        %get3A_949 = arith.index_cast %add3A_942 : i32 to index
        %get3A_950 = tpu.vector_load %arg9[%get3A_948, %get3A_949] {strides = array<i32>} : memref<2x8192xf32, #tpu.memory_space<vmem>>, vector<16xf32>,
        %get3A_951 = arith.constant 1 : i32
        %get3A_952 = arith.index_cast %get3A_951 : i32 to index
        %get3A_953 = arith.index_cast %add3A_942 : i32 to index
        %get3A_954 = tpu.vector_load %arg10[%get3A_952, %get3A_953] {strides = array<i32>} : memref<2x8192xf32, #tpu.memory_space<vmem>>, vector<16xf32>,
        %mul3A_955 = arith.constant 57.2957802 : f32
        %mul3A_956 = vector.broadcast %mul3A_955 : f32 to vector<16xf32>
        %mul3A_957 = arith.mulf %get3A_946, %mul3A_956 : vector<16xf32>
        %convert_element_type3A_958 = arith.fptosi %mul3A_957 : vector<16xf32> to vector<16xi32>
        %min3A_959 = arith.constant 179 : i32
        %min3A_960 = vector.broadcast %min3A_959 : i32 to vector<16xi32>
        %min3A_961 = arith.minsi %convert_element_type3A_958, %min3A_960 : vector<16xi32>
        %mul3A_962 = arith.constant 57.2957802 : f32
        %mul3A_963 = vector.broadcast %mul3A_962 : f32 to vector<16xf32>
        %mul3A_964 = arith.mulf %get3A_950, %mul3A_963 : vector<16xf32>
        %convert_element_type3A_965 = arith.fptosi %mul3A_964 : vector<16xf32> to vector<16xi32>
        %min3A_966 = arith.constant 359 : i32
        %min3A_967 = vector.broadcast %min3A_966 : i32 to vector<16xi32>
        %min3A_968 = arith.minsi %convert_element_type3A_965, %min3A_967 : vector<16xi32>
        %mul3A_969 = arith.constant 360 : i32
        %mul3A_970 = vector.broadcast %mul3A_969 : i32 to vector<16xi32>
        %mul3A_971 = arith.muli %min3A_961, %mul3A_970 : vector<16xi32>
        %add3A_972 = arith.addi %mul3A_971, %min3A_968 : vector<16xi32>
        %mul3A_973 = arith.constant 128 : i32
        %mul3A_974 = arith.muli %scan3A_854, %mul3A_973 : i32
        %add3A_975 = arith.constant 48 : i32
        %add3A_976 = arith.addi %mul3A_974, %add3A_975 : i32
        %get3A_977 = arith.constant 1 : i32
        %get3A_978 = arith.index_cast %get3A_977 : i32 to index
        %get3A_979 = arith.index_cast %add3A_976 : i32 to index
        %get3A_980 = tpu.vector_load %arg8[%get3A_978, %get3A_979] {strides = array<i32>} : memref<2x8192xf32, #tpu.memory_space<vmem>>, vector<16xf32>,
        %get3A_981 = arith.constant 1 : i32
        %get3A_982 = arith.index_cast %get3A_981 : i32 to index
        %get3A_983 = arith.index_cast %add3A_976 : i32 to index
        %get3A_984 = tpu.vector_load %arg9[%get3A_982, %get3A_983] {strides = array<i32>} : memref<2x8192xf32, #tpu.memory_space<vmem>>, vector<16xf32>,
        %get3A_985 = arith.constant 1 : i32
        %get3A_986 = arith.index_cast %get3A_985 : i32 to index
        %get3A_987 = arith.index_cast %add3A_976 : i32 to index
        %get3A_988 = tpu.vector_load %arg10[%get3A_986, %get3A_987] {strides = array<i32>} : memref<2x8192xf32, #tpu.memory_space<vmem>>, vector<16xf32>,
        %mul3A_989 = arith.constant 57.2957802 : f32
        %mul3A_990 = vector.broadcast %mul3A_989 : f32 to vector<16xf32>
        %mul3A_991 = arith.mulf %get3A_980, %mul3A_990 : vector<16xf32>
        %convert_element_type3A_992 = arith.fptosi %mul3A_991 : vector<16xf32> to vector<16xi32>
        %min3A_993 = arith.constant 179 : i32
        %min3A_994 = vector.broadcast %min3A_993 : i32 to vector<16xi32>
        %min3A_995 = arith.minsi %convert_element_type3A_992, %min3A_994 : vector<16xi32>
        %mul3A_996 = arith.constant 57.2957802 : f32
        %mul3A_997 = vector.broadcast %mul3A_996 : f32 to vector<16xf32>
        %mul3A_998 = arith.mulf %get3A_984, %mul3A_997 : vector<16xf32>
        %convert_element_type3A_999 = arith.fptosi %mul3A_998 : vector<16xf32> to vector<16xi32>
        %min3A_1000 = arith.constant 359 : i32
        %min3A_1001 = vector.broadcast %min3A_1000 : i32 to vector<16xi32>
        %min3A_1002 = arith.minsi %convert_element_type3A_999, %min3A_1001 : vector<16xi32>
        %mul3A_1003 = arith.constant 360 : i32
        %mul3A_1004 = vector.broadcast %mul3A_1003 : i32 to vector<16xi32>
        %mul3A_1005 = arith.muli %min3A_995, %mul3A_1004 : vector<16xi32>
        %add3A_1006 = arith.addi %mul3A_1005, %min3A_1002 : vector<16xi32>
        %mul3A_1007 = arith.constant 128 : i32
        %mul3A_1008 = arith.muli %scan3A_854, %mul3A_1007 : i32
        %add3A_1009 = arith.constant 64 : i32
        %add3A_1010 = arith.addi %mul3A_1008, %add3A_1009 : i32
        %get3A_1011 = arith.constant 1 : i32
        %get3A_1012 = arith.index_cast %get3A_1011 : i32 to index
        %get3A_1013 = arith.index_cast %add3A_1010 : i32 to index
        %get3A_1014 = tpu.vector_load %arg8[%get3A_1012, %get3A_1013] {strides = array<i32>} : memref<2x8192xf32, #tpu.memory_space<vmem>>, vector<16xf32>,
        %get3A_1015 = arith.constant 1 : i32
        %get3A_1016 = arith.index_cast %get3A_1015 : i32 to index
        %get3A_1017 = arith.index_cast %add3A_1010 : i32 to index
        %get3A_1018 = tpu.vector_load %arg9[%get3A_1016, %get3A_1017] {strides = array<i32>} : memref<2x8192xf32, #tpu.memory_space<vmem>>, vector<16xf32>,
        %get3A_1019 = arith.constant 1 : i32
        %get3A_1020 = arith.index_cast %get3A_1019 : i32 to index
        %get3A_1021 = arith.index_cast %add3A_1010 : i32 to index
        %get3A_1022 = tpu.vector_load %arg10[%get3A_1020, %get3A_1021] {strides = array<i32>} : memref<2x8192xf32, #tpu.memory_space<vmem>>, vector<16xf32>,
        %mul3A_1023 = arith.constant 57.2957802 : f32
        %mul3A_1024 = vector.broadcast %mul3A_1023 : f32 to vector<16xf32>
        %mul3A_1025 = arith.mulf %get3A_1014, %mul3A_1024 : vector<16xf32>
        %convert_element_type3A_1026 = arith.fptosi %mul3A_1025 : vector<16xf32> to vector<16xi32>
        %min3A_1027 = arith.constant 179 : i32
        %min3A_1028 = vector.broadcast %min3A_1027 : i32 to vector<16xi32>
        %min3A_1029 = arith.minsi %convert_element_type3A_1026, %min3A_1028 : vector<16xi32>
        %mul3A_1030 = arith.constant 57.2957802 : f32
        %mul3A_1031 = vector.broadcast %mul3A_1030 : f32 to vector<16xf32>
        %mul3A_1032 = arith.mulf %get3A_1018, %mul3A_1031 : vector<16xf32>
        %convert_element_type3A_1033 = arith.fptosi %mul3A_1032 : vector<16xf32> to vector<16xi32>
        %min3A_1034 = arith.constant 359 : i32
        %min3A_1035 = vector.broadcast %min3A_1034 : i32 to vector<16xi32>
        %min3A_1036 = arith.minsi %convert_element_type3A_1033, %min3A_1035 : vector<16xi32>
        %mul3A_1037 = arith.constant 360 : i32
        %mul3A_1038 = vector.broadcast %mul3A_1037 : i32 to vector<16xi32>
        %mul3A_1039 = arith.muli %min3A_1029, %mul3A_1038 : vector<16xi32>
        %add3A_1040 = arith.addi %mul3A_1039, %min3A_1036 : vector<16xi32>
        %mul3A_1041 = arith.constant 128 : i32
        %mul3A_1042 = arith.muli %scan3A_854, %mul3A_1041 : i32
        %add3A_1043 = arith.constant 80 : i32
        %add3A_1044 = arith.addi %mul3A_1042, %add3A_1043 : i32
        %get3A_1045 = arith.constant 1 : i32
        %get3A_1046 = arith.index_cast %get3A_1045 : i32 to index
        %get3A_1047 = arith.index_cast %add3A_1044 : i32 to index
        %get3A_1048 = tpu.vector_load %arg8[%get3A_1046, %get3A_1047] {strides = array<i32>} : memref<2x8192xf32, #tpu.memory_space<vmem>>, vector<16xf32>,
        %get3A_1049 = arith.constant 1 : i32
        %get3A_1050 = arith.index_cast %get3A_1049 : i32 to index
        %get3A_1051 = arith.index_cast %add3A_1044 : i32 to index
        %get3A_1052 = tpu.vector_load %arg9[%get3A_1050, %get3A_1051] {strides = array<i32>} : memref<2x8192xf32, #tpu.memory_space<vmem>>, vector<16xf32>,
        %get3A_1053 = arith.constant 1 : i32
        %get3A_1054 = arith.index_cast %get3A_1053 : i32 to index
        %get3A_1055 = arith.index_cast %add3A_1044 : i32 to index
        %get3A_1056 = tpu.vector_load %arg10[%get3A_1054, %get3A_1055] {strides = array<i32>} : memref<2x8192xf32, #tpu.memory_space<vmem>>, vector<16xf32>,
        %mul3A_1057 = arith.constant 57.2957802 : f32
        %mul3A_1058 = vector.broadcast %mul3A_1057 : f32 to vector<16xf32>
        %mul3A_1059 = arith.mulf %get3A_1048, %mul3A_1058 : vector<16xf32>
        %convert_element_type3A_1060 = arith.fptosi %mul3A_1059 : vector<16xf32> to vector<16xi32>
        %min3A_1061 = arith.constant 179 : i32
        %min3A_1062 = vector.broadcast %min3A_1061 : i32 to vector<16xi32>
        %min3A_1063 = arith.minsi %convert_element_type3A_1060, %min3A_1062 : vector<16xi32>
        %mul3A_1064 = arith.constant 57.2957802 : f32
        %mul3A_1065 = vector.broadcast %mul3A_1064 : f32 to vector<16xf32>
        %mul3A_1066 = arith.mulf %get3A_1052, %mul3A_1065 : vector<16xf32>
        %convert_element_type3A_1067 = arith.fptosi %mul3A_1066 : vector<16xf32> to vector<16xi32>
        %min3A_1068 = arith.constant 359 : i32
        %min3A_1069 = vector.broadcast %min3A_1068 : i32 to vector<16xi32>
        %min3A_1070 = arith.minsi %convert_element_type3A_1067, %min3A_1069 : vector<16xi32>
        %mul3A_1071 = arith.constant 360 : i32
        %mul3A_1072 = vector.broadcast %mul3A_1071 : i32 to vector<16xi32>
        %mul3A_1073 = arith.muli %min3A_1063, %mul3A_1072 : vector<16xi32>
        %add3A_1074 = arith.addi %mul3A_1073, %min3A_1070 : vector<16xi32>
        %mul3A_1075 = arith.constant 128 : i32
        %mul3A_1076 = arith.muli %scan3A_854, %mul3A_1075 : i32
        %add3A_1077 = arith.constant 96 : i32
        %add3A_1078 = arith.addi %mul3A_1076, %add3A_1077 : i32
        %get3A_1079 = arith.constant 1 : i32
        %get3A_1080 = arith.index_cast %get3A_1079 : i32 to index
        %get3A_1081 = arith.index_cast %add3A_1078 : i32 to index
        %get3A_1082 = tpu.vector_load %arg8[%get3A_1080, %get3A_1081] {strides = array<i32>} : memref<2x8192xf32, #tpu.memory_space<vmem>>, vector<16xf32>,
        %get3A_1083 = arith.constant 1 : i32
        %get3A_1084 = arith.index_cast %get3A_1083 : i32 to index
        %get3A_1085 = arith.index_cast %add3A_1078 : i32 to index
        %get3A_1086 = tpu.vector_load %arg9[%get3A_1084, %get3A_1085] {strides = array<i32>} : memref<2x8192xf32, #tpu.memory_space<vmem>>, vector<16xf32>,
        %get3A_1087 = arith.constant 1 : i32
        %get3A_1088 = arith.index_cast %get3A_1087 : i32 to index
        %get3A_1089 = arith.index_cast %add3A_1078 : i32 to index
        %get3A_1090 = tpu.vector_load %arg10[%get3A_1088, %get3A_1089] {strides = array<i32>} : memref<2x8192xf32, #tpu.memory_space<vmem>>, vector<16xf32>,
        %mul3A_1091 = arith.constant 57.2957802 : f32
        %mul3A_1092 = vector.broadcast %mul3A_1091 : f32 to vector<16xf32>
        %mul3A_1093 = arith.mulf %get3A_1082, %mul3A_1092 : vector<16xf32>
        %convert_element_type3A_1094 = arith.fptosi %mul3A_1093 : vector<16xf32> to vector<16xi32>
        %min3A_1095 = arith.constant 179 : i32
        %min3A_1096 = vector.broadcast %min3A_1095 : i32 to vector<16xi32>
        %min3A_1097 = arith.minsi %convert_element_type3A_1094, %min3A_1096 : vector<16xi32>
        %mul3A_1098 = arith.constant 57.2957802 : f32
        %mul3A_1099 = vector.broadcast %mul3A_1098 : f32 to vector<16xf32>
        %mul3A_1100 = arith.mulf %get3A_1086, %mul3A_1099 : vector<16xf32>
        %convert_element_type3A_1101 = arith.fptosi %mul3A_1100 : vector<16xf32> to vector<16xi32>
        %min3A_1102 = arith.constant 359 : i32
        %min3A_1103 = vector.broadcast %min3A_1102 : i32 to vector<16xi32>
        %min3A_1104 = arith.minsi %convert_element_type3A_1101, %min3A_1103 : vector<16xi32>
        %mul3A_1105 = arith.constant 360 : i32
        %mul3A_1106 = vector.broadcast %mul3A_1105 : i32 to vector<16xi32>
        %mul3A_1107 = arith.muli %min3A_1097, %mul3A_1106 : vector<16xi32>
        %add3A_1108 = arith.addi %mul3A_1107, %min3A_1104 : vector<16xi32>
        %mul3A_1109 = arith.constant 128 : i32
        %mul3A_1110 = arith.muli %scan3A_854, %mul3A_1109 : i32
        %add3A_1111 = arith.constant 112 : i32
        %add3A_1112 = arith.addi %mul3A_1110, %add3A_1111 : i32
        %get3A_1113 = arith.constant 1 : i32
        %get3A_1114 = arith.index_cast %get3A_1113 : i32 to index
        %get3A_1115 = arith.index_cast %add3A_1112 : i32 to index
        %get3A_1116 = tpu.vector_load %arg8[%get3A_1114, %get3A_1115] {strides = array<i32>} : memref<2x8192xf32, #tpu.memory_space<vmem>>, vector<16xf32>,
        %get3A_1117 = arith.constant 1 : i32
        %get3A_1118 = arith.index_cast %get3A_1117 : i32 to index
        %get3A_1119 = arith.index_cast %add3A_1112 : i32 to index
        %get3A_1120 = tpu.vector_load %arg9[%get3A_1118, %get3A_1119] {strides = array<i32>} : memref<2x8192xf32, #tpu.memory_space<vmem>>, vector<16xf32>,
        %get3A_1121 = arith.constant 1 : i32
        %get3A_1122 = arith.index_cast %get3A_1121 : i32 to index
        %get3A_1123 = arith.index_cast %add3A_1112 : i32 to index
        %get3A_1124 = tpu.vector_load %arg10[%get3A_1122, %get3A_1123] {strides = array<i32>} : memref<2x8192xf32, #tpu.memory_space<vmem>>, vector<16xf32>,
        %mul3A_1125 = arith.constant 57.2957802 : f32
        %mul3A_1126 = vector.broadcast %mul3A_1125 : f32 to vector<16xf32>
        %mul3A_1127 = arith.mulf %get3A_1116, %mul3A_1126 : vector<16xf32>
        %convert_element_type3A_1128 = arith.fptosi %mul3A_1127 : vector<16xf32> to vector<16xi32>
        %min3A_1129 = arith.constant 179 : i32
        %min3A_1130 = vector.broadcast %min3A_1129 : i32 to vector<16xi32>
        %min3A_1131 = arith.minsi %convert_element_type3A_1128, %min3A_1130 : vector<16xi32>
        %mul3A_1132 = arith.constant 57.2957802 : f32
        %mul3A_1133 = vector.broadcast %mul3A_1132 : f32 to vector<16xf32>
        %mul3A_1134 = arith.mulf %get3A_1120, %mul3A_1133 : vector<16xf32>
        %convert_element_type3A_1135 = arith.fptosi %mul3A_1134 : vector<16xf32> to vector<16xi32>
        %min3A_1136 = arith.constant 359 : i32
        %min3A_1137 = vector.broadcast %min3A_1136 : i32 to vector<16xi32>
        %min3A_1138 = arith.minsi %convert_element_type3A_1135, %min3A_1137 : vector<16xi32>
        %mul3A_1139 = arith.constant 360 : i32
        %mul3A_1140 = vector.broadcast %mul3A_1139 : i32 to vector<16xi32>
        %mul3A_1141 = arith.muli %min3A_1131, %mul3A_1140 : vector<16xi32>
        %add3A_1142 = arith.addi %mul3A_1141, %min3A_1138 : vector<16xi32>
        %sub3A_1143 = arith.constant 1 : i32
        %sub3A_1144 = arith.subi %scan3A_854, %sub3A_1143 : i32
        %mul3A_1145 = arith.constant 128 : i32
        %mul3A_1146 = arith.muli %sub3A_1144, %mul3A_1145 : i32
        %add3A_1147 = arith.constant 0 : i32
        %add3A_1148 = arith.addi %mul3A_1146, %add3A_1147 : i32
        %swap3A_1149 = arith.constant 1 : i32
        %swap3A_1150 = arith.index_cast %swap3A_1149 : i32 to index
        %swap3A_1151 = arith.index_cast %add3A_1148 : i32 to index
        %swap3A_1152 = tpu.vector_load %arg11[%swap3A_1150, %swap3A_1151] {strides = array<i32>} : memref<2x8192xi32, #tpu.memory_space<vmem>>, vector<16xi32>,
        tpu.vector_store %arg11[%swap3A_1150, %swap3A_1151], %scan3A_855 {strides = array<i32>} : memref<2x8192xi32, #tpu.memory_space<vmem>>, vector<16xi32>,
        tpu.vector_store_idx %arg12[%scan3A_855], %scan3A_863 {add = true} : memref<64896xf32, #tpu.memory_space<vmem>>[vector<16xi32>], vector<16xf32>,
        %sub3A_1153 = arith.constant 1 : i32
        %sub3A_1154 = arith.subi %scan3A_854, %sub3A_1153 : i32
        %mul3A_1155 = arith.constant 128 : i32
        %mul3A_1156 = arith.muli %sub3A_1154, %mul3A_1155 : i32
        %add3A_1157 = arith.constant 16 : i32
        %add3A_1158 = arith.addi %mul3A_1156, %add3A_1157 : i32
        %swap3A_1159 = arith.constant 1 : i32
        %swap3A_1160 = arith.index_cast %swap3A_1159 : i32 to index
        %swap3A_1161 = arith.index_cast %add3A_1158 : i32 to index
        %swap3A_1162 = tpu.vector_load %arg11[%swap3A_1160, %swap3A_1161] {strides = array<i32>} : memref<2x8192xi32, #tpu.memory_space<vmem>>, vector<16xi32>,
        tpu.vector_store %arg11[%swap3A_1160, %swap3A_1161], %scan3A_856 {strides = array<i32>} : memref<2x8192xi32, #tpu.memory_space<vmem>>, vector<16xi32>,
        tpu.vector_store_idx %arg12[%scan3A_856], %scan3A_864 {add = true} : memref<64896xf32, #tpu.memory_space<vmem>>[vector<16xi32>], vector<16xf32>,
        %sub3A_1163 = arith.constant 1 : i32
        %sub3A_1164 = arith.subi %scan3A_854, %sub3A_1163 : i32
        %mul3A_1165 = arith.constant 128 : i32
        %mul3A_1166 = arith.muli %sub3A_1164, %mul3A_1165 : i32
        %add3A_1167 = arith.constant 32 : i32
        %add3A_1168 = arith.addi %mul3A_1166, %add3A_1167 : i32
        %swap3A_1169 = arith.constant 1 : i32
        %swap3A_1170 = arith.index_cast %swap3A_1169 : i32 to index
        %swap3A_1171 = arith.index_cast %add3A_1168 : i32 to index
        %swap3A_1172 = tpu.vector_load %arg11[%swap3A_1170, %swap3A_1171] {strides = array<i32>} : memref<2x8192xi32, #tpu.memory_space<vmem>>, vector<16xi32>,
        tpu.vector_store %arg11[%swap3A_1170, %swap3A_1171], %scan3A_857 {strides = array<i32>} : memref<2x8192xi32, #tpu.memory_space<vmem>>, vector<16xi32>,
        tpu.vector_store_idx %arg12[%scan3A_857], %scan3A_865 {add = true} : memref<64896xf32, #tpu.memory_space<vmem>>[vector<16xi32>], vector<16xf32>,
        %sub3A_1173 = arith.constant 1 : i32
        %sub3A_1174 = arith.subi %scan3A_854, %sub3A_1173 : i32
        %mul3A_1175 = arith.constant 128 : i32
        %mul3A_1176 = arith.muli %sub3A_1174, %mul3A_1175 : i32
        %add3A_1177 = arith.constant 48 : i32
        %add3A_1178 = arith.addi %mul3A_1176, %add3A_1177 : i32
        %swap3A_1179 = arith.constant 1 : i32
        %swap3A_1180 = arith.index_cast %swap3A_1179 : i32 to index
        %swap3A_1181 = arith.index_cast %add3A_1178 : i32 to index
        %swap3A_1182 = tpu.vector_load %arg11[%swap3A_1180, %swap3A_1181] {strides = array<i32>} : memref<2x8192xi32, #tpu.memory_space<vmem>>, vector<16xi32>,
        tpu.vector_store %arg11[%swap3A_1180, %swap3A_1181], %scan3A_858 {strides = array<i32>} : memref<2x8192xi32, #tpu.memory_space<vmem>>, vector<16xi32>,
        tpu.vector_store_idx %arg12[%scan3A_858], %scan3A_866 {add = true} : memref<64896xf32, #tpu.memory_space<vmem>>[vector<16xi32>], vector<16xf32>,
        %sub3A_1183 = arith.constant 1 : i32
        %sub3A_1184 = arith.subi %scan3A_854, %sub3A_1183 : i32
        %mul3A_1185 = arith.constant 128 : i32
        %mul3A_1186 = arith.muli %sub3A_1184, %mul3A_1185 : i32
        %add3A_1187 = arith.constant 64 : i32
        %add3A_1188 = arith.addi %mul3A_1186, %add3A_1187 : i32
        %swap3A_1189 = arith.constant 1 : i32
        %swap3A_1190 = arith.index_cast %swap3A_1189 : i32 to index
        %swap3A_1191 = arith.index_cast %add3A_1188 : i32 to index
        %swap3A_1192 = tpu.vector_load %arg11[%swap3A_1190, %swap3A_1191] {strides = array<i32>} : memref<2x8192xi32, #tpu.memory_space<vmem>>, vector<16xi32>,
        tpu.vector_store %arg11[%swap3A_1190, %swap3A_1191], %scan3A_859 {strides = array<i32>} : memref<2x8192xi32, #tpu.memory_space<vmem>>, vector<16xi32>,
        tpu.vector_store_idx %arg12[%scan3A_859], %scan3A_867 {add = true} : memref<64896xf32, #tpu.memory_space<vmem>>[vector<16xi32>], vector<16xf32>,
        %sub3A_1193 = arith.constant 1 : i32
        %sub3A_1194 = arith.subi %scan3A_854, %sub3A_1193 : i32
        %mul3A_1195 = arith.constant 128 : i32
        %mul3A_1196 = arith.muli %sub3A_1194, %mul3A_1195 : i32
        %add3A_1197 = arith.constant 80 : i32
        %add3A_1198 = arith.addi %mul3A_1196, %add3A_1197 : i32
        %swap3A_1199 = arith.constant 1 : i32
        %swap3A_1200 = arith.index_cast %swap3A_1199 : i32 to index
        %swap3A_1201 = arith.index_cast %add3A_1198 : i32 to index
        %swap3A_1202 = tpu.vector_load %arg11[%swap3A_1200, %swap3A_1201] {strides = array<i32>} : memref<2x8192xi32, #tpu.memory_space<vmem>>, vector<16xi32>,
        tpu.vector_store %arg11[%swap3A_1200, %swap3A_1201], %scan3A_860 {strides = array<i32>} : memref<2x8192xi32, #tpu.memory_space<vmem>>, vector<16xi32>,
        tpu.vector_store_idx %arg12[%scan3A_860], %scan3A_868 {add = true} : memref<64896xf32, #tpu.memory_space<vmem>>[vector<16xi32>], vector<16xf32>,
        %sub3A_1203 = arith.constant 1 : i32
        %sub3A_1204 = arith.subi %scan3A_854, %sub3A_1203 : i32
        %mul3A_1205 = arith.constant 128 : i32
        %mul3A_1206 = arith.muli %sub3A_1204, %mul3A_1205 : i32
        %add3A_1207 = arith.constant 96 : i32
        %add3A_1208 = arith.addi %mul3A_1206, %add3A_1207 : i32
        %swap3A_1209 = arith.constant 1 : i32
        %swap3A_1210 = arith.index_cast %swap3A_1209 : i32 to index
        %swap3A_1211 = arith.index_cast %add3A_1208 : i32 to index
        %swap3A_1212 = tpu.vector_load %arg11[%swap3A_1210, %swap3A_1211] {strides = array<i32>} : memref<2x8192xi32, #tpu.memory_space<vmem>>, vector<16xi32>,
        tpu.vector_store %arg11[%swap3A_1210, %swap3A_1211], %scan3A_861 {strides = array<i32>} : memref<2x8192xi32, #tpu.memory_space<vmem>>, vector<16xi32>,
        tpu.vector_store_idx %arg12[%scan3A_861], %scan3A_869 {add = true} : memref<64896xf32, #tpu.memory_space<vmem>>[vector<16xi32>], vector<16xf32>,
        %sub3A_1213 = arith.constant 1 : i32
        %sub3A_1214 = arith.subi %scan3A_854, %sub3A_1213 : i32
        %mul3A_1215 = arith.constant 128 : i32
        %mul3A_1216 = arith.muli %sub3A_1214, %mul3A_1215 : i32
        %add3A_1217 = arith.constant 112 : i32
        %add3A_1218 = arith.addi %mul3A_1216, %add3A_1217 : i32
        %swap3A_1219 = arith.constant 1 : i32
        %swap3A_1220 = arith.index_cast %swap3A_1219 : i32 to index
        %swap3A_1221 = arith.index_cast %add3A_1218 : i32 to index
        %swap3A_1222 = tpu.vector_load %arg11[%swap3A_1220, %swap3A_1221] {strides = array<i32>} : memref<2x8192xi32, #tpu.memory_space<vmem>>, vector<16xi32>,
        tpu.vector_store %arg11[%swap3A_1220, %swap3A_1221], %scan3A_862 {strides = array<i32>} : memref<2x8192xi32, #tpu.memory_space<vmem>>, vector<16xi32>,
        tpu.vector_store_idx %arg12[%scan3A_862], %scan3A_870 {add = true} : memref<64896xf32, #tpu.memory_space<vmem>>[vector<16xi32>], vector<16xf32>,
        scf.yield %add3A_904, %add3A_938, %add3A_972, %add3A_1006, %add3A_1040, %add3A_1074, %add3A_1108, %add3A_1142, %get3A_886, %get3A_920, %get3A_954, %get3A_988, %get3A_1022, %get3A_1056, %get3A_1090, %get3A_1124 : vector<16xi32>, vector<16xi32>, vector<16xi32>, vector<16xi32>, vector<16xi32>, vector<16xi32>, vector<16xi32>, vector<16xi32>, vector<16xf32>, vector<16xf32>, vector<16xf32>, vector<16xf32>, vector<16xf32>, vector<16xf32>, vector<16xf32>, vector<16xf32>
      }
      %scan3A_796 = arith.constant 63 : i32
      %swap3A_797 = arith.constant 1 : i32
      %swap3A_798 = arith.index_cast %swap3A_797 : i32 to index
      %swap3A_799 = arith.constant 8064 : index
      %swap3A_800 = tpu.vector_load %arg11[%swap3A_798, %swap3A_799] {strides = array<i32>} : memref<2x8192xi32, #tpu.memory_space<vmem>>, vector<16xi32>,
      tpu.vector_store %arg11[%swap3A_798, %swap3A_799], %scan3A_795#0 {strides = array<i32>} : memref<2x8192xi32, #tpu.memory_space<vmem>>, vector<16xi32>,
      tpu.vector_store_idx %arg12[%scan3A_795#0], %scan3A_795#8 {add = true} : memref<64896xf32, #tpu.memory_space<vmem>>[vector<16xi32>], vector<16xf32>,
      %swap3A_801 = arith.constant 1 : i32
      %swap3A_802 = arith.index_cast %swap3A_801 : i32 to index
      %swap3A_803 = arith.constant 8080 : index
      %swap3A_804 = tpu.vector_load %arg11[%swap3A_802, %swap3A_803] {strides = array<i32>} : memref<2x8192xi32, #tpu.memory_space<vmem>>, vector<16xi32>,
      tpu.vector_store %arg11[%swap3A_802, %swap3A_803], %scan3A_795#1 {strides = array<i32>} : memref<2x8192xi32, #tpu.memory_space<vmem>>, vector<16xi32>,
      tpu.vector_store_idx %arg12[%scan3A_795#1], %scan3A_795#9 {add = true} : memref<64896xf32, #tpu.memory_space<vmem>>[vector<16xi32>], vector<16xf32>,
      %swap3A_805 = arith.constant 1 : i32
      %swap3A_806 = arith.index_cast %swap3A_805 : i32 to index
      %swap3A_807 = arith.constant 8096 : index
      %swap3A_808 = tpu.vector_load %arg11[%swap3A_806, %swap3A_807] {strides = array<i32>} : memref<2x8192xi32, #tpu.memory_space<vmem>>, vector<16xi32>,
      tpu.vector_store %arg11[%swap3A_806, %swap3A_807], %scan3A_795#2 {strides = array<i32>} : memref<2x8192xi32, #tpu.memory_space<vmem>>, vector<16xi32>,
      tpu.vector_store_idx %arg12[%scan3A_795#2], %scan3A_795#10 {add = true} : memref<64896xf32, #tpu.memory_space<vmem>>[vector<16xi32>], vector<16xf32>,
      %swap3A_809 = arith.constant 1 : i32
      %swap3A_810 = arith.index_cast %swap3A_809 : i32 to index
      %swap3A_811 = arith.constant 8112 : index
      %swap3A_812 = tpu.vector_load %arg11[%swap3A_810, %swap3A_811] {strides = array<i32>} : memref<2x8192xi32, #tpu.memory_space<vmem>>, vector<16xi32>,
      tpu.vector_store %arg11[%swap3A_810, %swap3A_811], %scan3A_795#3 {strides = array<i32>} : memref<2x8192xi32, #tpu.memory_space<vmem>>, vector<16xi32>,
      tpu.vector_store_idx %arg12[%scan3A_795#3], %scan3A_795#11 {add = true} : memref<64896xf32, #tpu.memory_space<vmem>>[vector<16xi32>], vector<16xf32>,
      %swap3A_813 = arith.constant 1 : i32
      %swap3A_814 = arith.index_cast %swap3A_813 : i32 to index
      %swap3A_815 = arith.constant 8128 : index
      %swap3A_816 = tpu.vector_load %arg11[%swap3A_814, %swap3A_815] {strides = array<i32>} : memref<2x8192xi32, #tpu.memory_space<vmem>>, vector<16xi32>,
      tpu.vector_store %arg11[%swap3A_814, %swap3A_815], %scan3A_795#4 {strides = array<i32>} : memref<2x8192xi32, #tpu.memory_space<vmem>>, vector<16xi32>,
      tpu.vector_store_idx %arg12[%scan3A_795#4], %scan3A_795#12 {add = true} : memref<64896xf32, #tpu.memory_space<vmem>>[vector<16xi32>], vector<16xf32>,
      %swap3A_817 = arith.constant 1 : i32
      %swap3A_818 = arith.index_cast %swap3A_817 : i32 to index
      %swap3A_819 = arith.constant 8144 : index
      %swap3A_820 = tpu.vector_load %arg11[%swap3A_818, %swap3A_819] {strides = array<i32>} : memref<2x8192xi32, #tpu.memory_space<vmem>>, vector<16xi32>,
      tpu.vector_store %arg11[%swap3A_818, %swap3A_819], %scan3A_795#5 {strides = array<i32>} : memref<2x8192xi32, #tpu.memory_space<vmem>>, vector<16xi32>,
      tpu.vector_store_idx %arg12[%scan3A_795#5], %scan3A_795#13 {add = true} : memref<64896xf32, #tpu.memory_space<vmem>>[vector<16xi32>], vector<16xf32>,
      %swap3A_821 = arith.constant 1 : i32
      %swap3A_822 = arith.index_cast %swap3A_821 : i32 to index
      %swap3A_823 = arith.constant 8160 : index
      %swap3A_824 = tpu.vector_load %arg11[%swap3A_822, %swap3A_823] {strides = array<i32>} : memref<2x8192xi32, #tpu.memory_space<vmem>>, vector<16xi32>,
      tpu.vector_store %arg11[%swap3A_822, %swap3A_823], %scan3A_795#6 {strides = array<i32>} : memref<2x8192xi32, #tpu.memory_space<vmem>>, vector<16xi32>,
      tpu.vector_store_idx %arg12[%scan3A_795#6], %scan3A_795#14 {add = true} : memref<64896xf32, #tpu.memory_space<vmem>>[vector<16xi32>], vector<16xf32>,
      %swap3A_825 = arith.constant 1 : i32
      %swap3A_826 = arith.index_cast %swap3A_825 : i32 to index
      %swap3A_827 = arith.constant 8176 : index
      %swap3A_828 = tpu.vector_load %arg11[%swap3A_826, %swap3A_827] {strides = array<i32>} : memref<2x8192xi32, #tpu.memory_space<vmem>>, vector<16xi32>,
      tpu.vector_store %arg11[%swap3A_826, %swap3A_827], %scan3A_795#7 {strides = array<i32>} : memref<2x8192xi32, #tpu.memory_space<vmem>>, vector<16xi32>,
      tpu.vector_store_idx %arg12[%scan3A_795#7], %scan3A_795#15 {add = true} : memref<64896xf32, #tpu.memory_space<vmem>>[vector<16xi32>], vector<16xf32>,
      %add3A_829 = arith.constant 2 : i32
      %add3A_830 = arith.addi %add3A_517, %add3A_829 : i32
      %lt3A_831 = arith.constant 32 : i32
      %lt3A_832 = arith.cmpi slt, %add3A_830, %lt3A_831 : i32
      %convert_element_type3A_833 = arith.extui %lt3A_832 : i1 to i32
      %cond3A_834 = arith.constant 0 : i32
      %cond3A_835 = arith.cmpi ne, %convert_element_type3A_833, %cond3A_834 : i32
      scf.if %cond3A_835 {
        %add3A_854 = arith.constant 2 : i32
        %add3A_855 = arith.addi %add3A_517, %add3A_854 : i32
        %mul3A_856 = arith.constant 8192 : i32
        %mul3A_857 = arith.muli %add3A_855, %mul3A_856 : i32
        %add3A_858 = arith.addi %mul3A_32, %mul3A_857 : i32
        %dma_start3A_859 = arith.constant 1 : i32
        %dma_start3A_860 = arith.constant 0 : i32
        %dma_start3A_861 = tpu.memref_slice %arg8[%dma_start3A_859, %dma_start3A_860] : memref<2x8192xf32, #tpu.memory_space<vmem>> -> memref<1x8192xf32, #tpu.memory_space<vmem>>
        %dma_start3A_862 = tpu.memref_squeeze %dma_start3A_861 : memref<1x8192xf32, #tpu.memory_space<vmem>> -> memref<8192xf32, #tpu.memory_space<vmem>>
        %dma_start3A_863 = tpu.memref_slice %arg2[%select_n3A, %add3A_858] : memref<16x524288xf32, #tpu.memory_space<hbm>> -> memref<1x8192xf32, #tpu.memory_space<hbm>>
        %dma_start3A_864 = tpu.memref_squeeze %dma_start3A_863 : memref<1x8192xf32, #tpu.memory_space<hbm>> -> memref<8192xf32, #tpu.memory_space<hbm>>
        %dma_start3A_865 = arith.constant 0 : i32
        %dma_start3A_866 = tpu.memref_slice %arg8[%dma_start3A_859, %dma_start3A_865] : memref<2x8192xf32, #tpu.memory_space<vmem>> -> memref<1x8192xf32, #tpu.memory_space<vmem>>
        %dma_start3A_867 = tpu.memref_squeeze %dma_start3A_866 : memref<1x8192xf32, #tpu.memory_space<vmem>> -> memref<8192xf32, #tpu.memory_space<vmem>>
        %dma_start3A_868 = tpu.memref_slice %arg2[%select_n3A, %add3A_858] : memref<16x524288xf32, #tpu.memory_space<hbm>> -> memref<1x8192xf32, #tpu.memory_space<hbm>>
        %dma_start3A_869 = tpu.memref_squeeze %dma_start3A_868 : memref<1x8192xf32, #tpu.memory_space<hbm>> -> memref<8192xf32, #tpu.memory_space<hbm>>
        tpu.enqueue_dma source(%dma_start3A_869 : memref<8192xf32, #tpu.memory_space<hbm>>) target(%dma_start3A_867 : memref<8192xf32, #tpu.memory_space<vmem>>) target_semaphore(%arg14 : memref<!tpu.dma_semaphore, #tpu.memory_space<semaphore_mem>>)
        %dma_start3A_870 = arith.constant 1 : i32
        %dma_start3A_871 = arith.constant 0 : i32
        %dma_start3A_872 = tpu.memref_slice %arg9[%dma_start3A_870, %dma_start3A_871] : memref<2x8192xf32, #tpu.memory_space<vmem>> -> memref<1x8192xf32, #tpu.memory_space<vmem>>
        %dma_start3A_873 = tpu.memref_squeeze %dma_start3A_872 : memref<1x8192xf32, #tpu.memory_space<vmem>> -> memref<8192xf32, #tpu.memory_space<vmem>>
        %dma_start3A_874 = tpu.memref_slice %arg3[%select_n3A, %add3A_858] : memref<16x524288xf32, #tpu.memory_space<hbm>> -> memref<1x8192xf32, #tpu.memory_space<hbm>>
        %dma_start3A_875 = tpu.memref_squeeze %dma_start3A_874 : memref<1x8192xf32, #tpu.memory_space<hbm>> -> memref<8192xf32, #tpu.memory_space<hbm>>
        %dma_start3A_876 = arith.constant 0 : i32
        %dma_start3A_877 = tpu.memref_slice %arg9[%dma_start3A_870, %dma_start3A_876] : memref<2x8192xf32, #tpu.memory_space<vmem>> -> memref<1x8192xf32, #tpu.memory_space<vmem>>
        %dma_start3A_878 = tpu.memref_squeeze %dma_start3A_877 : memref<1x8192xf32, #tpu.memory_space<vmem>> -> memref<8192xf32, #tpu.memory_space<vmem>>
        %dma_start3A_879 = tpu.memref_slice %arg3[%select_n3A, %add3A_858] : memref<16x524288xf32, #tpu.memory_space<hbm>> -> memref<1x8192xf32, #tpu.memory_space<hbm>>
        %dma_start3A_880 = tpu.memref_squeeze %dma_start3A_879 : memref<1x8192xf32, #tpu.memory_space<hbm>> -> memref<8192xf32, #tpu.memory_space<hbm>>
        tpu.enqueue_dma source(%dma_start3A_880 : memref<8192xf32, #tpu.memory_space<hbm>>) target(%dma_start3A_878 : memref<8192xf32, #tpu.memory_space<vmem>>) target_semaphore(%arg14 : memref<!tpu.dma_semaphore, #tpu.memory_space<semaphore_mem>>)
        %dma_start3A_881 = arith.constant 1 : i32
        %dma_start3A_882 = arith.constant 0 : i32
        %dma_start3A_883 = tpu.memref_slice %arg10[%dma_start3A_881, %dma_start3A_882] : memref<2x8192xf32, #tpu.memory_space<vmem>> -> memref<1x8192xf32, #tpu.memory_space<vmem>>
        %dma_start3A_884 = tpu.memref_squeeze %dma_start3A_883 : memref<1x8192xf32, #tpu.memory_space<vmem>> -> memref<8192xf32, #tpu.memory_space<vmem>>
        %dma_start3A_885 = tpu.memref_slice %arg4[%select_n3A, %add3A_858] : memref<16x524288xf32, #tpu.memory_space<hbm>> -> memref<1x8192xf32, #tpu.memory_space<hbm>>
        %dma_start3A_886 = tpu.memref_squeeze %dma_start3A_885 : memref<1x8192xf32, #tpu.memory_space<hbm>> -> memref<8192xf32, #tpu.memory_space<hbm>>
        %dma_start3A_887 = arith.constant 0 : i32
        %dma_start3A_888 = tpu.memref_slice %arg10[%dma_start3A_881, %dma_start3A_887] : memref<2x8192xf32, #tpu.memory_space<vmem>> -> memref<1x8192xf32, #tpu.memory_space<vmem>>
        %dma_start3A_889 = tpu.memref_squeeze %dma_start3A_888 : memref<1x8192xf32, #tpu.memory_space<vmem>> -> memref<8192xf32, #tpu.memory_space<vmem>>
        %dma_start3A_890 = tpu.memref_slice %arg4[%select_n3A, %add3A_858] : memref<16x524288xf32, #tpu.memory_space<hbm>> -> memref<1x8192xf32, #tpu.memory_space<hbm>>
        %dma_start3A_891 = tpu.memref_squeeze %dma_start3A_890 : memref<1x8192xf32, #tpu.memory_space<hbm>> -> memref<8192xf32, #tpu.memory_space<hbm>>
        tpu.enqueue_dma source(%dma_start3A_891 : memref<8192xf32, #tpu.memory_space<hbm>>) target(%dma_start3A_889 : memref<8192xf32, #tpu.memory_space<vmem>>) target_semaphore(%arg14 : memref<!tpu.dma_semaphore, #tpu.memory_space<semaphore_mem>>)
      } else {
      }
      %ge3A_836 = arith.constant 2 : i32
      %ge3A_837 = arith.cmpi sge, %add3A_517, %ge3A_836 : i32
      %convert_element_type3A_838 = arith.extui %ge3A_837 : i1 to i32
      %cond3A_839 = arith.constant 0 : i32
      %cond3A_840 = arith.cmpi ne, %convert_element_type3A_838, %cond3A_839 : i32
      scf.if %cond3A_840 {
        %dma_wait3A_854 = arith.constant 1 : i32
        %dma_wait3A_855 = arith.constant 0 : i32
        %dma_wait3A_856 = tpu.memref_slice %arg11[%dma_wait3A_854, %dma_wait3A_855] : memref<2x8192xi32, #tpu.memory_space<vmem>> -> memref<1x8192xi32, #tpu.memory_space<vmem>>
        %dma_wait3A_857 = tpu.memref_squeeze %dma_wait3A_856 : memref<1x8192xi32, #tpu.memory_space<vmem>> -> memref<8192xi32, #tpu.memory_space<vmem>>
        %dma_wait3A_858 = tpu.memref_slice %arg7[%mul3A_39] : memref<8388608xi32, #tpu.memory_space<hbm>> -> memref<8192xi32, #tpu.memory_space<hbm>>
        %dma_wait3A_859 = tpu.memref_slice %arg7[%mul3A_39] : memref<8388608xi32, #tpu.memory_space<hbm>> -> memref<8192xi32, #tpu.memory_space<hbm>>
        %dma_wait3A_860 = arith.constant 0 : i32
        %dma_wait3A_861 = tpu.memref_slice %arg11[%dma_wait3A_854, %dma_wait3A_860] : memref<2x8192xi32, #tpu.memory_space<vmem>> -> memref<1x8192xi32, #tpu.memory_space<vmem>>
        %dma_wait3A_862 = tpu.memref_squeeze %dma_wait3A_861 : memref<1x8192xi32, #tpu.memory_space<vmem>> -> memref<8192xi32, #tpu.memory_space<vmem>>
        tpu.wait_dma2 semaphore(%arg16 : memref<!tpu.dma_semaphore, #tpu.memory_space<semaphore_mem>>) src(%dma_wait3A_862 : memref<8192xi32, #tpu.memory_space<vmem>>) dst(%dma_wait3A_859 : memref<8192xi32, #tpu.memory_space<hbm>>)
      } else {
      }
      %mul3A_841 = arith.constant 8192 : i32
      %mul3A_842 = arith.muli %add3A_517, %mul3A_841 : i32
      %add3A_843 = arith.addi %mul3A_39, %mul3A_842 : i32
      %dma_start3A_844 = arith.constant 1 : i32
      %dma_start3A_845 = arith.constant 0 : i32
      %dma_start3A_846 = tpu.memref_slice %arg11[%dma_start3A_844, %dma_start3A_845] : memref<2x8192xi32, #tpu.memory_space<vmem>> -> memref<1x8192xi32, #tpu.memory_space<vmem>>
      %dma_start3A_847 = tpu.memref_squeeze %dma_start3A_846 : memref<1x8192xi32, #tpu.memory_space<vmem>> -> memref<8192xi32, #tpu.memory_space<vmem>>
      %dma_start3A_848 = tpu.memref_slice %arg7[%add3A_843] : memref<8388608xi32, #tpu.memory_space<hbm>> -> memref<8192xi32, #tpu.memory_space<hbm>>
      %dma_start3A_849 = tpu.memref_slice %arg7[%add3A_843] : memref<8388608xi32, #tpu.memory_space<hbm>> -> memref<8192xi32, #tpu.memory_space<hbm>>
      %dma_start3A_850 = arith.constant 0 : i32
      %dma_start3A_851 = tpu.memref_slice %arg11[%dma_start3A_844, %dma_start3A_850] : memref<2x8192xi32, #tpu.memory_space<vmem>> -> memref<1x8192xi32, #tpu.memory_space<vmem>>
      %dma_start3A_852 = tpu.memref_squeeze %dma_start3A_851 : memref<1x8192xi32, #tpu.memory_space<vmem>> -> memref<8192xi32, #tpu.memory_space<vmem>>
      tpu.enqueue_dma source(%dma_start3A_852 : memref<8192xi32, #tpu.memory_space<vmem>>) target(%dma_start3A_849 : memref<8192xi32, #tpu.memory_space<hbm>>) target_semaphore(%arg16 : memref<!tpu.dma_semaphore, #tpu.memory_space<semaphore_mem>>)
      %scan3A_853 = arith.constant 0 : i32
      scf.yield %scan3A_853 : i32
    }
    %scan3A_124 = arith.constant 16 : i32
    %dma_wait3A = arith.constant 0 : i32
    %dma_wait3A_125 = arith.constant 0 : i32
    %dma_wait3A_126 = tpu.memref_slice %arg11[%dma_wait3A, %dma_wait3A_125] : memref<2x8192xi32, #tpu.memory_space<vmem>> -> memref<1x8192xi32, #tpu.memory_space<vmem>>
    %dma_wait3A_127 = tpu.memref_squeeze %dma_wait3A_126 : memref<1x8192xi32, #tpu.memory_space<vmem>> -> memref<8192xi32, #tpu.memory_space<vmem>>
    %dma_wait3A_128 = tpu.memref_slice %arg7[%mul3A_39] : memref<8388608xi32, #tpu.memory_space<hbm>> -> memref<8192xi32, #tpu.memory_space<hbm>>
    %dma_wait3A_129 = tpu.memref_slice %arg7[%mul3A_39] : memref<8388608xi32, #tpu.memory_space<hbm>> -> memref<8192xi32, #tpu.memory_space<hbm>>
    %dma_wait3A_130 = arith.constant 0 : i32
    %dma_wait3A_131 = tpu.memref_slice %arg11[%dma_wait3A, %dma_wait3A_130] : memref<2x8192xi32, #tpu.memory_space<vmem>> -> memref<1x8192xi32, #tpu.memory_space<vmem>>
    %dma_wait3A_132 = tpu.memref_squeeze %dma_wait3A_131 : memref<1x8192xi32, #tpu.memory_space<vmem>> -> memref<8192xi32, #tpu.memory_space<vmem>>
    tpu.wait_dma2 semaphore(%arg15 : memref<!tpu.dma_semaphore, #tpu.memory_space<semaphore_mem>>) src(%dma_wait3A_132 : memref<8192xi32, #tpu.memory_space<vmem>>) dst(%dma_wait3A_129 : memref<8192xi32, #tpu.memory_space<hbm>>)
    %dma_wait3A_133 = arith.constant 1 : i32
    %dma_wait3A_134 = arith.constant 0 : i32
    %dma_wait3A_135 = tpu.memref_slice %arg11[%dma_wait3A_133, %dma_wait3A_134] : memref<2x8192xi32, #tpu.memory_space<vmem>> -> memref<1x8192xi32, #tpu.memory_space<vmem>>
    %dma_wait3A_136 = tpu.memref_squeeze %dma_wait3A_135 : memref<1x8192xi32, #tpu.memory_space<vmem>> -> memref<8192xi32, #tpu.memory_space<vmem>>
    %dma_wait3A_137 = tpu.memref_slice %arg7[%mul3A_39] : memref<8388608xi32, #tpu.memory_space<hbm>> -> memref<8192xi32, #tpu.memory_space<hbm>>
    %dma_wait3A_138 = tpu.memref_slice %arg7[%mul3A_39] : memref<8388608xi32, #tpu.memory_space<hbm>> -> memref<8192xi32, #tpu.memory_space<hbm>>
    %dma_wait3A_139 = arith.constant 0 : i32
    %dma_wait3A_140 = tpu.memref_slice %arg11[%dma_wait3A_133, %dma_wait3A_139] : memref<2x8192xi32, #tpu.memory_space<vmem>> -> memref<1x8192xi32, #tpu.memory_space<vmem>>
    %dma_wait3A_141 = tpu.memref_squeeze %dma_wait3A_140 : memref<1x8192xi32, #tpu.memory_space<vmem>> -> memref<8192xi32, #tpu.memory_space<vmem>>
    tpu.wait_dma2 semaphore(%arg16 : memref<!tpu.dma_semaphore, #tpu.memory_space<semaphore_mem>>) src(%dma_wait3A_141 : memref<8192xi32, #tpu.memory_space<vmem>>) dst(%dma_wait3A_138 : memref<8192xi32, #tpu.memory_space<hbm>>)
    %add3A_142 = arith.constant 0 : i32
    %add3A_143 = arith.addi %mul3A_39, %add3A_142 : i32
    %dma_start3A_144 = arith.constant 0 : i32
    %dma_start3A_145 = arith.constant 0 : i32
    %dma_start3A_146 = tpu.memref_slice %arg11[%dma_start3A_144, %dma_start3A_145] : memref<2x8192xi32, #tpu.memory_space<vmem>> -> memref<1x8192xi32, #tpu.memory_space<vmem>>
    %dma_start3A_147 = tpu.memref_squeeze %dma_start3A_146 : memref<1x8192xi32, #tpu.memory_space<vmem>> -> memref<8192xi32, #tpu.memory_space<vmem>>
    %dma_start3A_148 = tpu.memref_slice %arg7[%add3A_143] : memref<8388608xi32, #tpu.memory_space<hbm>> -> memref<8192xi32, #tpu.memory_space<hbm>>
    %dma_start3A_149 = arith.constant 0 : i32
    %dma_start3A_150 = tpu.memref_slice %arg11[%dma_start3A_144, %dma_start3A_149] : memref<2x8192xi32, #tpu.memory_space<vmem>> -> memref<1x8192xi32, #tpu.memory_space<vmem>>
    %dma_start3A_151 = tpu.memref_squeeze %dma_start3A_150 : memref<1x8192xi32, #tpu.memory_space<vmem>> -> memref<8192xi32, #tpu.memory_space<vmem>>
    %dma_start3A_152 = tpu.memref_slice %arg7[%add3A_143] : memref<8388608xi32, #tpu.memory_space<hbm>> -> memref<8192xi32, #tpu.memory_space<hbm>>
    tpu.enqueue_dma source(%dma_start3A_152 : memref<8192xi32, #tpu.memory_space<hbm>>) target(%dma_start3A_151 : memref<8192xi32, #tpu.memory_space<vmem>>) target_semaphore(%arg13 : memref<!tpu.dma_semaphore, #tpu.memory_space<semaphore_mem>>)
    %add3A_153 = arith.constant 8192 : i32
    %add3A_154 = arith.addi %mul3A_39, %add3A_153 : i32
    %dma_start3A_155 = arith.constant 1 : i32
    %dma_start3A_156 = arith.constant 0 : i32
    %dma_start3A_157 = tpu.memref_slice %arg11[%dma_start3A_155, %dma_start3A_156] : memref<2x8192xi32, #tpu.memory_space<vmem>> -> memref<1x8192xi32, #tpu.memory_space<vmem>>
    %dma_start3A_158 = tpu.memref_squeeze %dma_start3A_157 : memref<1x8192xi32, #tpu.memory_space<vmem>> -> memref<8192xi32, #tpu.memory_space<vmem>>
    %dma_start3A_159 = tpu.memref_slice %arg7[%add3A_154] : memref<8388608xi32, #tpu.memory_space<hbm>> -> memref<8192xi32, #tpu.memory_space<hbm>>
    %dma_start3A_160 = arith.constant 0 : i32
    %dma_start3A_161 = tpu.memref_slice %arg11[%dma_start3A_155, %dma_start3A_160] : memref<2x8192xi32, #tpu.memory_space<vmem>> -> memref<1x8192xi32, #tpu.memory_space<vmem>>
    %dma_start3A_162 = tpu.memref_squeeze %dma_start3A_161 : memref<1x8192xi32, #tpu.memory_space<vmem>> -> memref<8192xi32, #tpu.memory_space<vmem>>
    %dma_start3A_163 = tpu.memref_slice %arg7[%add3A_154] : memref<8388608xi32, #tpu.memory_space<hbm>> -> memref<8192xi32, #tpu.memory_space<hbm>>
    tpu.enqueue_dma source(%dma_start3A_163 : memref<8192xi32, #tpu.memory_space<hbm>>) target(%dma_start3A_162 : memref<8192xi32, #tpu.memory_space<vmem>>) target_semaphore(%arg14 : memref<!tpu.dma_semaphore, #tpu.memory_space<semaphore_mem>>)
    %run_scoped3A = arith.constant 0 : i32
    "tpu.region"() ({
      %run_scoped3A_179 = tpu.sem_alloc : memref<!tpu.dma_semaphore, #tpu.memory_space<semaphore_mem>>
      %dma_start3A_180 = tpu.memref_slice %arg5[%run_scoped3A, %add3A_37] : memref<1x2076672xf32, #tpu.memory_space<hbm>> -> memref<1x64896xf32, #tpu.memory_space<hbm>>
      %dma_start3A_181 = tpu.memref_squeeze %dma_start3A_180 : memref<1x64896xf32, #tpu.memory_space<hbm>> -> memref<64896xf32, #tpu.memory_space<hbm>>
      %dma_start3A_182 = tpu.memref_slice %arg5[%run_scoped3A, %add3A_37] : memref<1x2076672xf32, #tpu.memory_space<hbm>> -> memref<1x64896xf32, #tpu.memory_space<hbm>>
      %dma_start3A_183 = tpu.memref_squeeze %dma_start3A_182 : memref<1x64896xf32, #tpu.memory_space<hbm>> -> memref<64896xf32, #tpu.memory_space<hbm>>
      tpu.enqueue_dma source(%arg12 : memref<64896xf32, #tpu.memory_space<vmem>>) target(%dma_start3A_183 : memref<64896xf32, #tpu.memory_space<hbm>>) target_semaphore(%run_scoped3A_179 : memref<!tpu.dma_semaphore, #tpu.memory_space<semaphore_mem>>)
      %dma_wait3A_184 = tpu.memref_slice %arg5[%run_scoped3A, %add3A_37] : memref<1x2076672xf32, #tpu.memory_space<hbm>> -> memref<1x64896xf32, #tpu.memory_space<hbm>>
      %dma_wait3A_185 = tpu.memref_squeeze %dma_wait3A_184 : memref<1x64896xf32, #tpu.memory_space<hbm>> -> memref<64896xf32, #tpu.memory_space<hbm>>
      %dma_wait3A_186 = tpu.memref_slice %arg5[%run_scoped3A, %add3A_37] : memref<1x2076672xf32, #tpu.memory_space<hbm>> -> memref<1x64896xf32, #tpu.memory_space<hbm>>
      %dma_wait3A_187 = tpu.memref_squeeze %dma_wait3A_186 : memref<1x64896xf32, #tpu.memory_space<hbm>> -> memref<64896xf32, #tpu.memory_space<hbm>>
      tpu.wait_dma2 semaphore(%run_scoped3A_179 : memref<!tpu.dma_semaphore, #tpu.memory_space<semaphore_mem>>) src(%arg12 : memref<64896xf32, #tpu.memory_space<vmem>>) dst(%dma_wait3A_187 : memref<64896xf32, #tpu.memory_space<hbm>>)
      tpu.yield
    }) : () -> ()
    %scan3A_164 = arith.constant 0 : i32
    %scan3A_165 = arith.constant 0 : i32
    %scan3A_166 = arith.constant 1014 : i32
    %scan3A_167 = arith.addi %scan3A_165, %scan3A_166 : i32
    %scan3A_168 = arith.constant 1 : i32
    %scan3A_169 = scf.for %scan3A_179 = %scan3A_165 to %scan3A_167 step %scan3A_168 iter_args(%scan3A_180 = %scan3A_164) -> (i32)  : i32 {
      %mul3A_181 = arith.constant 64 : i32
      %mul3A_182 = arith.muli %scan3A_179, %mul3A_181 : i32
      %swap3A = arith.index_cast %mul3A_182 : i32 to index
      %swap3A_183 = tpu.vector_load %arg12[%swap3A] {strides = array<i32>} : memref<64896xf32, #tpu.memory_space<vmem>>, vector<16xf32>,
      tpu.vector_store %arg12[%swap3A], %broadcast_in_dim3A_40 {strides = array<i32>} : memref<64896xf32, #tpu.memory_space<vmem>>, vector<16xf32>,
      %mul3A_184 = arith.constant 64 : i32
      %mul3A_185 = arith.muli %scan3A_179, %mul3A_184 : i32
      %add3A_186 = arith.constant 16 : i32
      %add3A_187 = arith.addi %mul3A_185, %add3A_186 : i32
      %swap3A_188 = arith.index_cast %add3A_187 : i32 to index
      %swap3A_189 = tpu.vector_load %arg12[%swap3A_188] {strides = array<i32>} : memref<64896xf32, #tpu.memory_space<vmem>>, vector<16xf32>,
      tpu.vector_store %arg12[%swap3A_188], %broadcast_in_dim3A_40 {strides = array<i32>} : memref<64896xf32, #tpu.memory_space<vmem>>, vector<16xf32>,
      %mul3A_190 = arith.constant 64 : i32
      %mul3A_191 = arith.muli %scan3A_179, %mul3A_190 : i32
      %add3A_192 = arith.constant 32 : i32
      %add3A_193 = arith.addi %mul3A_191, %add3A_192 : i32
      %swap3A_194 = arith.index_cast %add3A_193 : i32 to index
      %swap3A_195 = tpu.vector_load %arg12[%swap3A_194] {strides = array<i32>} : memref<64896xf32, #tpu.memory_space<vmem>>, vector<16xf32>,
      tpu.vector_store %arg12[%swap3A_194], %broadcast_in_dim3A_40 {strides = array<i32>} : memref<64896xf32, #tpu.memory_space<vmem>>, vector<16xf32>,
      %mul3A_196 = arith.constant 64 : i32
      %mul3A_197 = arith.muli %scan3A_179, %mul3A_196 : i32
      %add3A_198 = arith.constant 48 : i32
      %add3A_199 = arith.addi %mul3A_197, %add3A_198 : i32
      %swap3A_200 = arith.index_cast %add3A_199 : i32 to index
      %swap3A_201 = tpu.vector_load %arg12[%swap3A_200] {strides = array<i32>} : memref<64896xf32, #tpu.memory_space<vmem>>, vector<16xf32>,
      tpu.vector_store %arg12[%swap3A_200], %broadcast_in_dim3A_40 {strides = array<i32>} : memref<64896xf32, #tpu.memory_space<vmem>>, vector<16xf32>,
      %scan3A_202 = arith.constant 0 : i32
      scf.yield %scan3A_202 : i32
    }
    %scan3A_170 = arith.constant 1014 : i32
    %scan3A_171 = arith.constant 0 : i32
    %scan3A_172 = arith.constant 0 : i32
    %scan3A_173 = arith.constant 16 : i32
    %scan3A_174 = arith.addi %scan3A_172, %scan3A_173 : i32
    %scan3A_175 = arith.constant 1 : i32
    %scan3A_176 = scf.for %scan3A_179 = %scan3A_172 to %scan3A_174 step %scan3A_175 iter_args(%scan3A_180 = %scan3A_171) -> (i32)  : i32 {
      %mul3A_181 = arith.constant 2 : i32
      %mul3A_182 = arith.muli %mul3A_181, %scan3A_179 : i32
      %add3A_183 = arith.constant 0 : i32
      %add3A_184 = arith.addi %mul3A_182, %add3A_183 : i32
      %dma_wait3A_185 = arith.constant 0 : i32
      %dma_wait3A_186 = arith.constant 0 : i32
      %dma_wait3A_187 = tpu.memref_slice %arg11[%dma_wait3A_185, %dma_wait3A_186] : memref<2x8192xi32, #tpu.memory_space<vmem>> -> memref<1x8192xi32, #tpu.memory_space<vmem>>
      %dma_wait3A_188 = tpu.memref_squeeze %dma_wait3A_187 : memref<1x8192xi32, #tpu.memory_space<vmem>> -> memref<8192xi32, #tpu.memory_space<vmem>>
      %dma_wait3A_189 = tpu.memref_slice %arg7[%mul3A_39] : memref<8388608xi32, #tpu.memory_space<hbm>> -> memref<8192xi32, #tpu.memory_space<hbm>>
      %dma_wait3A_190 = arith.constant 0 : i32
      %dma_wait3A_191 = tpu.memref_slice %arg11[%dma_wait3A_185, %dma_wait3A_190] : memref<2x8192xi32, #tpu.memory_space<vmem>> -> memref<1x8192xi32, #tpu.memory_space<vmem>>
      %dma_wait3A_192 = tpu.memref_squeeze %dma_wait3A_191 : memref<1x8192xi32, #tpu.memory_space<vmem>> -> memref<8192xi32, #tpu.memory_space<vmem>>
      %dma_wait3A_193 = tpu.memref_slice %arg7[%mul3A_39] : memref<8388608xi32, #tpu.memory_space<hbm>> -> memref<8192xi32, #tpu.memory_space<hbm>>
      tpu.wait_dma2 semaphore(%arg13 : memref<!tpu.dma_semaphore, #tpu.memory_space<semaphore_mem>>) src(%dma_wait3A_193 : memref<8192xi32, #tpu.memory_space<hbm>>) dst(%dma_wait3A_192 : memref<8192xi32, #tpu.memory_space<vmem>>)
      %get3A = arith.constant 0 : i32
      %get3A_194 = arith.index_cast %get3A : i32 to index
      %get3A_195 = arith.constant 0 : index
      %get3A_196 = tpu.vector_load %arg11[%get3A_194, %get3A_195] {strides = array<i32>} : memref<2x8192xi32, #tpu.memory_space<vmem>>, vector<16xi32>,
      %get3A_197 = arith.constant 0 : i32
      %get3A_198 = arith.index_cast %get3A_197 : i32 to index
      %get3A_199 = arith.constant 16 : index
      %get3A_200 = tpu.vector_load %arg11[%get3A_198, %get3A_199] {strides = array<i32>} : memref<2x8192xi32, #tpu.memory_space<vmem>>, vector<16xi32>,
      %get3A_201 = arith.constant 0 : i32
      %get3A_202 = arith.index_cast %get3A_201 : i32 to index
      %get3A_203 = arith.constant 32 : index
      %get3A_204 = tpu.vector_load %arg11[%get3A_202, %get3A_203] {strides = array<i32>} : memref<2x8192xi32, #tpu.memory_space<vmem>>, vector<16xi32>,
      %get3A_205 = arith.constant 0 : i32
      %get3A_206 = arith.index_cast %get3A_205 : i32 to index
      %get3A_207 = arith.constant 48 : index
      %get3A_208 = tpu.vector_load %arg11[%get3A_206, %get3A_207] {strides = array<i32>} : memref<2x8192xi32, #tpu.memory_space<vmem>>, vector<16xi32>,
      %get3A_209 = arith.constant 0 : i32
      %get3A_210 = arith.index_cast %get3A_209 : i32 to index
      %get3A_211 = arith.constant 64 : index
      %get3A_212 = tpu.vector_load %arg11[%get3A_210, %get3A_211] {strides = array<i32>} : memref<2x8192xi32, #tpu.memory_space<vmem>>, vector<16xi32>,
      %get3A_213 = arith.constant 0 : i32
      %get3A_214 = arith.index_cast %get3A_213 : i32 to index
      %get3A_215 = arith.constant 80 : index
      %get3A_216 = tpu.vector_load %arg11[%get3A_214, %get3A_215] {strides = array<i32>} : memref<2x8192xi32, #tpu.memory_space<vmem>>, vector<16xi32>,
      %get3A_217 = arith.constant 0 : i32
      %get3A_218 = arith.index_cast %get3A_217 : i32 to index
      %get3A_219 = arith.constant 96 : index
      %get3A_220 = tpu.vector_load %arg11[%get3A_218, %get3A_219] {strides = array<i32>} : memref<2x8192xi32, #tpu.memory_space<vmem>>, vector<16xi32>,
      %get3A_221 = arith.constant 0 : i32
      %get3A_222 = arith.index_cast %get3A_221 : i32 to index
      %get3A_223 = arith.constant 112 : index
      %get3A_224 = tpu.vector_load %arg11[%get3A_222, %get3A_223] {strides = array<i32>} : memref<2x8192xi32, #tpu.memory_space<vmem>>, vector<16xi32>,
      %scan3A_225 = arith.constant 1 : i32
      %scan3A_226 = arith.constant 63 : i32
      %scan3A_227 = arith.addi %scan3A_225, %scan3A_226 : i32
      %scan3A_228 = arith.constant 1 : i32
      %scan3A_229:8 = scf.for %scan3A_295 = %scan3A_225 to %scan3A_227 step %scan3A_228 iter_args(%scan3A_296 = %get3A_196, %scan3A_297 = %get3A_200, %scan3A_298 = %get3A_204, %scan3A_299 = %get3A_208, %scan3A_300 = %get3A_212, %scan3A_301 = %get3A_216, %scan3A_302 = %get3A_220, %scan3A_303 = %get3A_224) -> (vector<16xi32>, vector<16xi32>, vector<16xi32>, vector<16xi32>, vector<16xi32>, vector<16xi32>, vector<16xi32>, vector<16xi32>)  : i32 {
        %mul3A_304 = arith.constant 128 : i32
        %mul3A_305 = arith.muli %scan3A_295, %mul3A_304 : i32
        %add3A_306 = arith.constant 0 : i32
        %add3A_307 = arith.addi %mul3A_305, %add3A_306 : i32
        %get3A_308 = arith.constant 0 : i32
        %get3A_309 = arith.index_cast %get3A_308 : i32 to index
        %get3A_310 = arith.index_cast %add3A_307 : i32 to index
        %get3A_311 = tpu.vector_load %arg11[%get3A_309, %get3A_310] {strides = array<i32>} : memref<2x8192xi32, #tpu.memory_space<vmem>>, vector<16xi32>,
        %mul3A_312 = arith.constant 128 : i32
        %mul3A_313 = arith.muli %scan3A_295, %mul3A_312 : i32
        %add3A_314 = arith.constant 16 : i32
        %add3A_315 = arith.addi %mul3A_313, %add3A_314 : i32
        %get3A_316 = arith.constant 0 : i32
        %get3A_317 = arith.index_cast %get3A_316 : i32 to index
        %get3A_318 = arith.index_cast %add3A_315 : i32 to index
        %get3A_319 = tpu.vector_load %arg11[%get3A_317, %get3A_318] {strides = array<i32>} : memref<2x8192xi32, #tpu.memory_space<vmem>>, vector<16xi32>,
        %mul3A_320 = arith.constant 128 : i32
        %mul3A_321 = arith.muli %scan3A_295, %mul3A_320 : i32
        %add3A_322 = arith.constant 32 : i32
        %add3A_323 = arith.addi %mul3A_321, %add3A_322 : i32
        %get3A_324 = arith.constant 0 : i32
        %get3A_325 = arith.index_cast %get3A_324 : i32 to index
        %get3A_326 = arith.index_cast %add3A_323 : i32 to index
        %get3A_327 = tpu.vector_load %arg11[%get3A_325, %get3A_326] {strides = array<i32>} : memref<2x8192xi32, #tpu.memory_space<vmem>>, vector<16xi32>,
        %mul3A_328 = arith.constant 128 : i32
        %mul3A_329 = arith.muli %scan3A_295, %mul3A_328 : i32
        %add3A_330 = arith.constant 48 : i32
        %add3A_331 = arith.addi %mul3A_329, %add3A_330 : i32
        %get3A_332 = arith.constant 0 : i32
        %get3A_333 = arith.index_cast %get3A_332 : i32 to index
        %get3A_334 = arith.index_cast %add3A_331 : i32 to index
        %get3A_335 = tpu.vector_load %arg11[%get3A_333, %get3A_334] {strides = array<i32>} : memref<2x8192xi32, #tpu.memory_space<vmem>>, vector<16xi32>,
        %mul3A_336 = arith.constant 128 : i32
        %mul3A_337 = arith.muli %scan3A_295, %mul3A_336 : i32
        %add3A_338 = arith.constant 64 : i32
        %add3A_339 = arith.addi %mul3A_337, %add3A_338 : i32
        %get3A_340 = arith.constant 0 : i32
        %get3A_341 = arith.index_cast %get3A_340 : i32 to index
        %get3A_342 = arith.index_cast %add3A_339 : i32 to index
        %get3A_343 = tpu.vector_load %arg11[%get3A_341, %get3A_342] {strides = array<i32>} : memref<2x8192xi32, #tpu.memory_space<vmem>>, vector<16xi32>,
        %mul3A_344 = arith.constant 128 : i32
        %mul3A_345 = arith.muli %scan3A_295, %mul3A_344 : i32
        %add3A_346 = arith.constant 80 : i32
        %add3A_347 = arith.addi %mul3A_345, %add3A_346 : i32
        %get3A_348 = arith.constant 0 : i32
        %get3A_349 = arith.index_cast %get3A_348 : i32 to index
        %get3A_350 = arith.index_cast %add3A_347 : i32 to index
        %get3A_351 = tpu.vector_load %arg11[%get3A_349, %get3A_350] {strides = array<i32>} : memref<2x8192xi32, #tpu.memory_space<vmem>>, vector<16xi32>,
        %mul3A_352 = arith.constant 128 : i32
        %mul3A_353 = arith.muli %scan3A_295, %mul3A_352 : i32
        %add3A_354 = arith.constant 96 : i32
        %add3A_355 = arith.addi %mul3A_353, %add3A_354 : i32
        %get3A_356 = arith.constant 0 : i32
        %get3A_357 = arith.index_cast %get3A_356 : i32 to index
        %get3A_358 = arith.index_cast %add3A_355 : i32 to index
        %get3A_359 = tpu.vector_load %arg11[%get3A_357, %get3A_358] {strides = array<i32>} : memref<2x8192xi32, #tpu.memory_space<vmem>>, vector<16xi32>,
        %mul3A_360 = arith.constant 128 : i32
        %mul3A_361 = arith.muli %scan3A_295, %mul3A_360 : i32
        %add3A_362 = arith.constant 112 : i32
        %add3A_363 = arith.addi %mul3A_361, %add3A_362 : i32
        %get3A_364 = arith.constant 0 : i32
        %get3A_365 = arith.index_cast %get3A_364 : i32 to index
        %get3A_366 = arith.index_cast %add3A_363 : i32 to index
        %get3A_367 = tpu.vector_load %arg11[%get3A_365, %get3A_366] {strides = array<i32>} : memref<2x8192xi32, #tpu.memory_space<vmem>>, vector<16xi32>,
        tpu.vector_store_idx %arg12[%scan3A_296], %broadcast_in_dim3A_42 {add = true} : memref<64896xf32, #tpu.memory_space<vmem>>[vector<16xi32>], vector<16xf32>,
        tpu.vector_store_idx %arg12[%scan3A_297], %broadcast_in_dim3A_42 {add = true} : memref<64896xf32, #tpu.memory_space<vmem>>[vector<16xi32>], vector<16xf32>,
        tpu.vector_store_idx %arg12[%scan3A_298], %broadcast_in_dim3A_42 {add = true} : memref<64896xf32, #tpu.memory_space<vmem>>[vector<16xi32>], vector<16xf32>,
        tpu.vector_store_idx %arg12[%scan3A_299], %broadcast_in_dim3A_42 {add = true} : memref<64896xf32, #tpu.memory_space<vmem>>[vector<16xi32>], vector<16xf32>,
        tpu.vector_store_idx %arg12[%scan3A_300], %broadcast_in_dim3A_42 {add = true} : memref<64896xf32, #tpu.memory_space<vmem>>[vector<16xi32>], vector<16xf32>,
        tpu.vector_store_idx %arg12[%scan3A_301], %broadcast_in_dim3A_42 {add = true} : memref<64896xf32, #tpu.memory_space<vmem>>[vector<16xi32>], vector<16xf32>,
        tpu.vector_store_idx %arg12[%scan3A_302], %broadcast_in_dim3A_42 {add = true} : memref<64896xf32, #tpu.memory_space<vmem>>[vector<16xi32>], vector<16xf32>,
        tpu.vector_store_idx %arg12[%scan3A_303], %broadcast_in_dim3A_42 {add = true} : memref<64896xf32, #tpu.memory_space<vmem>>[vector<16xi32>], vector<16xf32>,
        scf.yield %get3A_311, %get3A_319, %get3A_327, %get3A_335, %get3A_343, %get3A_351, %get3A_359, %get3A_367 : vector<16xi32>, vector<16xi32>, vector<16xi32>, vector<16xi32>, vector<16xi32>, vector<16xi32>, vector<16xi32>, vector<16xi32>
      }
      %scan3A_230 = arith.constant 63 : i32
      tpu.vector_store_idx %arg12[%scan3A_229#0], %broadcast_in_dim3A_42 {add = true} : memref<64896xf32, #tpu.memory_space<vmem>>[vector<16xi32>], vector<16xf32>,
      tpu.vector_store_idx %arg12[%scan3A_229#1], %broadcast_in_dim3A_42 {add = true} : memref<64896xf32, #tpu.memory_space<vmem>>[vector<16xi32>], vector<16xf32>,
      tpu.vector_store_idx %arg12[%scan3A_229#2], %broadcast_in_dim3A_42 {add = true} : memref<64896xf32, #tpu.memory_space<vmem>>[vector<16xi32>], vector<16xf32>,
      tpu.vector_store_idx %arg12[%scan3A_229#3], %broadcast_in_dim3A_42 {add = true} : memref<64896xf32, #tpu.memory_space<vmem>>[vector<16xi32>], vector<16xf32>,
      tpu.vector_store_idx %arg12[%scan3A_229#4], %broadcast_in_dim3A_42 {add = true} : memref<64896xf32, #tpu.memory_space<vmem>>[vector<16xi32>], vector<16xf32>,
      tpu.vector_store_idx %arg12[%scan3A_229#5], %broadcast_in_dim3A_42 {add = true} : memref<64896xf32, #tpu.memory_space<vmem>>[vector<16xi32>], vector<16xf32>,
      tpu.vector_store_idx %arg12[%scan3A_229#6], %broadcast_in_dim3A_42 {add = true} : memref<64896xf32, #tpu.memory_space<vmem>>[vector<16xi32>], vector<16xf32>,
      tpu.vector_store_idx %arg12[%scan3A_229#7], %broadcast_in_dim3A_42 {add = true} : memref<64896xf32, #tpu.memory_space<vmem>>[vector<16xi32>], vector<16xf32>,
      %add3A_231 = arith.constant 2 : i32
      %add3A_232 = arith.addi %add3A_184, %add3A_231 : i32
      %lt3A_233 = arith.constant 32 : i32
      %lt3A_234 = arith.cmpi slt, %add3A_232, %lt3A_233 : i32
      %convert_element_type3A = arith.extui %lt3A_234 : i1 to i32
      %cond3A = arith.constant 0 : i32
      %cond3A_235 = arith.cmpi ne, %convert_element_type3A, %cond3A : i32
      scf.if %cond3A_235 {
        %add3A_295 = arith.constant 2 : i32
        %add3A_296 = arith.addi %add3A_184, %add3A_295 : i32
        %mul3A_297 = arith.constant 8192 : i32
        %mul3A_298 = arith.muli %add3A_296, %mul3A_297 : i32
        %add3A_299 = arith.addi %mul3A_39, %mul3A_298 : i32
        %dma_start3A_300 = arith.constant 0 : i32
        %dma_start3A_301 = arith.constant 0 : i32
        %dma_start3A_302 = tpu.memref_slice %arg11[%dma_start3A_300, %dma_start3A_301] : memref<2x8192xi32, #tpu.memory_space<vmem>> -> memref<1x8192xi32, #tpu.memory_space<vmem>>
        %dma_start3A_303 = tpu.memref_squeeze %dma_start3A_302 : memref<1x8192xi32, #tpu.memory_space<vmem>> -> memref<8192xi32, #tpu.memory_space<vmem>>
        %dma_start3A_304 = tpu.memref_slice %arg7[%add3A_299] : memref<8388608xi32, #tpu.memory_space<hbm>> -> memref<8192xi32, #tpu.memory_space<hbm>>
        %dma_start3A_305 = arith.constant 0 : i32
        %dma_start3A_306 = tpu.memref_slice %arg11[%dma_start3A_300, %dma_start3A_305] : memref<2x8192xi32, #tpu.memory_space<vmem>> -> memref<1x8192xi32, #tpu.memory_space<vmem>>
        %dma_start3A_307 = tpu.memref_squeeze %dma_start3A_306 : memref<1x8192xi32, #tpu.memory_space<vmem>> -> memref<8192xi32, #tpu.memory_space<vmem>>
        %dma_start3A_308 = tpu.memref_slice %arg7[%add3A_299] : memref<8388608xi32, #tpu.memory_space<hbm>> -> memref<8192xi32, #tpu.memory_space<hbm>>
        tpu.enqueue_dma source(%dma_start3A_308 : memref<8192xi32, #tpu.memory_space<hbm>>) target(%dma_start3A_307 : memref<8192xi32, #tpu.memory_space<vmem>>) target_semaphore(%arg13 : memref<!tpu.dma_semaphore, #tpu.memory_space<semaphore_mem>>)
      } else {
      }
      %mul3A_236 = arith.constant 2 : i32
      %mul3A_237 = arith.muli %mul3A_236, %scan3A_179 : i32
      %add3A_238 = arith.constant 1 : i32
      %add3A_239 = arith.addi %mul3A_237, %add3A_238 : i32
      %dma_wait3A_240 = arith.constant 1 : i32
      %dma_wait3A_241 = arith.constant 0 : i32
      %dma_wait3A_242 = tpu.memref_slice %arg11[%dma_wait3A_240, %dma_wait3A_241] : memref<2x8192xi32, #tpu.memory_space<vmem>> -> memref<1x8192xi32, #tpu.memory_space<vmem>>
      %dma_wait3A_243 = tpu.memref_squeeze %dma_wait3A_242 : memref<1x8192xi32, #tpu.memory_space<vmem>> -> memref<8192xi32, #tpu.memory_space<vmem>>
      %dma_wait3A_244 = tpu.memref_slice %arg7[%mul3A_39] : memref<8388608xi32, #tpu.memory_space<hbm>> -> memref<8192xi32, #tpu.memory_space<hbm>>
      %dma_wait3A_245 = arith.constant 0 : i32
      %dma_wait3A_246 = tpu.memref_slice %arg11[%dma_wait3A_240, %dma_wait3A_245] : memref<2x8192xi32, #tpu.memory_space<vmem>> -> memref<1x8192xi32, #tpu.memory_space<vmem>>
      %dma_wait3A_247 = tpu.memref_squeeze %dma_wait3A_246 : memref<1x8192xi32, #tpu.memory_space<vmem>> -> memref<8192xi32, #tpu.memory_space<vmem>>
      %dma_wait3A_248 = tpu.memref_slice %arg7[%mul3A_39] : memref<8388608xi32, #tpu.memory_space<hbm>> -> memref<8192xi32, #tpu.memory_space<hbm>>
      tpu.wait_dma2 semaphore(%arg14 : memref<!tpu.dma_semaphore, #tpu.memory_space<semaphore_mem>>) src(%dma_wait3A_248 : memref<8192xi32, #tpu.memory_space<hbm>>) dst(%dma_wait3A_247 : memref<8192xi32, #tpu.memory_space<vmem>>)
      %get3A_249 = arith.constant 1 : i32
      %get3A_250 = arith.index_cast %get3A_249 : i32 to index
      %get3A_251 = arith.constant 0 : index
      %get3A_252 = tpu.vector_load %arg11[%get3A_250, %get3A_251] {strides = array<i32>} : memref<2x8192xi32, #tpu.memory_space<vmem>>, vector<16xi32>,
      %get3A_253 = arith.constant 1 : i32
      %get3A_254 = arith.index_cast %get3A_253 : i32 to index
      %get3A_255 = arith.constant 16 : index
      %get3A_256 = tpu.vector_load %arg11[%get3A_254, %get3A_255] {strides = array<i32>} : memref<2x8192xi32, #tpu.memory_space<vmem>>, vector<16xi32>,
      %get3A_257 = arith.constant 1 : i32
      %get3A_258 = arith.index_cast %get3A_257 : i32 to index
      %get3A_259 = arith.constant 32 : index
      %get3A_260 = tpu.vector_load %arg11[%get3A_258, %get3A_259] {strides = array<i32>} : memref<2x8192xi32, #tpu.memory_space<vmem>>, vector<16xi32>,
      %get3A_261 = arith.constant 1 : i32
      %get3A_262 = arith.index_cast %get3A_261 : i32 to index
      %get3A_263 = arith.constant 48 : index
      %get3A_264 = tpu.vector_load %arg11[%get3A_262, %get3A_263] {strides = array<i32>} : memref<2x8192xi32, #tpu.memory_space<vmem>>, vector<16xi32>,
      %get3A_265 = arith.constant 1 : i32
      %get3A_266 = arith.index_cast %get3A_265 : i32 to index
      %get3A_267 = arith.constant 64 : index
      %get3A_268 = tpu.vector_load %arg11[%get3A_266, %get3A_267] {strides = array<i32>} : memref<2x8192xi32, #tpu.memory_space<vmem>>, vector<16xi32>,
      %get3A_269 = arith.constant 1 : i32
      %get3A_270 = arith.index_cast %get3A_269 : i32 to index
      %get3A_271 = arith.constant 80 : index
      %get3A_272 = tpu.vector_load %arg11[%get3A_270, %get3A_271] {strides = array<i32>} : memref<2x8192xi32, #tpu.memory_space<vmem>>, vector<16xi32>,
      %get3A_273 = arith.constant 1 : i32
      %get3A_274 = arith.index_cast %get3A_273 : i32 to index
      %get3A_275 = arith.constant 96 : index
      %get3A_276 = tpu.vector_load %arg11[%get3A_274, %get3A_275] {strides = array<i32>} : memref<2x8192xi32, #tpu.memory_space<vmem>>, vector<16xi32>,
      %get3A_277 = arith.constant 1 : i32
      %get3A_278 = arith.index_cast %get3A_277 : i32 to index
      %get3A_279 = arith.constant 112 : index
      %get3A_280 = tpu.vector_load %arg11[%get3A_278, %get3A_279] {strides = array<i32>} : memref<2x8192xi32, #tpu.memory_space<vmem>>, vector<16xi32>,
      %scan3A_281 = arith.constant 1 : i32
      %scan3A_282 = arith.constant 63 : i32
      %scan3A_283 = arith.addi %scan3A_281, %scan3A_282 : i32
      %scan3A_284 = arith.constant 1 : i32
      %scan3A_285:8 = scf.for %scan3A_295 = %scan3A_281 to %scan3A_283 step %scan3A_284 iter_args(%scan3A_296 = %get3A_252, %scan3A_297 = %get3A_256, %scan3A_298 = %get3A_260, %scan3A_299 = %get3A_264, %scan3A_300 = %get3A_268, %scan3A_301 = %get3A_272, %scan3A_302 = %get3A_276, %scan3A_303 = %get3A_280) -> (vector<16xi32>, vector<16xi32>, vector<16xi32>, vector<16xi32>, vector<16xi32>, vector<16xi32>, vector<16xi32>, vector<16xi32>)  : i32 {
        %mul3A_304 = arith.constant 128 : i32
        %mul3A_305 = arith.muli %scan3A_295, %mul3A_304 : i32
        %add3A_306 = arith.constant 0 : i32
        %add3A_307 = arith.addi %mul3A_305, %add3A_306 : i32
        %get3A_308 = arith.constant 1 : i32
        %get3A_309 = arith.index_cast %get3A_308 : i32 to index
        %get3A_310 = arith.index_cast %add3A_307 : i32 to index
        %get3A_311 = tpu.vector_load %arg11[%get3A_309, %get3A_310] {strides = array<i32>} : memref<2x8192xi32, #tpu.memory_space<vmem>>, vector<16xi32>,
        %mul3A_312 = arith.constant 128 : i32
        %mul3A_313 = arith.muli %scan3A_295, %mul3A_312 : i32
        %add3A_314 = arith.constant 16 : i32
        %add3A_315 = arith.addi %mul3A_313, %add3A_314 : i32
        %get3A_316 = arith.constant 1 : i32
        %get3A_317 = arith.index_cast %get3A_316 : i32 to index
        %get3A_318 = arith.index_cast %add3A_315 : i32 to index
        %get3A_319 = tpu.vector_load %arg11[%get3A_317, %get3A_318] {strides = array<i32>} : memref<2x8192xi32, #tpu.memory_space<vmem>>, vector<16xi32>,
        %mul3A_320 = arith.constant 128 : i32
        %mul3A_321 = arith.muli %scan3A_295, %mul3A_320 : i32
        %add3A_322 = arith.constant 32 : i32
        %add3A_323 = arith.addi %mul3A_321, %add3A_322 : i32
        %get3A_324 = arith.constant 1 : i32
        %get3A_325 = arith.index_cast %get3A_324 : i32 to index
        %get3A_326 = arith.index_cast %add3A_323 : i32 to index
        %get3A_327 = tpu.vector_load %arg11[%get3A_325, %get3A_326] {strides = array<i32>} : memref<2x8192xi32, #tpu.memory_space<vmem>>, vector<16xi32>,
        %mul3A_328 = arith.constant 128 : i32
        %mul3A_329 = arith.muli %scan3A_295, %mul3A_328 : i32
        %add3A_330 = arith.constant 48 : i32
        %add3A_331 = arith.addi %mul3A_329, %add3A_330 : i32
        %get3A_332 = arith.constant 1 : i32
        %get3A_333 = arith.index_cast %get3A_332 : i32 to index
        %get3A_334 = arith.index_cast %add3A_331 : i32 to index
        %get3A_335 = tpu.vector_load %arg11[%get3A_333, %get3A_334] {strides = array<i32>} : memref<2x8192xi32, #tpu.memory_space<vmem>>, vector<16xi32>,
        %mul3A_336 = arith.constant 128 : i32
        %mul3A_337 = arith.muli %scan3A_295, %mul3A_336 : i32
        %add3A_338 = arith.constant 64 : i32
        %add3A_339 = arith.addi %mul3A_337, %add3A_338 : i32
        %get3A_340 = arith.constant 1 : i32
        %get3A_341 = arith.index_cast %get3A_340 : i32 to index
        %get3A_342 = arith.index_cast %add3A_339 : i32 to index
        %get3A_343 = tpu.vector_load %arg11[%get3A_341, %get3A_342] {strides = array<i32>} : memref<2x8192xi32, #tpu.memory_space<vmem>>, vector<16xi32>,
        %mul3A_344 = arith.constant 128 : i32
        %mul3A_345 = arith.muli %scan3A_295, %mul3A_344 : i32
        %add3A_346 = arith.constant 80 : i32
        %add3A_347 = arith.addi %mul3A_345, %add3A_346 : i32
        %get3A_348 = arith.constant 1 : i32
        %get3A_349 = arith.index_cast %get3A_348 : i32 to index
        %get3A_350 = arith.index_cast %add3A_347 : i32 to index
        %get3A_351 = tpu.vector_load %arg11[%get3A_349, %get3A_350] {strides = array<i32>} : memref<2x8192xi32, #tpu.memory_space<vmem>>, vector<16xi32>,
        %mul3A_352 = arith.constant 128 : i32
        %mul3A_353 = arith.muli %scan3A_295, %mul3A_352 : i32
        %add3A_354 = arith.constant 96 : i32
        %add3A_355 = arith.addi %mul3A_353, %add3A_354 : i32
        %get3A_356 = arith.constant 1 : i32
        %get3A_357 = arith.index_cast %get3A_356 : i32 to index
        %get3A_358 = arith.index_cast %add3A_355 : i32 to index
        %get3A_359 = tpu.vector_load %arg11[%get3A_357, %get3A_358] {strides = array<i32>} : memref<2x8192xi32, #tpu.memory_space<vmem>>, vector<16xi32>,
        %mul3A_360 = arith.constant 128 : i32
        %mul3A_361 = arith.muli %scan3A_295, %mul3A_360 : i32
        %add3A_362 = arith.constant 112 : i32
        %add3A_363 = arith.addi %mul3A_361, %add3A_362 : i32
        %get3A_364 = arith.constant 1 : i32
        %get3A_365 = arith.index_cast %get3A_364 : i32 to index
        %get3A_366 = arith.index_cast %add3A_363 : i32 to index
        %get3A_367 = tpu.vector_load %arg11[%get3A_365, %get3A_366] {strides = array<i32>} : memref<2x8192xi32, #tpu.memory_space<vmem>>, vector<16xi32>,
        tpu.vector_store_idx %arg12[%scan3A_296], %broadcast_in_dim3A_42 {add = true} : memref<64896xf32, #tpu.memory_space<vmem>>[vector<16xi32>], vector<16xf32>,
        tpu.vector_store_idx %arg12[%scan3A_297], %broadcast_in_dim3A_42 {add = true} : memref<64896xf32, #tpu.memory_space<vmem>>[vector<16xi32>], vector<16xf32>,
        tpu.vector_store_idx %arg12[%scan3A_298], %broadcast_in_dim3A_42 {add = true} : memref<64896xf32, #tpu.memory_space<vmem>>[vector<16xi32>], vector<16xf32>,
        tpu.vector_store_idx %arg12[%scan3A_299], %broadcast_in_dim3A_42 {add = true} : memref<64896xf32, #tpu.memory_space<vmem>>[vector<16xi32>], vector<16xf32>,
        tpu.vector_store_idx %arg12[%scan3A_300], %broadcast_in_dim3A_42 {add = true} : memref<64896xf32, #tpu.memory_space<vmem>>[vector<16xi32>], vector<16xf32>,
        tpu.vector_store_idx %arg12[%scan3A_301], %broadcast_in_dim3A_42 {add = true} : memref<64896xf32, #tpu.memory_space<vmem>>[vector<16xi32>], vector<16xf32>,
        tpu.vector_store_idx %arg12[%scan3A_302], %broadcast_in_dim3A_42 {add = true} : memref<64896xf32, #tpu.memory_space<vmem>>[vector<16xi32>], vector<16xf32>,
        tpu.vector_store_idx %arg12[%scan3A_303], %broadcast_in_dim3A_42 {add = true} : memref<64896xf32, #tpu.memory_space<vmem>>[vector<16xi32>], vector<16xf32>,
        scf.yield %get3A_311, %get3A_319, %get3A_327, %get3A_335, %get3A_343, %get3A_351, %get3A_359, %get3A_367 : vector<16xi32>, vector<16xi32>, vector<16xi32>, vector<16xi32>, vector<16xi32>, vector<16xi32>, vector<16xi32>, vector<16xi32>
      }
      %scan3A_286 = arith.constant 63 : i32
      tpu.vector_store_idx %arg12[%scan3A_285#0], %broadcast_in_dim3A_42 {add = true} : memref<64896xf32, #tpu.memory_space<vmem>>[vector<16xi32>], vector<16xf32>,
      tpu.vector_store_idx %arg12[%scan3A_285#1], %broadcast_in_dim3A_42 {add = true} : memref<64896xf32, #tpu.memory_space<vmem>>[vector<16xi32>], vector<16xf32>,
      tpu.vector_store_idx %arg12[%scan3A_285#2], %broadcast_in_dim3A_42 {add = true} : memref<64896xf32, #tpu.memory_space<vmem>>[vector<16xi32>], vector<16xf32>,
      tpu.vector_store_idx %arg12[%scan3A_285#3], %broadcast_in_dim3A_42 {add = true} : memref<64896xf32, #tpu.memory_space<vmem>>[vector<16xi32>], vector<16xf32>,
      tpu.vector_store_idx %arg12[%scan3A_285#4], %broadcast_in_dim3A_42 {add = true} : memref<64896xf32, #tpu.memory_space<vmem>>[vector<16xi32>], vector<16xf32>,
      tpu.vector_store_idx %arg12[%scan3A_285#5], %broadcast_in_dim3A_42 {add = true} : memref<64896xf32, #tpu.memory_space<vmem>>[vector<16xi32>], vector<16xf32>,
      tpu.vector_store_idx %arg12[%scan3A_285#6], %broadcast_in_dim3A_42 {add = true} : memref<64896xf32, #tpu.memory_space<vmem>>[vector<16xi32>], vector<16xf32>,
      tpu.vector_store_idx %arg12[%scan3A_285#7], %broadcast_in_dim3A_42 {add = true} : memref<64896xf32, #tpu.memory_space<vmem>>[vector<16xi32>], vector<16xf32>,
      %add3A_287 = arith.constant 2 : i32
      %add3A_288 = arith.addi %add3A_239, %add3A_287 : i32
      %lt3A_289 = arith.constant 32 : i32
      %lt3A_290 = arith.cmpi slt, %add3A_288, %lt3A_289 : i32
      %convert_element_type3A_291 = arith.extui %lt3A_290 : i1 to i32
      %cond3A_292 = arith.constant 0 : i32
      %cond3A_293 = arith.cmpi ne, %convert_element_type3A_291, %cond3A_292 : i32
      scf.if %cond3A_293 {
        %add3A_295 = arith.constant 2 : i32
        %add3A_296 = arith.addi %add3A_239, %add3A_295 : i32
        %mul3A_297 = arith.constant 8192 : i32
        %mul3A_298 = arith.muli %add3A_296, %mul3A_297 : i32
        %add3A_299 = arith.addi %mul3A_39, %mul3A_298 : i32
        %dma_start3A_300 = arith.constant 1 : i32
        %dma_start3A_301 = arith.constant 0 : i32
        %dma_start3A_302 = tpu.memref_slice %arg11[%dma_start3A_300, %dma_start3A_301] : memref<2x8192xi32, #tpu.memory_space<vmem>> -> memref<1x8192xi32, #tpu.memory_space<vmem>>
        %dma_start3A_303 = tpu.memref_squeeze %dma_start3A_302 : memref<1x8192xi32, #tpu.memory_space<vmem>> -> memref<8192xi32, #tpu.memory_space<vmem>>
        %dma_start3A_304 = tpu.memref_slice %arg7[%add3A_299] : memref<8388608xi32, #tpu.memory_space<hbm>> -> memref<8192xi32, #tpu.memory_space<hbm>>
        %dma_start3A_305 = arith.constant 0 : i32
        %dma_start3A_306 = tpu.memref_slice %arg11[%dma_start3A_300, %dma_start3A_305] : memref<2x8192xi32, #tpu.memory_space<vmem>> -> memref<1x8192xi32, #tpu.memory_space<vmem>>
        %dma_start3A_307 = tpu.memref_squeeze %dma_start3A_306 : memref<1x8192xi32, #tpu.memory_space<vmem>> -> memref<8192xi32, #tpu.memory_space<vmem>>
        %dma_start3A_308 = tpu.memref_slice %arg7[%add3A_299] : memref<8388608xi32, #tpu.memory_space<hbm>> -> memref<8192xi32, #tpu.memory_space<hbm>>
        tpu.enqueue_dma source(%dma_start3A_308 : memref<8192xi32, #tpu.memory_space<hbm>>) target(%dma_start3A_307 : memref<8192xi32, #tpu.memory_space<vmem>>) target_semaphore(%arg14 : memref<!tpu.dma_semaphore, #tpu.memory_space<semaphore_mem>>)
      } else {
      }
      %scan3A_294 = arith.constant 0 : i32
      scf.yield %scan3A_294 : i32
    }
    %scan3A_177 = arith.constant 16 : i32
    %run_scoped3A_178 = arith.constant 0 : i32
    "tpu.region"() ({
      %run_scoped3A_179 = tpu.sem_alloc : memref<!tpu.dma_semaphore, #tpu.memory_space<semaphore_mem>>
      %dma_start3A_180 = tpu.memref_slice %arg6[%run_scoped3A_178, %add3A_37] : memref<1x2076672xf32, #tpu.memory_space<hbm>> -> memref<1x64896xf32, #tpu.memory_space<hbm>>
      %dma_start3A_181 = tpu.memref_squeeze %dma_start3A_180 : memref<1x64896xf32, #tpu.memory_space<hbm>> -> memref<64896xf32, #tpu.memory_space<hbm>>
      %dma_start3A_182 = tpu.memref_slice %arg6[%run_scoped3A_178, %add3A_37] : memref<1x2076672xf32, #tpu.memory_space<hbm>> -> memref<1x64896xf32, #tpu.memory_space<hbm>>
      %dma_start3A_183 = tpu.memref_squeeze %dma_start3A_182 : memref<1x64896xf32, #tpu.memory_space<hbm>> -> memref<64896xf32, #tpu.memory_space<hbm>>
      tpu.enqueue_dma source(%arg12 : memref<64896xf32, #tpu.memory_space<vmem>>) target(%dma_start3A_183 : memref<64896xf32, #tpu.memory_space<hbm>>) target_semaphore(%run_scoped3A_179 : memref<!tpu.dma_semaphore, #tpu.memory_space<semaphore_mem>>)
      %dma_wait3A_184 = tpu.memref_slice %arg6[%run_scoped3A_178, %add3A_37] : memref<1x2076672xf32, #tpu.memory_space<hbm>> -> memref<1x64896xf32, #tpu.memory_space<hbm>>
      %dma_wait3A_185 = tpu.memref_squeeze %dma_wait3A_184 : memref<1x64896xf32, #tpu.memory_space<hbm>> -> memref<64896xf32, #tpu.memory_space<hbm>>
      %dma_wait3A_186 = tpu.memref_slice %arg6[%run_scoped3A_178, %add3A_37] : memref<1x2076672xf32, #tpu.memory_space<hbm>> -> memref<1x64896xf32, #tpu.memory_space<hbm>>
      %dma_wait3A_187 = tpu.memref_squeeze %dma_wait3A_186 : memref<1x64896xf32, #tpu.memory_space<hbm>> -> memref<64896xf32, #tpu.memory_space<hbm>>
      tpu.wait_dma2 semaphore(%run_scoped3A_179 : memref<!tpu.dma_semaphore, #tpu.memory_space<semaphore_mem>>) src(%arg12 : memref<64896xf32, #tpu.memory_space<vmem>>) dst(%dma_wait3A_187 : memref<64896xf32, #tpu.memory_space<hbm>>)
      tpu.yield
    }) : () -> ()
    return
  }
}

module attributes {stable_mosaic.version = 14 : i64} {
  func.func @body(%arg0: i32, %arg1: memref<1x129792xf32, #tpu.memory_space<vmem>>, %arg2: memref<1x129792xf32, #tpu.memory_space<vmem>>, %arg3: memref<1x64800xf32, #tpu.memory_space<vmem>>, %arg4: memref<1x64800xf32, #tpu.memory_space<vmem>>, %arg5: memref<1x3x64800xf32, #tpu.memory_space<vmem>>) attributes {dimension_semantics = [#tpu.dimension_semantics<arbitrary>], iteration_bounds = array<i64: 16>, scalar_prefetch = 0 : i64, scratch_operands = 0 : i64, tpu.core_type = #tpu.core_type<tc>, window_params = [{transform_indices = @transform_0, window_bounds = array<i64: 1, 129792>}, {transform_indices = @transform_1, window_bounds = array<i64: 1, 129792>}, {pipeline_mode = #tpu.pipeline_mode<synchronous>, transform_indices = @transform_2, window_bounds = array<i64: 1, 64800>}, {pipeline_mode = #tpu.pipeline_mode<synchronous>, transform_indices = @transform_3, window_bounds = array<i64: 1, 64800>}, {transform_indices = @transform_4, window_bounds = array<i64: 1, 3, 64800>}]} {
    %get3A = arith.constant 0 : index
    %get3A_0 = arith.constant 0 : index
    %get3A_1 = vector.load %arg1[%get3A, %get3A_0] : memref<1x129792xf32, #tpu.memory_space<vmem>>, vector<1x64800xf32>
    %get3A_2 = arith.constant 0 : index
    %get3A_3 = arith.constant 64896 : index
    %get3A_4 = vector.load %arg1[%get3A_2, %get3A_3] : memref<1x129792xf32, #tpu.memory_space<vmem>>, vector<1x64800xf32>
    %add3A = arith.addf %get3A_1, %get3A_4 : vector<1x64800xf32>
    %get3A_5 = arith.constant 0 : index
    %get3A_6 = arith.constant 0 : index
    %get3A_7 = vector.load %arg2[%get3A_5, %get3A_6] : memref<1x129792xf32, #tpu.memory_space<vmem>>, vector<1x64800xf32>
    %get3A_8 = arith.constant 0 : index
    %get3A_9 = arith.constant 64896 : index
    %get3A_10 = vector.load %arg2[%get3A_8, %get3A_9] : memref<1x129792xf32, #tpu.memory_space<vmem>>, vector<1x64800xf32>
    %add3A_11 = arith.addf %get3A_7, %get3A_10 : vector<1x64800xf32>
    %get3A_12 = arith.constant 0 : index
    %get3A_13 = arith.constant 0 : index
    %get3A_14 = vector.load %arg3[%get3A_12, %get3A_13] : memref<1x64800xf32, #tpu.memory_space<vmem>>, vector<1x64800xf32>
    %swap3A = arith.constant 0 : index
    %swap3A_15 = arith.constant 0 : index
    %swap3A_16 = arith.constant 0 : index
    %swap3A_17 = vector.load %arg5[%swap3A, %swap3A_15, %swap3A_16] : memref<1x3x64800xf32, #tpu.memory_space<vmem>>, vector<1x1x64800xf32>
    %swap3A_18 = vector.shape_cast %swap3A_17 : vector<1x1x64800xf32> to vector<1x64800xf32>
    %swap3A_19 = vector.shape_cast %get3A_14 : vector<1x64800xf32> to vector<1x1x64800xf32>
    tpu.vector_store %arg5[%swap3A, %swap3A_15, %swap3A_16], %swap3A_19 {strides = array<i32>} : memref<1x3x64800xf32, #tpu.memory_space<vmem>>, vector<1x1x64800xf32>,
    %get3A_20 = arith.constant 0 : index
    %get3A_21 = arith.constant 0 : index
    %get3A_22 = vector.load %arg4[%get3A_20, %get3A_21] : memref<1x64800xf32, #tpu.memory_space<vmem>>, vector<1x64800xf32>
    %swap3A_23 = arith.constant 0 : index
    %swap3A_24 = arith.constant 1 : index
    %swap3A_25 = arith.constant 0 : index
    %swap3A_26 = vector.load %arg5[%swap3A_23, %swap3A_24, %swap3A_25] : memref<1x3x64800xf32, #tpu.memory_space<vmem>>, vector<1x1x64800xf32>
    %swap3A_27 = vector.shape_cast %swap3A_26 : vector<1x1x64800xf32> to vector<1x64800xf32>
    %swap3A_28 = vector.shape_cast %get3A_22 : vector<1x64800xf32> to vector<1x1x64800xf32>
    tpu.vector_store %arg5[%swap3A_23, %swap3A_24, %swap3A_25], %swap3A_28 {strides = array<i32>} : memref<1x3x64800xf32, #tpu.memory_space<vmem>>, vector<1x1x64800xf32>,
    %max3A = arith.constant 1.000000e+00 : f32
    %max3A_29 = vector.broadcast %max3A : f32 to vector<1x64800xf32>
    %max3A_30 = arith.maximumf %add3A_11, %max3A_29 : vector<1x64800xf32>
    %div3A = arith.divf %add3A, %max3A_30 : vector<1x64800xf32>
    %swap3A_31 = arith.constant 0 : index
    %swap3A_32 = arith.constant 2 : index
    %swap3A_33 = arith.constant 0 : index
    %swap3A_34 = vector.load %arg5[%swap3A_31, %swap3A_32, %swap3A_33] : memref<1x3x64800xf32, #tpu.memory_space<vmem>>, vector<1x1x64800xf32>
    %swap3A_35 = vector.shape_cast %swap3A_34 : vector<1x1x64800xf32> to vector<1x64800xf32>
    %swap3A_36 = vector.shape_cast %div3A : vector<1x64800xf32> to vector<1x1x64800xf32>
    tpu.vector_store %arg5[%swap3A_31, %swap3A_32, %swap3A_33], %swap3A_36 {strides = array<i32>} : memref<1x3x64800xf32, #tpu.memory_space<vmem>>, vector<1x1x64800xf32>,
    return
  }
  func.func @transform_0(%arg0: i32) -> (i32, i32) {
    %c0_i32 = arith.constant 0 : i32
    %c0_i32_0 = arith.constant 0 : i32
    return %c0_i32, %arg0 : i32, i32
  }
  func.func @transform_1(%arg0: i32) -> (i32, i32) {
    %c0_i32 = arith.constant 0 : i32
    %c0_i32_0 = arith.constant 0 : i32
    return %c0_i32, %arg0 : i32, i32
  }
  func.func @transform_2(%arg0: i32) -> (i32, i32) {
    %c0_i32 = arith.constant 0 : i32
    %c0_i32_0 = arith.constant 0 : i32
    %c0_i32_1 = arith.constant 0 : i32
    return %c0_i32, %c0_i32_0 : i32, i32
  }
  func.func @transform_3(%arg0: i32) -> (i32, i32) {
    %c0_i32 = arith.constant 0 : i32
    %c0_i32_0 = arith.constant 0 : i32
    %c0_i32_1 = arith.constant 0 : i32
    return %c0_i32, %c0_i32_0 : i32, i32
  }
  func.func @transform_4(%arg0: i32) -> (i32, i32, i32) {
    %c0_i32 = arith.constant 0 : i32
    %c0_i32_0 = arith.constant 0 : i32
    %c0_i32_1 = arith.constant 0 : i32
    return %arg0, %c0_i32, %c0_i32_0 : i32, i32, i32
  }
}

</mosaic_0001>

<sc_bundles>
// kernel: kernel.4.cloned.1.call-start
scs
__scs_entry_jumppad:
0x0: {  	(pc) =	sbr.rel $0x88, $3  }
0x1: {  	(tag) =	ssettag $0x0;
	lr =	simm.s32 $0x1  }
0x2: {  	[smem:$0x3F9C] =	sst lr;
	_ =	strace $0xD0000000  }
0x3: {  	_ = 	snop  }
0x4: {  	_ = 	snop  }
0x5: {  	_ = 	snop  }
0x6: {  	_ = 	snop  }
0x7: {  	_ = 	snop  }
__scs_overlays_trampoline_lowered:
0x8: {  	[smem:$0x3FAB] =	sst s0  }
0x9: {  	[smem:$0x3FAC] =	sst s1  }
0xa: {  	[smem:$0x3FAD] =	sst s2  }
0xb: {  	[smem:$0x3FAE] =	sst s3  }
0xc: {  	[smem:$0x3FAF] =	sst s4  }
0xd: {  	[smem:$0x3FB0] =	sst s5  }
0xe: {  	[smem:$0x3FB1] =	sst s6  }
0xf: {  	[smem:$0x3FB2] =	sst s7  }
0x10: {  	[smem:$0x3FB3] =	sst s8  }
0x11: {  	[smem:$0x3FB4] =	sst s9;
	s0 =	simm.s32 @!p0 $0x0  }
0x12: {  	s1 =	sld [smem:$0x3F9A];
	s0 =	simm.s32 @p0 $0x1  }
0x13: {  	[smem:$0x3FB5] =	sst s0;
	s0 =	simm.s32 @!p1 $0x0  }
0x14: {  	s2 =	sld [smem:$0x3F99];
	s0 =	simm.s32 @p1 $0x1  }
0x15: {  	[smem:$0x3FB6] =	sst s0;
	s0 =	simm.s32 @!p2 $0x0  }
0x16: {  	s3 =	sld [smem:$0x3FDB];
	s0 =	simm.s32 @p2 $0x1  }
0x17: {  	s4 =	simm.s32 $0x1BF5;
	[smem:$0x3FB8] =	sst s0  }
0x18: {  	s0 =	sld [smem:$0x3F9B];
	_ =	swait.ge [sflag:s4], $0x0  }
0x19: {  	s7 =	sld [smem:$0x3F9C]  }
0x1a: {  	s8 =	sadd.s32 $0xFFFFE003, lr  }
0x1b: {  	s9 =	sadd.s32 $0xFFFFFEF7, lr;
	s5 =	simm.s32 $0xFFFFFFFF;
	p2 =	slt.u32 s8, $0xFFFFF086  }
0x1c: {  	p1 =	slt.u32 s9, $0xF7A;
	s5 =	simm.s32 @!p2 $0x0  }
0x1d: {  	s5 =	simm.s32 @p1 $0x1;
	p0 =	seq.s32 s7, s2  }
0x1e: {  	s7 =	smul.u32 @!p0 $0xF7A, s2;
	p2 =	seq.s32 @!p0 s5, $0x0  }
0x1f: {  	s9 =	smul.u32 $0xF7A, s1;
	s8 =	simm.s32 @!p0 $0x1BF5;
	p2 =	por !p2, p0  }
0x20: {  	[sflag:s8] =	ssyncset.s32 @!p0 $0xFFFFF086;
	s6 =	sadd.s32 @!p0 s3, s7;
	s7 =	simm.s32 @!p0 $0x108  }
0x21: {  	s3 =	sadd.s32 s3, s9;
	s6 =	sadd.s32 @!p0 $0x88, s6;
	s7 =	simm.s32 @p2 $0x1082  }
0x22: {  	[simem:s7], [sflag:s8] =	dma.local @!p0 [hbm:s6], $0xF7A  }
0x23: {  	s9 =	sor.u32 $0xD0000000, s2;
	s6 =	simm.s32 $0x108;
	_ =	swait.ge @!p0 [sflag:s8], $0x0  }
0x24: {  	s3 =	sadd.s32 $0x88, s3;
	s6 =	simm.s32 @!p1 $0x1082;
	[sflag:s4] =	ssyncset.s32 $0xFFFFF086  }
0x25: {  	[simem:s6], [sflag:s4] =	dma.local [hbm:s3], $0xF7A  }
0x26: {  	[smem:$0x3F9C] =	sst s1;
	(tag) =	ssettag s2;
	_ =	strace s9  }
0x27: {  	s1 =	sld [smem:$0x3FAC]  }
0x28: {  	s2 =	sld [smem:$0x3FAD]  }
0x29: {  	s4 =	sld [smem:$0x3FAF]  }
0x2a: {  	p0 =	seq.s32 s5, $0x0;
	s5 =	sld [smem:$0x3FB0]  }
0x2b: {  	s6 =	sld [smem:$0x3FB1]  }
0x2c: {  	s7 =	sld [smem:$0x3FB2]  }
0x2d: {  	s3 =	simm.s32 $0x108;
	s8 =	sld [smem:$0x3FB3]  }
0x2e: {  	s3 =	simm.s32 @!p0 $0x1082;
	s9 =	sld [smem:$0x3FB4]  }
0x2f: {  	lr =	sadd.s32 s0, s3;
	s0 =	sld [smem:$0x3FAB]  }
0x30: {  	s3 =	sld [smem:$0x3FAE]  }
0x31: {  	[smem:$0x3FB7] =	sst s10  }
0x32: {  	s10 =	sld [smem:$0x3FB5];
	_ =	sdelay $0x3  }
0x33: {  	p0 =	seq.s32 s10, $0x1;
	s10 =	sld [smem:$0x3FB7];
	_ =	sdelay $0x3  }
0x34: {  	[smem:$0x3FB7] =	sst s10  }
0x35: {  	s10 =	sld [smem:$0x3FB6];
	_ =	sdelay $0x3  }
0x36: {  	p1 =	seq.s32 s10, $0x1;
	s10 =	sld [smem:$0x3FB7];
	_ =	sdelay $0x3  }
0x37: {  	[smem:$0x3FB7] =	sst s10  }
0x38: {  	s10 =	sld [smem:$0x3FB8]  }
0x39: {  	_ = 	snop;
	(pc) =	sbr.ind lr, $3  }
0x3a: {  	_ = 	snop  }
0x3b: {  	_ = 	snop  }
0x3c: {  	p2 =	seq.s32 s10, $0x1;
	s10 =	sld [smem:$0x3FB7]  }
0x3d: {  	_ =	shalt  }
0x3e: {  	_ =	shalt  }
0x3f: {  	_ =	shalt  }
0x40: {  	_ =	shalt  }
0x41: {  	_ =	shalt  }
0x42: {  	_ =	shalt  }
0x43: {  	_ =	shalt  }
0x44: {  	_ =	shalt  }
0x45: {  	_ =	shalt  }
0x46: {  	_ =	shalt  }
0x47: {  	_ =	shalt  }
0x48: {  	_ =	shalt  }
0x49: {  	_ =	shalt  }
0x4a: {  	_ =	shalt  }
0x4b: {  	_ =	shalt  }
0x4c: {  	_ =	shalt  }
0x4d: {  	_ =	shalt  }
0x4e: {  	_ =	shalt  }
0x4f: {  	_ =	shalt  }
0x50: {  	_ =	shalt  }
0x51: {  	_ =	shalt  }
0x52: {  	_ =	shalt  }
0x53: {  	_ =	shalt  }
0x54: {  	_ =	shalt  }
0x55: {  	_ =	shalt  }
0x56: {  	_ =	shalt  }
0x57: {  	_ =	shalt  }
0x58: {  	_ =	shalt  }
0x59: {  	_ =	shalt  }
0x5a: {  	_ =	shalt  }
0x5b: {  	_ =	shalt  }
0x5c: {  	_ =	shalt  }
0x5d: {  	_ =	shalt  }
0x5e: {  	_ =	shalt  }
0x5f: {  	_ =	shalt  }
0x60: {  	_ =	shalt  }
0x61: {  	_ =	shalt  }
0x62: {  	_ =	shalt  }
0x63: {  	_ =	shalt  }
0x64: {  	_ =	shalt  }
0x65: {  	_ =	shalt  }
0x66: {  	_ =	shalt  }
0x67: {  	_ =	shalt  }
0x68: {  	_ =	shalt  }
0x69: {  	_ =	shalt  }
0x6a: {  	_ =	shalt  }
0x6b: {  	_ =	shalt  }
0x6c: {  	_ =	shalt  }
0x6d: {  	_ =	shalt  }
0x6e: {  	_ =	shalt  }
0x6f: {  	_ =	shalt  }
0x70: {  	_ =	shalt  }
0x71: {  	_ =	shalt  }
0x72: {  	_ =	shalt  }
0x73: {  	_ =	shalt  }
0x74: {  	_ =	shalt  }
0x75: {  	_ =	shalt  }
0x76: {  	_ =	shalt  }
0x77: {  	_ =	shalt  }
0x78: {  	_ =	shalt  }
0x79: {  	_ =	shalt  }
0x7a: {  	_ =	shalt  }
0x7b: {  	_ =	shalt  }
0x7c: {  	_ =	shalt  }
0x7d: {  	_ =	shalt  }
0x7e: {  	_ =	shalt  }
0x7f: {  	_ =	shalt  }
0x80: {  	_ =	shalt  }
0x81: {  	_ =	shalt  }
0x82: {  	_ =	shalt  }
0x83: {  	_ =	shalt  }
0x84: {  	_ =	shalt  }
0x85: {  	_ =	shalt  }
0x86: {  	_ =	shalt  }
0x87: {  	_ =	shalt  }
.Lfunc_end0:
.L_simem_size_0:
called_computation_lowered:
.L_overlay_start_0:
0x88: {  	s2 =	sld [smem:$0x3FD9]  }
0x89: {  	s3 =	sld [smem:$0x3FFE];
	_ =	sdelay $0x1  }
0x8a: {  	s1 =	srdreg.scid  }
0x8b: {  	s0 =	sand.u32 $0x1, s1  }
0x8c: {  	s17 =	sshll.u32 s0, $0xA;
	s2 =	sadd.s32 s3, s2  }
0x8d: {  	s2 =	sadd.s32 s2, s17  }
0x8e: {  	[smem:$0x3FC3] =	sst s2  }
0x8f: {  	_ = 	snop  }
0x90: {  	s2 =	sld [smem:$0x3FC9]  }
0x91: {  	s18 =	sld [smem:$0x3FC8]  }
0x92: {  	s4 =	sld [smem:$0x3FC7]  }
0x93: {  	s5 =	sld [smem:$0x3FD0];
	(tm) =	ssettm $0x1  }
0x94: {  	s6 =	sld [smem:$0x3FFB];
	_ =	sdelay $0x3  }
0x95: {  	_ =	strace s6  }
0x96: {  	s6 =	sld [smem:$0x3FFC];
	_ =	sdelay $0x3  }
0x97: {  	_ =	strace s6  }
0x98: {  	s6 =	sld [smem:$0x3FFD];
	_ =	sdelay $0x3  }
0x99: {  	_ =	strace s6  }
0x9a: {  	_ =	strace $0x8FFFFFFF  }
0x9b: {  	s19 =	sld [smem:$0x3FDB];
	_ =	sdelay $0x1  }
0x9c: {  	s7 =	simm.s32 $_scs_section_size  }
0x9d: {  	s8 =	simm.s32 $_size__tile_overlayer_lowered;
	s9 =	simm.s32 $_tile_overlayer_lowered  }
0x9e: {  	s22 =	simm.s32 $0x1BFF;
	s21 =	sshll.u32 s9, $0x1;
	s6 =	sadd.s32 s7, s19  }
0x9f: {  	s10 =	simm.s32 $0x0;
	s20 =	sshll.u32 s8, $0x1;
	s8 =	sadd.s32 s21, s6  }
0xa0: {  	[timem:s10], [sflag:s22] =	dma.local [hbm:s8], s20  }
0xa1: {  	_ =	swait.ge [sflag:s22], s20  }
0xa2: {  	s7 =	ssub.s32 $0x0, s20;
	[sflag:s22] =	ssyncset.done $0x0  }
0xa3: {  	[sflag:s22] =	ssyncadd.s32 s7;
	_ =	sdelay $0x1  }
0xa4: {  	s23 =	simm.s32 $0x1B8B  }
0xa5: {  	_ =	swait.ge [sflag:s23], $0x1  }
0xa6: {  	[sflag:s23] =	ssyncset.done $0x0  }
0xa7: {  	s25 =	simm.s32 $0x1B8E;
	s24 =	sld [smem:$0x3FFE];
	[sflag:s23] =	ssyncadd.s32 $0xFFFFFFFF  }
0xa8: {  	s26 =	simm.s32 $execute0_lowered;
	[smem:$0x3FD2] =	sst s25  }
0xa9: {  	s8 =	sshll.u32 s26, $0x1;
	_ =	strace $0x80000046;
	[dreg:$0x1] =	wrdreg $0xFFFFFFFF  }
0xaa: {  	s28 =	simm.s32 $_size_execute0_lowered;
	s6 =	sadd.s32 s6, s8;
	[dreg:$0x0] =	wrdreg $0x0  }
0xab: {  	s8 =	sshll.u32 s28, $0x1;
	[dreg:$0x2] =	wrdreg s6  }
0xac: {  	[dreg:$0x3] =	wrdreg s8  }
0xad: {  	[dreg:$0x4] =	wrdreg $0xC0  }
0xae: {  	_ =	task [dreg:s10], $0x5FFFF  }
0xaf: {  	[dreg:$0x1] =	wrdreg $0xFFFFFFFF  }
0xb0: {  	[dreg:$0x0] =	wrdreg $0x60  }
0xb1: {  	[dreg:$0x2] =	wrdreg s2  }
0xb2: {  	[dreg:$0x3] =	wrdreg s18  }
0xb3: {  	[dreg:$0x4] =	wrdreg s4  }
0xb4: {  	[dreg:$0x5] =	wrdreg s5  }
0xb5: {  	[dreg:$0x6] =	wrdreg s24  }
0xb6: {  	[dreg:$0x7] =	wrdreg $0x9  }
0xb7: {  	_ =	task.clear_ibuf [dreg:s10], $0x8FFFF;
	_ =	strace $0x90000046  }
0xb8: {  	s29 =	simm.s32 $0x9;
	_ =	strace $0x80000048  }
0xb9: {  	_ =	swait.ge [sflag:s29], $0x1  }
0xba: {  	[sflag:s29] =	ssyncadd.s32 $0xFFFFFFFF  }
0xbb: {  	_ =	strace $0x90000048  }
0xbc: {  	_ =	sfence  }
0xbd: {  	s30 =	sld [smem:$0x0];
	_ =	sdelay $0x2  }
0xbe: {  	s31 =	sshll.u32 s1, $0xD;
	s1 =	sshrl.u32 s1, $0x2  }
0xbf: {  	s3 =	sand.u32 $0x4000, s31;
	s1 =	sadd.s32 s1, s30  }
0xc0: {  	s0 =	sor.u32 s3, s0;
	s1 =	sshll.u32 s1, $0x11  }
0xc1: {  	s0 =	sor.u32 s1, s0  }
0xc2: {  	s0 =	sadd.s32 $0x8F2B, s0  }
0xc3: {  	[sflag:s0] =	ssyncadd.remote.s32 $0x1  }
0xc4: {  	_ =	sfence.sel $0xFFFF  }
0xc5: {  	[dreg:$0x0] =	wrdreg $0xFFFFFFFF;
	(pc) =	sbr.abs _section_cstart, $3  }
0xc6: {  	[dreg:$0x1] =	wrdreg $0xFFFFFFFF  }
0xc7: {  	_ =	task.clear_ibuf [dreg:s10], $0x2FFFF;
	_ =	strace $0x9FFFFFFF  }
0xc8: {  	(tm) =	ssettm $0x7FFFFFFF  }
0xc9: {  	_ =	shalt  }
tec
execute0_lowered:
.L_overlay_start_1:
0x0: {  	(tag) =	ssettag $0x1  }
0x1: {  	s0 =	srdreg.scid;
	s2 =	rddreg [dreg:$0x1]  }
0x2: {  	s6 =	stileid.u32;
	s3 =	rddreg [dreg:$0x2]  }
0x3: {  	s19 =	rddreg [dreg:$0x3];
	s0 =	sand.u32 $0x1, s0;
	s1 =	sshll.u32 s6, $0x1  }
0x4: {  	s5 =	simm.s32 $0x1;
	s7 =	rddreg [dreg:$0x4];
	s4 =	sor.u32 s0, s1  }
0x5: {  	p1 =	seq.s32 s0, $0x1;
	s10 =	smul.u32 $0xFD80, s0;
	p0 =	seq.s32 s4, $0x0  }
0x6: {  	s14 =	sshll.u32 s0, $0x15;
	s0 =	ssub.s32 $0x2, s0;
	p0 =	por !p0, !p1  }
0x7: {  	s24 =	simm.s32 $0x10000;
	s29 =	sshrl.u32 s0, $0x1;
	p0 =	por !p0, !p0  }
0x8: {  	s28 =	simm.s32 $0x4;
	s0 =	ssub.s32 s0, s29;
	s5 =	simm.s32 @!p0 $0x0  }
0x9: {  	s1 =	rddreg [dreg:$0x0];
	s0 =	smax.u32 s0, $0x1;
	s8 =	ssub.s32 s6, s5  }
0xa: {  	s5 =	simm.s32 $0x0;
	s6 =	simm.s32 $0x1;
	s9 =	smul.u32 $0x1FB00, s8  }
0xb: {  	[smem:$0x7FF] =	sst s5;
	s25 =	sshll.u32 s8, $0x13;
	s8 =	sshll.u32 s8, $0x7  }
0xc: {  	_ =	strace $0x80000047;
	s15 =	sand.u32 $0xFFC00000, s25;
	s16 =	sand.u32 $0x380, s8  }
0xd: {  	[dreg:$0x8] =	wrdreg s0;
	s9 =	sadd.s32 s10, s9;
	s26 =	sor.u32 s14, s15  }
0xe: {  	s25 =	simm.s32 $0x3;
	s20 =	sshrl.u32 s9, $0x3;
	s8 =	sor.u32 s16, s26  }
0xf: {  	s16 =	sor.u32 s14, s16;
	s26 =	simm.s32 $0x2;
	s22 =	sadd.s32 s20, s7  }
0x10: {  	s7 =	sadd.s32 $0x1000, s7;
	s12 =	sshrl.u32 s8, $0x3;
	s8 =	sshll.u32 s4, $0x12  }
0x11: {  	s16 =	sor.u32 s15, s16;
	s4 =	sshll.u32 s4, $0xF;
	s30 =	sadd.s32 s19, s20  }
0x12: {  	s9 =	sadd.s32 s1, s12;
	s10 =	sadd.s32 s2, s12;
	s11 =	sadd.s32 s3, s12  }
.Ltmp0:
0x13: {  	s17 =	sor.u32 $0x2000, s12;
	s15 =	sor.u32 $0x20000, s16;
	(pc) =	sbr.rel .LBB2_1-.Ltmp0, $4  }
0x14: {  	s16 =	sor.u32 $0x30000, s16;
	[dreg:$0x6] =	wrdreg s30;
	s20 =	sor.u32 $0x4000, s8  }
0x15: {  	s21 =	sor.u32 $0x6000, s8;
	s31 =	sadd.s32 $0x101000, s22;
	s12 =	sadd.s32 s1, s17  }
0x16: {  	s13 =	sadd.s32 s2, s17;
	s14 =	sadd.s32 s3, s17;
	s17 =	sadd.s32 s7, s4  }
0x17: {  	v0 =	vimm.f32 $0.0e+00;
	v1 =	vimm.f32 $1.000000000e+00;
	[dreg:$0x7] =	wrdreg s31;
	s4 =	simm.s32 $0x0;
	s18 =	sadd.s32 $0x400, s17  }
.LBB2_62:
0x18: {  	s0 =	rddreg [dreg:$0x7]  }
0x19: {  	[hbm4b:s0+s5] =	stream.linear.scatter [tilespmem:s24], [sflag:$0x5], $0xFD80, $0x38;
	[tilespmem:$0x1FD80] =	vst v63  }
0x1a: {  	_ =	swait.ge [sflag:s31], $0xFD80  }
0x1b: {  	s4 =	rddreg [dreg:$0x9]  }
0x1c: {  	s30 =	rddreg [dreg:$0x8];
	s4 =	sadd.s32 $0x1, s4  }
0x1d: {  	p0 =	sne.s32 s4, s30  }
.Ltmp1:
0x1e: {  	_ = 	snop;
	(pc) =	sbr.rel @!p0 .LBB2_63-.Ltmp1, $3  }
0x1f: {  	_ =	sdelay $0x1  }
0x20: {  	[sflag:s31] =	ssyncset.done $0x0  }
0x21: {  	[sflag:s31] =	ssyncadd.s32 $0xFFFF0280  }
.LBB2_1:
0x22: {  	[dreg:$0x9] =	wrdreg s4;
	s0 =	simm.s32 $0x80  }
0x23: {  	s22 =	sadd.s32 $0x0, s9;
	s4 =	simm.s32 $0x100;
	s19 =	simm.s32 $0x0  }
.LBB2_2:
0x24: {  	[tilespmem:s19], [sflag:$0x1] =	stream.linear.gather [hbm4b:s22+s5], $0x80, $0x38;
	[tilespmem:$0x1FD80] =	vst v63  }
0x25: {  	s22 =	smov.u32 s0;
	s19 =	smov.u32 s4;
	p0 =	sne.s32 s0, $0x1F80  }
.Ltmp2:
0x26: {  	s0 =	sadd.s32 $0x80, s0;
	(pc) =	sbr.rel @p0 .LBB2_2-.Ltmp2, $2  }
0x27: {  	_ =	sdelay $0x2  }
0x28: {  	s4 =	sadd.s32 $0x100, s4;
	s22 =	sadd.s32 s22, s9  }
0x29: {  	[tilespmem:s19], [sflag:$0x1] =	stream.linear.gather [hbm4b:s22+s5], $0x80, $0x38;
	[tilespmem:$0x1FD80] =	vst v63  }
0x2a: {  	s0 =	simm.s32 $0x4000  }
0x2b: {  	s4 =	simm.s32 $0x80;
	s22 =	sadd.s32 $0x0, s10;
	s19 =	simm.s32 $0x4100  }
.LBB2_4:
0x2c: {  	[tilespmem:s0], [sflag:$0x1] =	stream.linear.gather [hbm4b:s22+s5], $0x80, $0x38;
	[tilespmem:$0x1FD80] =	vst v63  }
0x2d: {  	s22 =	smov.u32 s4;
	s0 =	smov.u32 s19;
	p0 =	sne.s32 s4, $0x1F80  }
.Ltmp3:
0x2e: {  	s4 =	sadd.s32 $0x80, s4;
	(pc) =	sbr.rel @p0 .LBB2_4-.Ltmp3, $2  }
0x2f: {  	_ =	sdelay $0x2  }
0x30: {  	s19 =	sadd.s32 $0x100, s19;
	s22 =	sadd.s32 s22, s10  }
0x31: {  	[tilespmem:s0], [sflag:$0x1] =	stream.linear.gather [hbm4b:s22+s5], $0x80, $0x38;
	[tilespmem:$0x1FD80] =	vst v63  }
0x32: {  	s0 =	simm.s32 $0x8000  }
0x33: {  	s4 =	simm.s32 $0x80;
	s22 =	sadd.s32 $0x0, s11;
	s19 =	simm.s32 $0x8100  }
.LBB2_6:
0x34: {  	[tilespmem:s0], [sflag:$0x1] =	stream.linear.gather [hbm4b:s22+s5], $0x80, $0x38;
	[tilespmem:$0x1FD80] =	vst v63  }
0x35: {  	s22 =	smov.u32 s4;
	s0 =	smov.u32 s19;
	p0 =	sne.s32 s4, $0x1F80  }
.Ltmp4:
0x36: {  	s4 =	sadd.s32 $0x80, s4;
	(pc) =	sbr.rel @p0 .LBB2_6-.Ltmp4, $2  }
0x37: {  	_ =	sdelay $0x2  }
0x38: {  	s19 =	sadd.s32 $0x100, s19;
	s22 =	sadd.s32 s22, s11  }
0x39: {  	[tilespmem:s0], [sflag:$0x1] =	stream.linear.gather [hbm4b:s22+s5], $0x80, $0x38;
	[tilespmem:$0x1FD80] =	vst v63  }
0x3a: {  	s0 =	simm.s32 $0x80  }
0x3b: {  	s4 =	simm.s32 $0x80;
	s22 =	sadd.s32 $0x0, s12;
	s19 =	simm.s32 $0x180  }
.LBB2_8:
0x3c: {  	[tilespmem:s0], [sflag:$0x2] =	stream.linear.gather [hbm4b:s22+s5], $0x80, $0x38;
	[tilespmem:$0x1FD80] =	vst v63  }
0x3d: {  	s22 =	smov.u32 s4;
	s0 =	smov.u32 s19;
	p0 =	sne.s32 s4, $0x1F80  }
.Ltmp5:
0x3e: {  	s4 =	sadd.s32 $0x80, s4;
	(pc) =	sbr.rel @p0 .LBB2_8-.Ltmp5, $2  }
0x3f: {  	_ =	sdelay $0x2  }
0x40: {  	s19 =	sadd.s32 $0x100, s19;
	s22 =	sadd.s32 s22, s12  }
0x41: {  	[tilespmem:s0], [sflag:$0x2] =	stream.linear.gather [hbm4b:s22+s5], $0x80, $0x38;
	[tilespmem:$0x1FD80] =	vst v63  }
0x42: {  	s0 =	simm.s32 $0x4080  }
0x43: {  	s4 =	simm.s32 $0x80;
	s22 =	sadd.s32 $0x0, s13;
	s19 =	simm.s32 $0x4180  }
.LBB2_10:
0x44: {  	[tilespmem:s0], [sflag:$0x2] =	stream.linear.gather [hbm4b:s22+s5], $0x80, $0x38;
	[tilespmem:$0x1FD80] =	vst v63  }
0x45: {  	s22 =	smov.u32 s4;
	s0 =	smov.u32 s19;
	p0 =	sne.s32 s4, $0x1F80  }
.Ltmp6:
0x46: {  	s4 =	sadd.s32 $0x80, s4;
	(pc) =	sbr.rel @p0 .LBB2_10-.Ltmp6, $2  }
0x47: {  	_ =	sdelay $0x2  }
0x48: {  	s19 =	sadd.s32 $0x100, s19;
	s22 =	sadd.s32 s22, s13  }
0x49: {  	[tilespmem:s0], [sflag:$0x2] =	stream.linear.gather [hbm4b:s22+s5], $0x80, $0x38;
	[tilespmem:$0x1FD80] =	vst v63  }
0x4a: {  	s0 =	simm.s32 $0x0;
	s4 =	simm.s32 $0x8080  }
0x4b: {  	s19 =	simm.s32 $0x80;
	s23 =	sadd.s32 $0x0, s14;
	s22 =	simm.s32 $0x8180  }
.LBB2_12:
0x4c: {  	[tilespmem:s4], [sflag:$0x2] =	stream.linear.gather [hbm4b:s23+s0], $0x80, $0x38;
	[tilespmem:$0x1FD80] =	vst v63  }
0x4d: {  	s23 =	smov.u32 s19;
	s4 =	smov.u32 s22;
	p0 =	sne.s32 s19, $0x1F80  }
.Ltmp7:
0x4e: {  	s19 =	sadd.s32 $0x80, s19;
	(pc) =	sbr.rel @p0 .LBB2_12-.Ltmp7, $2  }
0x4f: {  	_ =	sdelay $0x2  }
0x50: {  	s22 =	sadd.s32 $0x100, s22;
	s23 =	sadd.s32 s23, s14  }
0x51: {  	[tilespmem:s4], [sflag:$0x2] =	stream.linear.gather [hbm4b:s23+s0], $0x80, $0x38;
	[tilespmem:$0x1FD80] =	vst v63  }
0x52: {  	s4 =	simm.s32 $0x100;
	s0 =	simm.s32 $0x0  }
.LBB2_14:
0x53: {  	p0 =	sne.s32 s4, $0x3F500;
	[tilespmem:s0+$0x10030] =	vst v0;
	s19 =	smov.u32 s4;
	s4 =	sadd.s32 $0x100, s4  }
.Ltmp8:
0x54: {  	[tilespmem:s0+$0x10020] =	vst v0;
	(pc) =	sbr.rel @p0 .LBB2_14-.Ltmp8, $3  }
0x55: {  	[tilespmem:s0+$0x10000] =	vst v0  }
0x56: {  	[tilespmem:s0+$0x10010] =	vst v0;
	_ =	sdelay $0x1  }
0x57: {  	s0 =	sshra.s32 s19, $0x2  }
0x58: {  	[tilespmem:s0+$0x10030] =	vst v0  }
0x59: {  	[tilespmem:s0+$0x10020] =	vst v0  }
0x5a: {  	[tilespmem:s0+$0x10000] =	vst v0  }
0x5b: {  	s31 =	simm.s32 $0x0;
	[tilespmem:s0+$0x10010] =	vst v0  }
.LBB2_16:
0x5c: {  	_ =	swait.ge [sflag:s6], $0x2000  }
0x5d: {  	[sflag:s6] =	ssyncset.done $0x0  }
0x5e: {  	[sflag:s6] =	ssyncadd.s32 $0xFFFFE000  }
0x5f: {  	_ =	swait.ge [sflag:s6], $0x2000  }
0x60: {  	[sflag:s6] =	ssyncset.done $0x0  }
0x61: {  	[sflag:s6] =	ssyncadd.s32 $0xFFFFE000  }
0x62: {  	_ =	swait.ge [sflag:s6], $0x2000  }
0x63: {  	[sflag:s6] =	ssyncset.done $0x0  }
0x64: {  	[sflag:s6] =	ssyncadd.s32 $0xFFFFE000  }
0x65: {  	v2 =	vld [tilespmem:$0x0]  }
0x66: {  	v3 =	vld [tilespmem:$0x4000]  }
0x67: {  	v4 =	vld [tilespmem:$0x10]  }
0x68: {  	v5 =	vld [tilespmem:$0x4010]  }
0x69: {  	v7 =	vld [tilespmem:$0x20]  }
0x6a: {  	v9 =	vld [tilespmem:$0x4020]  }
0x6b: {  	v12 =	vld [tilespmem:$0x4030]  }
0x6c: {  	v16 =	vld [tilespmem:$0x60]  }
0x6d: {  	s4 =	simm.s32 $0x0;
	v19 =	vld [tilespmem:$0x4060]  }
0x6e: {  	v26 =	vld [tilespmem:s4+$0x4170]  }
0x6f: {  	v2 =	vmul.f32 $5.729578020e+01, v2;
	v3 =	vmul.f32 $5.729578020e+01, v3  }
0x70: {  	v4 =	vmul.f32 $5.729578020e+01, v4;
	v5 =	vmul.f32 $5.729578020e+01, v5  }
0x71: {  	v7 =	vmul.f32 $5.729578020e+01, v7;
	v9 =	vmul.f32 $5.729578020e+01, v9  }
0x72: {  	v12 =	vmul.f32 $5.729578020e+01, v12;
	v16 =	vmul.f32 $5.729578020e+01, v16  }
0x73: {  	v19 =	vmul.f32 $5.729578020e+01, v19;
	v33 =	vmul.f32 $5.729578020e+01, v26  }
0x74: {  	v2 =	vtrunc.f32 v2;
	v3 =	vtrunc.f32 v3  }
0x75: {  	v4 =	vtrunc.f32 v4;
	v11 =	vtrunc.f32 v5  }
0x76: {  	v13 =	vtrunc.f32 v7;
	v12 =	vtrunc.f32 v12  }
0x77: {  	v16 =	vtrunc.f32 v16;
	v19 =	vtrunc.f32 v19  }
0x78: {  	v6 =	vld [tilespmem:$0x8000];
	v2 =	vcvt.f32.s32 v2;
	v8 =	vcvt.f32.s32 v3  }
0x79: {  	v10 =	vld [tilespmem:$0x30];
	v4 =	vcvt.f32.s32 v4;
	v11 =	vcvt.f32.s32 v11  }
0x7a: {  	v15 =	vld [tilespmem:$0x50];
	v12 =	vcvt.f32.s32 v12;
	v16 =	vcvt.f32.s32 v16;
	vm0 =	vlt.s32 v2, $0xB3  }
0x7b: {  	v30 =	vld [tilespmem:s4+$0x4160];
	v28 =	vcvt.f32.s32 v19;
	vm13 =	vlt.s32 v8, $0x167;
	v2 =	vnsel vm0, $0xB3, v2  }
0x7c: {  	v29 =	vld [tilespmem:s4+$0x4140];
	vm14 =	vlt.s32 v4, $0xB3;
	vm15 =	vlt.s32 v11, $0x167;
	v2 =	vmul.u32 $0x168, v2  }
0x7d: {  	v32 =	vld [tilespmem:s4+$0x4120];
	vm7 =	vlt.s32 v12, $0x167;
	vm12 =	vlt.s32 v16, $0xB3;
	v8 =	vnsel vm13, $0x167, v8  }
0x7e: {  	v24 =	vadd.s32 v8, v2;
	v2 =	vnsel vm14, $0xB3, v4;
	v4 =	vcvt.f32.s32 v13;
	v13 =	vld [tilespmem:$0x40]  }
0x7f: {  	v26 =	vld [tilespmem:s4+$0x8100];
	v11 =	vnsel vm15, $0x167, v11;
	v8 =	vtrunc.f32 v9;
	v9 =	vmul.f32 $5.729578020e+01, v10  }
0x80: {  	v5 =	vld [tilespmem:$0x8020];
	v12 =	vnsel vm7, $0x167, v12;
	v16 =	vnsel vm12, $0xB3, v16;
	v2 =	vmul.u32 $0x168, v2  }
0x81: {  	v10 =	vld [tilespmem:$0x4040];
	v14 =	vcvt.f32.s32 v8;
	vm4 =	vlt.s32 v4, $0xB3;
	v9 =	vtrunc.f32 v9  }
0x82: {  	v20 =	vadd.s32 v11, v2;
	v2 =	vnsel vm4, $0xB3, v4;
	v4 =	vcvt.f32.s32 v9;
	v11 =	vld [tilespmem:$0x4050]  }
0x83: {  	v7 =	vld [tilespmem:$0x8030];
	vm5 =	vlt.s32 v14, $0x167;
	v2 =	vmul.u32 $0x168, v2;
	v13 =	vmul.f32 $5.729578020e+01, v13  }
0x84: {  	v3 =	vld [tilespmem:$0x8010];
	vm13 =	vlt.s32 v28, $0x167;
	v14 =	vnsel vm5, $0x167, v14;
	vm6 =	vlt.s32 v4, $0xB3  }
0x85: {  	v8 =	vld [tilespmem:$0x8040];
	v18 =	vadd.s32 v14, v2;
	v14 =	vmul.f32 $5.729578020e+01, v15;
	v13 =	vtrunc.f32 v13  }
0x86: {  	v17 =	vmul.f32 $5.729578020e+01, v10;
	v2 =	vnsel vm6, $0xB3, v4;
	v15 =	vld [tilespmem:$0x70];
	v4 =	vcvt.f32.s32 v13  }
0x87: {  	v9 =	vld [tilespmem:$0x8050];
	v2 =	vmul.u32 $0x168, v2;
	v14 =	vtrunc.f32 v14;
	v21 =	vmul.f32 $5.729578020e+01, v11  }
0x88: {  	v28 =	vnsel vm13, $0x167, v28;
	v13 =	vtrunc.f32 v17;
	v17 =	vld [tilespmem:$0x4070];
	v14 =	vcvt.f32.s32 v14  }
0x89: {  	v10 =	vld [tilespmem:$0x8060];
	v13 =	vcvt.f32.s32 v13;
	v22 =	vadd.s32 v12, v2;
	v21 =	vtrunc.f32 v21  }
0x8a: {  	v11 =	vld [tilespmem:$0x8070];
	vm8 =	vlt.s32 v4, $0xB3;
	v25 =	vcvt.f32.s32 v21;
	vm10 =	vlt.s32 v14, $0xB3  }
0x8b: {  	v2 =	vld [tilespmem:s4+$0x8170];
	v12 =	vnsel vm8, $0xB3, v4;
	v15 =	vmul.f32 $5.729578020e+01, v15;
	v14 =	vnsel vm10, $0xB3, v14  }
0x8c: {  	v4 =	vld [tilespmem:s4+$0x8160];
	v23 =	vmul.u32 $0x168, v12;
	vm11 =	vlt.s32 v25, $0x167;
	v27 =	vmul.u32 $0x168, v14  }
0x8d: {  	v12 =	vld [tilespmem:s4+$0x8140];
	v15 =	vtrunc.f32 v15;
	v17 =	vmul.f32 $5.729578020e+01, v17;
	v25 =	vnsel vm11, $0x167, v25  }
0x8e: {  	vm9 =	vlt.s32 v13, $0x167;
	v19 =	vadd.s32 v25, v27;
	v25 =	vcvt.f32.s32 v15;
	v27 =	vld [tilespmem:s4+$0x4150]  }
0x8f: {  	v13 =	vnsel vm9, $0x167, v13;
	v14 =	vld [tilespmem:s4+$0x8130];
	v15 =	vmul.u32 $0x168, v16;
	v16 =	vtrunc.f32 v17  }
0x90: {  	v21 =	vadd.s32 v13, v23;
	v23 =	vld [tilespmem:s4+$0x4130];
	v16 =	vcvt.f32.s32 v16;
	vm14 =	vlt.s32 v25, $0xB3  }
0x91: {  	v13 =	vld [tilespmem:s4+$0x8150];
	v15 =	vadd.s32 v28, v15;
	v28 =	vmul.f32 $5.729578020e+01, v30;
	v25 =	vnsel vm14, $0xB3, v25  }
0x92: {  	v17 =	vld [tilespmem:s4+$0x8120];
	vm15 =	vlt.s32 v16, $0x167;
	v31 =	vmul.u32 $0x168, v25  }
0x93: {  	v30 =	vld [tilespmem:s4+$0x170];
	v16 =	vnsel vm15, $0x167, v16;
	v25 =	vmul.f32 $5.729578020e+01, v27;
	v27 =	vtrunc.f32 v28  }
0x94: {  	s0 =	simm.s32 $0x400;
	v16 =	vadd.s32 v16, v31;
	v31 =	vld [tilespmem:s4+$0x160];
	v28 =	vcvt.f32.s32 v27;
	v27 =	vtrunc.f32 v33  }
.LBB2_17:
0x95: {  	p0 =	sne.s32 s0, $0xF800;
	v33 =	vld [tilespmem:s4+$0x8110];
	s19 =	smov.u32 s0;
	s0 =	sadd.s32 $0x400, s0  }
0x96: {  	v34 =	vld [tilespmem:s4+$0x4110];
	vm0 =	vlt.s32 v28, $0x167  }
0x97: {  	v32 =	vmul.f32 $5.729578020e+01, v32;
	v35 =	vld [tilespmem:s4+$0x150];
	v28 =	vnsel vm0, $0x167, v28;
	[tilespmem:s4+$0xC000] =	vst v24  }
0x98: {  	v36 =	vld [tilespmem:s4+$0x120]  }
0x99: {  	v32 =	vtrunc.f32 v32;
	v37 =	vld [tilespmem:s4+$0x140]  }
0x9a: {  	v38 =	vld [tilespmem:s4+$0x110];
	v32 =	vcvt.f32.s32 v32  }
0x9b: {  	v27 =	vcvt.f32.s32 v27;
	v34 =	vmul.f32 $5.729578020e+01, v34;
	v39 =	vld [tilespmem:s4+$0x130]  }
0x9c: {  	v31 =	vmul.f32 $5.729578020e+01, v31;
	v40 =	vld [tilespmem:s4+$0x4100];
	vm0 =	vlt.s32 v32, $0x167;
	v35 =	vmul.f32 $5.729578020e+01, v35  }
0x9d: {  	v30 =	vmul.f32 $5.729578020e+01, v30;
	v41 =	vld [tilespmem:s4+$0x100];
	v34 =	vtrunc.f32 v34;
	v32 =	vnsel vm0, $0x167, v32  }
0x9e: {  	v29 =	vmul.f32 $5.729578020e+01, v29;
	vm0 =	vlt.s32 v27, $0x167;
	v35 =	vtrunc.f32 v35;
	[tilespmem:v24+s24+$0x0] =	vst.idx.add.f32.msk $0xffff, v6;
	v6 =	vmovc v26  }
0x9f: {  	v27 =	vnsel vm0, $0x167, v27;
	v24 =	vmul.f32 $5.729578020e+01, v38;
	v26 =	vcvt.f32.s32 v35;
	[tilespmem:s4+$0xC010] =	vst v20  }
0xa0: {  	v35 =	vmul.f32 $5.729578020e+01, v36;
	v36 =	vmul.f32 $5.729578020e+01, v39;
	[tilespmem:v20+s24+$0x0] =	vst.idx.add.f32.msk $0xffff, v3;
	v3 =	vmov v33  }
0xa1: {  	v33 =	vmul.f32 $5.729578020e+01, v37;
	v20 =	vmul.f32 $5.729578020e+01, v40;
	[tilespmem:s4+$0xC020] =	vst v18  }
0xa2: {  	v30 =	vtrunc.f32 v30;
	v36 =	vtrunc.f32 v36;
	[tilespmem:v18+s24+$0x0] =	vst.idx.add.f32.msk $0xffff, v5;
	v5 =	vmov v17  }
0xa3: {  	v17 =	vmul.f32 $5.729578020e+01, v23;
	v18 =	vcvt.f32.s32 v30;
	[tilespmem:s4+$0xC030] =	vst v22  }
0xa4: {  	v23 =	vcvt.f32.s32 v34;
	v30 =	vtrunc.f32 v35;
	[tilespmem:v22+s24+$0x0] =	vst.idx.add.f32.msk $0xffff, v7;
	v7 =	vmov v14  }
0xa5: {  	v14 =	vtrunc.f32 v24;
	v17 =	vtrunc.f32 v17;
	vm0 =	vlt.s32 v18, $0xB3;
	[tilespmem:s4+$0xC040] =	vst v21  }
0xa6: {  	v20 =	vtrunc.f32 v20;
	vm1 =	vlt.s32 v23, $0x167;
	v17 =	vcvt.f32.s32 v17;
	[tilespmem:v21+s24+$0x0] =	vst.idx.add.f32.msk $0xffff, v8;
	v8 =	vmovc v12  }
0xa7: {  	v14 =	vcvt.f32.s32 v14;
	v21 =	vnsel vm1, $0x167, v23;
	v12 =	vtrunc.f32 v31;
	[tilespmem:s4+$0xC050] =	vst v19  }
0xa8: {  	v22 =	vmul.f32 $5.729578020e+01, v41;
	v23 =	vtrunc.f32 v33;
	vm1 =	vlt.s32 v17, $0x167;
	[tilespmem:v19+s24+$0x0] =	vst.idx.add.f32.msk $0xffff, v9;
	v9 =	vmovc v13  }
0xa9: {  	v12 =	vcvt.f32.s32 v12;
	v24 =	vnsel vm1, $0x167, v17;
	v13 =	vtrunc.f32 v25;
	[tilespmem:s4+$0xC060] =	vst v15  }
0xaa: {  	v17 =	vcvt.f32.s32 v23;
	vm1 =	vlt.s32 v26, $0xB3;
	v13 =	vcvt.f32.s32 v13;
	[tilespmem:v15+s24+$0x0] =	vst.idx.add.f32.msk $0xffff, v10;
	v10 =	vmovc v4  }
0xab: {  	v19 =	vcvt.f32.s32 v20;
	v20 =	vcvt.f32.s32 v36;
	vm2 =	vlt.s32 v12, $0xB3;
	[tilespmem:s4+$0xC070] =	vst v16  }
0xac: {  	v15 =	vcvt.f32.s32 v30;
	vm3 =	vlt.s32 v17, $0xB3;
	v12 =	vnsel vm2, $0xB3, v12;
	s4 =	sshra.s32 s19, $0x2;
	[tilespmem:v16+s24+$0x0] =	vst.idx.add.f32.msk $0xffff, v11;
	v11 =	vmovc v2  }
0xad: {  	vm2 =	vlt.s32 v19, $0x167;
	vm4 =	vlt.s32 v13, $0x167;
	v16 =	vtrunc.f32 v22;
	v2 =	vld [tilespmem:s4+$0x8170]  }
0xae: {  	v23 =	vmul.u32 $0x168, v12;
	vm5 =	vlt.s32 v15, $0xB3;
	v22 =	vtrunc.f32 v29;
	v4 =	vld [tilespmem:s4+$0x8160]  }
0xaf: {  	vm6 =	vlt.s32 v14, $0xB3;
	v17 =	vnsel vm3, $0xB3, v17;
	v25 =	vnsel vm5, $0xB3, v15;
	v12 =	vld [tilespmem:s4+$0x8140]  }
0xb0: {  	v26 =	vnsel vm1, $0xB3, v26;
	v29 =	vnsel vm4, $0x167, v13;
	v15 =	vadd.s32 v28, v23;
	v31 =	vld [tilespmem:s4+$0x4170]  }
0xb1: {  	vm1 =	vlt.s32 v20, $0xB3;
	v16 =	vcvt.f32.s32 v16;
	v28 =	vnsel vm2, $0x167, v19;
	v23 =	vld [tilespmem:s4+$0x4130]  }
0xb2: {  	v20 =	vnsel vm1, $0xB3, v20;
	v33 =	vmul.u32 $0x168, v17;
	v19 =	vnsel vm6, $0xB3, v14;
	v13 =	vld [tilespmem:s4+$0x8150]  }
0xb3: {  	v18 =	vnsel vm0, $0xB3, v18;
	v22 =	vcvt.f32.s32 v22;
	v17 =	vmul.u32 $0x168, v25;
	v30 =	vld [tilespmem:s4+$0x4160]  }
0xb4: {  	v25 =	vmul.u32 $0x168, v26;
	v26 =	vmul.u32 $0x168, v18;
	vm0 =	vlt.s32 v16, $0xB3;
	v14 =	vld [tilespmem:s4+$0x8130]  }
0xb5: {  	v35 =	vmul.u32 $0x168, v19;
	vm1 =	vlt.s32 v22, $0x167;
	v18 =	vadd.s32 v32, v17;
	v34 =	vld [tilespmem:s4+$0x4150]  }
0xb6: {  	v36 =	vmul.u32 $0x168, v20;
	v32 =	vnsel vm0, $0xB3, v16;
	v19 =	vadd.s32 v29, v25;
	v17 =	vld [tilespmem:s4+$0x8120]  }
.Ltmp9:
0xb7: {  	v20 =	vadd.s32 v21, v35;
	v21 =	vnsel vm1, $0x167, v22;
	v16 =	vadd.s32 v27, v26;
	v29 =	vld [tilespmem:s4+$0x4140];
	(pc) =	sbr.rel @p0 .LBB2_17-.Ltmp9, $4  }
0xb8: {  	v35 =	vmul.u32 $0x168, v32;
	v21 =	vadd.s32 v21, v33;
	v27 =	vmul.f32 $5.729578020e+01, v30;
	v30 =	vld [tilespmem:s4+$0x170]  }
0xb9: {  	v22 =	vadd.s32 v24, v36;
	v33 =	vmul.f32 $5.729578020e+01, v31;
	v32 =	vld [tilespmem:s4+$0x4120]  }
0xba: {  	v24 =	vadd.s32 v28, v35;
	v26 =	vld [tilespmem:s4+$0x8100];
	v25 =	vmul.f32 $5.729578020e+01, v34;
	v27 =	vtrunc.f32 v27  }
0xbb: {  	v31 =	vld [tilespmem:s4+$0x160];
	v28 =	vcvt.f32.s32 v27;
	v27 =	vtrunc.f32 v33  }
0xbc: {  	v33 =	vld [tilespmem:s4+$0x8110]  }
0xbd: {  	v34 =	vld [tilespmem:s4+$0x4110]  }
0xbe: {  	v35 =	vld [tilespmem:s4+$0x150]  }
0xbf: {  	v36 =	vld [tilespmem:s4+$0x120]  }
0xc0: {  	v37 =	vld [tilespmem:s4+$0x140]  }
0xc1: {  	v38 =	vld [tilespmem:s4+$0x110]  }
0xc2: {  	v39 =	vld [tilespmem:s4+$0x130];
	v29 =	vmul.f32 $5.729578020e+01, v29;
	v61 =	vmul.f32 $5.729578020e+01, v23  }
0xc3: {  	v40 =	vld [tilespmem:s4+$0x4100];
	v47 =	vtrunc.f32 v25;
	v57 =	vcvt.f32.s32 v27  }
0xc4: {  	[tilespmem:s4+$0xC000] =	vst v24;
	v41 =	vld [tilespmem:s4+$0x100];
	v30 =	vmul.f32 $5.729578020e+01, v30;
	v32 =	vmul.f32 $5.729578020e+01, v32  }
0xc5: {  	[tilespmem:v24+s24+$0x0] =	vst.idx.add.f32.msk $0xffff, v6;
	v6 =	vtrunc.f32 v61;
	v53 =	vtrunc.f32 v29  }
0xc6: {  	v30 =	vtrunc.f32 v30;
	v32 =	vtrunc.f32 v32  }
0xc7: {  	v31 =	vmul.f32 $5.729578020e+01, v31;
	v62 =	vcvt.f32.s32 v30  }
0xc8: {  	v32 =	vcvt.f32.s32 v32;
	v34 =	vmul.f32 $5.729578020e+01, v34  }
0xc9: {  	v35 =	vmul.f32 $5.729578020e+01, v35;
	v38 =	vmul.f32 $5.729578020e+01, v38  }
0xca: {  	v36 =	vmul.f32 $5.729578020e+01, v36;
	v39 =	vmul.f32 $5.729578020e+01, v39  }
0xcb: {  	v40 =	vmul.f32 $5.729578020e+01, v40;
	v37 =	vmul.f32 $5.729578020e+01, v37  }
0xcc: {  	[tilespmem:s4+$0xC010] =	vst v20;
	v44 =	vtrunc.f32 v31;
	v34 =	vtrunc.f32 v34  }
0xcd: {  	[tilespmem:v20+s24+$0x0] =	vst.idx.add.f32.msk $0xffff, v3;
	v35 =	vtrunc.f32 v35;
	v39 =	vtrunc.f32 v39  }
0xce: {  	[tilespmem:s4+$0xC020] =	vst v18;
	v36 =	vtrunc.f32 v36;
	v3 =	vtrunc.f32 v38  }
0xcf: {  	[tilespmem:v18+s24+$0x0] =	vst.idx.add.f32.msk $0xffff, v5;
	v38 =	vmul.f32 $5.729578020e+01, v41;
	v40 =	vtrunc.f32 v40  }
0xd0: {  	[tilespmem:s4+$0xC030] =	vst v22;
	v41 =	vcvt.f32.s32 v6;
	v45 =	vtrunc.f32 v37  }
0xd1: {  	[tilespmem:v22+s24+$0x0] =	vst.idx.add.f32.msk $0xffff, v7;
	v7 =	vcvt.f32.s32 v44;
	v42 =	vtrunc.f32 v38  }
0xd2: {  	vm1 =	vlt.s32 v32, $0x167;
	v35 =	vcvt.f32.s32 v35;
	v6 =	vcvt.f32.s32 v42  }
0xd3: {  	v63 =	vcvt.f32.s32 v34;
	v32 =	vnsel vm1, $0x167, v32;
	v3 =	vcvt.f32.s32 v3  }
0xd4: {  	[tilespmem:s4+$0xC040] =	vst v21;
	v46 =	vcvt.f32.s32 v40;
	v48 =	vcvt.f32.s32 v36;
	vm6 =	vlt.s32 v6, $0xB3  }
0xd5: {  	v49 =	vcvt.f32.s32 v39;
	v51 =	vcvt.f32.s32 v45;
	[tilespmem:v21+s24+$0x0] =	vst.idx.add.f32.msk $0xffff, v8;
	v6 =	vnsel vm6, $0xB3, v6  }
0xd6: {  	[tilespmem:s4+$0xC050] =	vst v19;
	vm7 =	vlt.s32 v46, $0x167;
	vm2 =	vlt.s32 v3, $0xB3;
	v6 =	vmul.u32 $0x168, v6  }
0xd7: {  	vm4 =	vlt.s32 v63, $0x167;
	[tilespmem:v19+s24+$0x0] =	vst.idx.add.f32.msk $0xffff, v9;
	v50 =	vnsel vm7, $0x167, v46;
	v3 =	vnsel vm2, $0xB3, v3  }
0xd8: {  	vm8 =	vlt.s32 v48, $0xB3;
	[tilespmem:s4+$0xC060] =	vst v15;
	v3 =	vmul.u32 $0x168, v3;
	v6 =	vadd.s32 v50, v6  }
0xd9: {  	vm5 =	vlt.s32 v41, $0x167;
	v43 =	vnsel vm4, $0x167, v63;
	v52 =	vnsel vm8, $0xB3, v48;
	[tilespmem:v15+s24+$0x0] =	vst.idx.add.f32.msk $0xffff, v10  }
0xda: {  	vm9 =	vlt.s32 v49, $0xB3;
	v10 =	vmul.u32 $0x168, v52;
	[tilespmem:s4+$0xC070] =	vst v16;
	v3 =	vadd.s32 v43, v3  }
0xdb: {  	v8 =	vcvt.f32.s32 v47;
	vm10 =	vlt.s32 v51, $0xB3;
	v9 =	vnsel vm9, $0xB3, v49;
	[tilespmem:v16+s24+$0x0] =	vst.idx.add.f32.msk $0xffff, v11  }
0xdc: {  	v9 =	vmul.u32 $0x168, v9;
	v11 =	vcvt.f32.s32 v53;
	v10 =	vadd.s32 v32, v10;
	[tilespmem:$0xFF00] =	vst v6  }
0xdd: {  	v5 =	vnsel vm5, $0x167, v41;
	vm11 =	vlt.s32 v35, $0xB3;
	v54 =	vnsel vm10, $0xB3, v51;
	[tilespmem:v6+s24+$0x0] =	vst.idx.add.f32.msk $0xffff, v26  }
0xde: {  	v55 =	vmul.u32 $0x168, v54;
	v5 =	vadd.s32 v5, v9;
	vm12 =	vlt.s32 v11, $0x167;
	[tilespmem:$0xFF10] =	vst v3  }
0xdf: {  	vm3 =	vlt.s32 v7, $0xB3;
	v56 =	vnsel vm11, $0xB3, v35;
	v11 =	vnsel vm12, $0x167, v11;
	[tilespmem:v3+s24+$0x0] =	vst.idx.add.f32.msk $0xffff, v33  }
0xe0: {  	vm13 =	vlt.s32 v8, $0x167;
	v6 =	vadd.s32 v11, v55;
	v3 =	vmul.u32 $0x168, v56;
	[tilespmem:$0xFF20] =	vst v10  }
0xe1: {  	vm0 =	vlt.s32 v28, $0x167;
	v7 =	vnsel vm3, $0xB3, v7;
	v8 =	vnsel vm13, $0x167, v8;
	[tilespmem:v10+s24+$0x0] =	vst.idx.add.f32.msk $0xffff, v17  }
0xe2: {  	vm14 =	vlt.s32 v62, $0xB3;
	v7 =	vmul.u32 $0x168, v7;
	v3 =	vadd.s32 v8, v3;
	[tilespmem:$0xFF30] =	vst v5  }
0xe3: {  	v58 =	vnsel vm0, $0x167, v28;
	v59 =	vnsel vm14, $0xB3, v62;
	[tilespmem:v5+s24+$0x0] =	vst.idx.add.f32.msk $0xffff, v14  }
0xe4: {  	vm15 =	vlt.s32 v57, $0x167;
	v61 =	vmul.u32 $0x168, v59;
	v60 =	vadd.s32 v58, v7;
	[tilespmem:$0xFF40] =	vst v6  }
0xe5: {  	v62 =	vnsel vm15, $0x167, v57;
	[tilespmem:v6+s24+$0x0] =	vst.idx.add.f32.msk $0xffff, v12  }
0xe6: {  	p0 =	seq.s32 s31, $0xF;
	v63 =	vadd.s32 v62, v61;
	[tilespmem:$0xFF50] =	vst v3  }
.Ltmp10:
0xe7: {  	[tilespmem:v3+s24+$0x0] =	vst.idx.add.f32.msk $0xffff, v13;
	(pc) =	sbr.rel @p0 .LBB2_26-.Ltmp10, $4  }
0xe8: {  	[tilespmem:$0xFF60] =	vst v60  }
0xe9: {  	[tilespmem:v60+s24+$0x0] =	vst.idx.add.f32.msk $0xffff, v4  }
0xea: {  	[tilespmem:$0xFF70] =	vst v63  }
0xeb: {  	[tilespmem:v63+s24+$0x0] =	vst.idx.add.f32.msk $0xffff, v2  }
0xec: {  	s0 =	sshll.u32 s31, $0x11  }
0xed: {  	s0 =	sadd.s32 s0, s15  }
0xee: {  	s0 =	sshrl.u32 s0, $0x3  }
0xef: {  	s19 =	simm.s32 $0x0;
	s4 =	sadd.s32 s1, s0  }
0xf0: {  	s22 =	simm.s32 $0x80;
	s23 =	simm.s32 $0x100;
	s29 =	sadd.s32 $0x0, s4  }
.LBB2_20:
0xf1: {  	[tilespmem:s19], [sflag:$0x1] =	stream.linear.gather [hbm4b:s29+s5], $0x80, $0x38;
	[tilespmem:$0x1FD80] =	vst v63  }
0xf2: {  	s29 =	smov.u32 s22;
	s19 =	smov.u32 s23;
	p1 =	sne.s32 s22, $0x1F80  }
.Ltmp11:
0xf3: {  	s22 =	sadd.s32 $0x80, s22;
	(pc) =	sbr.rel @p1 .LBB2_20-.Ltmp11, $2  }
0xf4: {  	_ =	sdelay $0x2  }
0xf5: {  	s23 =	sadd.s32 $0x100, s23;
	s29 =	sadd.s32 s29, s4  }
0xf6: {  	[tilespmem:s19], [sflag:$0x1] =	stream.linear.gather [hbm4b:s29+s5], $0x80, $0x38;
	[tilespmem:$0x1FD80] =	vst v63  }
0xf7: {  	s4 =	sadd.s32 s2, s0;
	s19 =	simm.s32 $0x4000  }
0xf8: {  	s22 =	simm.s32 $0x80;
	s23 =	simm.s32 $0x4100;
	s29 =	sadd.s32 $0x0, s4  }
.LBB2_22:
0xf9: {  	[tilespmem:s19], [sflag:$0x1] =	stream.linear.gather [hbm4b:s29+s5], $0x80, $0x38;
	[tilespmem:$0x1FD80] =	vst v63  }
0xfa: {  	s29 =	smov.u32 s22;
	s19 =	smov.u32 s23;
	p1 =	sne.s32 s22, $0x1F80  }
.Ltmp12:
0xfb: {  	s22 =	sadd.s32 $0x80, s22;
	(pc) =	sbr.rel @p1 .LBB2_22-.Ltmp12, $2  }
0xfc: {  	_ =	sdelay $0x2  }
0xfd: {  	s23 =	sadd.s32 $0x100, s23;
	s29 =	sadd.s32 s29, s4  }
0xfe: {  	[tilespmem:s19], [sflag:$0x1] =	stream.linear.gather [hbm4b:s29+s5], $0x80, $0x38;
	[tilespmem:$0x1FD80] =	vst v63  }
0xff: {  	s0 =	sadd.s32 s3, s0;
	s4 =	simm.s32 $0x8000  }
0x100: {  	s19 =	simm.s32 $0x80;
	s22 =	simm.s32 $0x8100;
	s23 =	sadd.s32 $0x0, s0  }
.LBB2_24:
0x101: {  	[tilespmem:s4], [sflag:$0x1] =	stream.linear.gather [hbm4b:s23+s5], $0x80, $0x38;
	[tilespmem:$0x1FD80] =	vst v63  }
0x102: {  	s23 =	smov.u32 s19;
	s4 =	smov.u32 s22;
	p1 =	sne.s32 s19, $0x1F80  }
.Ltmp13:
0x103: {  	s19 =	sadd.s32 $0x80, s19;
	(pc) =	sbr.rel @p1 .LBB2_24-.Ltmp13, $2  }
0x104: {  	_ =	sdelay $0x2  }
0x105: {  	s22 =	sadd.s32 $0x100, s22;
	s23 =	sadd.s32 s23, s0  }
0x106: {  	p1 =	seq.s32 s31, $0x0  }
.Ltmp14:
0x107: {  	_ = 	snop;
	(pc) =	sbr.rel @p1 .LBB2_27-.Ltmp14, $2  }
0x108: {  	_ =	sdelay $0x2  }
0x109: {  	[tilespmem:s4], [sflag:$0x1] =	stream.linear.gather [hbm4b:s23+s5], $0x80, $0x38;
	[tilespmem:$0x1FD80] =	vst v63  }
.LBB2_26:
0x10a: {  	_ =	swait.ge [sflag:s25], $0x2000  }
0x10b: {  	[sflag:s25] =	ssyncset.done $0x0  }
0x10c: {  	[sflag:s25] =	ssyncadd.s32 $0xFFFFE000  }
.LBB2_27:
0x10d: {  	s0 =	sshll.u32 s31, $0xE  }
0x10e: {  	s0 =	sor.u32 s8, s0  }
0x10f: {  	s4 =	sshrl.u32 s0, $0x3  }
0x110: {  	s19 =	simm.s32 $0xC000;
	s0 =	sadd.s32 s7, s4  }
0x111: {  	s22 =	simm.s32 $0x10;
	s23 =	simm.s32 $0xC100;
	s29 =	sadd.s32 $0x0, s0  }
.LBB2_28:
0x112: {  	[hbm4b:s29+s5] =	stream.linear.scatter [tilespmem:s19], [sflag:$0x3], $0x80, $0x38;
	[tilespmem:$0x1FD80] =	vst v63  }
0x113: {  	s29 =	smov.u32 s22;
	s19 =	smov.u32 s23;
	p1 =	sne.s32 s22, $0x3F0  }
.Ltmp15:
0x114: {  	s22 =	sadd.s32 $0x10, s22;
	(pc) =	sbr.rel @p1 .LBB2_28-.Ltmp15, $2  }
0x115: {  	_ =	sdelay $0x2  }
0x116: {  	s23 =	sadd.s32 $0x100, s23;
	s29 =	sadd.s32 s29, s0  }
0x117: {  	[hbm4b:s29+s5] =	stream.linear.scatter [tilespmem:s19], [sflag:$0x3], $0x80, $0x38;
	[tilespmem:$0x1FD80] =	vst v63  }
0x118: {  	_ =	swait.ge [sflag:s26], $0x2000  }
0x119: {  	[sflag:s26] =	ssyncset.done $0x0  }
0x11a: {  	[sflag:s26] =	ssyncadd.s32 $0xFFFFE000  }
0x11b: {  	_ =	swait.ge [sflag:s26], $0x2000  }
0x11c: {  	[sflag:s26] =	ssyncset.done $0x0  }
0x11d: {  	[sflag:s26] =	ssyncadd.s32 $0xFFFFE000  }
0x11e: {  	_ =	swait.ge [sflag:s26], $0x2000  }
0x11f: {  	[sflag:s26] =	ssyncset.done $0x0  }
0x120: {  	[sflag:s26] =	ssyncadd.s32 $0xFFFFE000  }
0x121: {  	v2 =	vld [tilespmem:$0x80]  }
0x122: {  	v3 =	vld [tilespmem:$0x4080]  }
0x123: {  	v4 =	vld [tilespmem:$0x90]  }
0x124: {  	v5 =	vld [tilespmem:$0x4090]  }
0x125: {  	v7 =	vld [tilespmem:$0xA0]  }
0x126: {  	v9 =	vld [tilespmem:$0x40A0]  }
0x127: {  	v12 =	vld [tilespmem:$0x40B0]  }
0x128: {  	v16 =	vld [tilespmem:$0xE0]  }
0x129: {  	s0 =	simm.s32 $0x0;
	v19 =	vld [tilespmem:$0x40E0]  }
0x12a: {  	v26 =	vld [tilespmem:s0+$0x41F0]  }
0x12b: {  	v2 =	vmul.f32 $5.729578020e+01, v2;
	v3 =	vmul.f32 $5.729578020e+01, v3  }
0x12c: {  	v4 =	vmul.f32 $5.729578020e+01, v4;
	v5 =	vmul.f32 $5.729578020e+01, v5  }
0x12d: {  	v7 =	vmul.f32 $5.729578020e+01, v7;
	v9 =	vmul.f32 $5.729578020e+01, v9  }
0x12e: {  	v12 =	vmul.f32 $5.729578020e+01, v12;
	v16 =	vmul.f32 $5.729578020e+01, v16  }
0x12f: {  	v19 =	vmul.f32 $5.729578020e+01, v19;
	v33 =	vmul.f32 $5.729578020e+01, v26  }
0x130: {  	v2 =	vtrunc.f32 v2;
	v3 =	vtrunc.f32 v3  }
0x131: {  	v4 =	vtrunc.f32 v4;
	v11 =	vtrunc.f32 v5  }
0x132: {  	v13 =	vtrunc.f32 v7;
	v12 =	vtrunc.f32 v12  }
0x133: {  	v16 =	vtrunc.f32 v16;
	v19 =	vtrunc.f32 v19  }
0x134: {  	v6 =	vld [tilespmem:$0x8080];
	v2 =	vcvt.f32.s32 v2;
	v8 =	vcvt.f32.s32 v3  }
0x135: {  	v10 =	vld [tilespmem:$0xB0];
	v4 =	vcvt.f32.s32 v4;
	v11 =	vcvt.f32.s32 v11  }
0x136: {  	v15 =	vld [tilespmem:$0xD0];
	v12 =	vcvt.f32.s32 v12;
	v16 =	vcvt.f32.s32 v16;
	vm0 =	vlt.s32 v2, $0xB3  }
0x137: {  	v30 =	vld [tilespmem:s0+$0x41E0];
	v28 =	vcvt.f32.s32 v19;
	vm13 =	vlt.s32 v8, $0x167;
	v2 =	vnsel vm0, $0xB3, v2  }
0x138: {  	v29 =	vld [tilespmem:s0+$0x41C0];
	vm14 =	vlt.s32 v4, $0xB3;
	vm15 =	vlt.s32 v11, $0x167;
	v2 =	vmul.u32 $0x168, v2  }
0x139: {  	v32 =	vld [tilespmem:s0+$0x41A0];
	vm7 =	vlt.s32 v12, $0x167;
	vm12 =	vlt.s32 v16, $0xB3;
	v8 =	vnsel vm13, $0x167, v8  }
0x13a: {  	v24 =	vadd.s32 v8, v2;
	v2 =	vnsel vm14, $0xB3, v4;
	v4 =	vcvt.f32.s32 v13;
	v13 =	vld [tilespmem:$0xC0]  }
0x13b: {  	v26 =	vld [tilespmem:s0+$0x8180];
	v11 =	vnsel vm15, $0x167, v11;
	v8 =	vtrunc.f32 v9;
	v9 =	vmul.f32 $5.729578020e+01, v10  }
0x13c: {  	v5 =	vld [tilespmem:$0x80A0];
	v12 =	vnsel vm7, $0x167, v12;
	v16 =	vnsel vm12, $0xB3, v16;
	v2 =	vmul.u32 $0x168, v2  }
0x13d: {  	v10 =	vld [tilespmem:$0x40C0];
	v14 =	vcvt.f32.s32 v8;
	vm4 =	vlt.s32 v4, $0xB3;
	v9 =	vtrunc.f32 v9  }
0x13e: {  	v20 =	vadd.s32 v11, v2;
	v2 =	vnsel vm4, $0xB3, v4;
	v4 =	vcvt.f32.s32 v9;
	v11 =	vld [tilespmem:$0x40D0]  }
0x13f: {  	v7 =	vld [tilespmem:$0x80B0];
	vm5 =	vlt.s32 v14, $0x167;
	v2 =	vmul.u32 $0x168, v2;
	v13 =	vmul.f32 $5.729578020e+01, v13  }
0x140: {  	v3 =	vld [tilespmem:$0x8090];
	vm13 =	vlt.s32 v28, $0x167;
	v14 =	vnsel vm5, $0x167, v14;
	vm6 =	vlt.s32 v4, $0xB3  }
0x141: {  	v8 =	vld [tilespmem:$0x80C0];
	v18 =	vadd.s32 v14, v2;
	v14 =	vmul.f32 $5.729578020e+01, v15;
	v13 =	vtrunc.f32 v13  }
0x142: {  	v17 =	vmul.f32 $5.729578020e+01, v10;
	v2 =	vnsel vm6, $0xB3, v4;
	v15 =	vld [tilespmem:$0xF0];
	v4 =	vcvt.f32.s32 v13  }
0x143: {  	v9 =	vld [tilespmem:$0x80D0];
	v2 =	vmul.u32 $0x168, v2;
	v14 =	vtrunc.f32 v14;
	v21 =	vmul.f32 $5.729578020e+01, v11  }
0x144: {  	v28 =	vnsel vm13, $0x167, v28;
	v13 =	vtrunc.f32 v17;
	v17 =	vld [tilespmem:$0x40F0];
	v14 =	vcvt.f32.s32 v14  }
0x145: {  	v10 =	vld [tilespmem:$0x80E0];
	v13 =	vcvt.f32.s32 v13;
	v22 =	vadd.s32 v12, v2;
	v21 =	vtrunc.f32 v21  }
0x146: {  	v11 =	vld [tilespmem:$0x80F0];
	vm8 =	vlt.s32 v4, $0xB3;
	v25 =	vcvt.f32.s32 v21;
	vm10 =	vlt.s32 v14, $0xB3  }
0x147: {  	v2 =	vld [tilespmem:s0+$0x81F0];
	v12 =	vnsel vm8, $0xB3, v4;
	v15 =	vmul.f32 $5.729578020e+01, v15;
	v14 =	vnsel vm10, $0xB3, v14  }
0x148: {  	v4 =	vld [tilespmem:s0+$0x81E0];
	v23 =	vmul.u32 $0x168, v12;
	vm11 =	vlt.s32 v25, $0x167;
	v27 =	vmul.u32 $0x168, v14  }
0x149: {  	v12 =	vld [tilespmem:s0+$0x81C0];
	v15 =	vtrunc.f32 v15;
	v17 =	vmul.f32 $5.729578020e+01, v17;
	v25 =	vnsel vm11, $0x167, v25  }
0x14a: {  	vm9 =	vlt.s32 v13, $0x167;
	v19 =	vadd.s32 v25, v27;
	v25 =	vcvt.f32.s32 v15;
	v27 =	vld [tilespmem:s0+$0x41D0]  }
0x14b: {  	v13 =	vnsel vm9, $0x167, v13;
	v14 =	vld [tilespmem:s0+$0x81B0];
	v15 =	vmul.u32 $0x168, v16;
	v16 =	vtrunc.f32 v17  }
0x14c: {  	v21 =	vadd.s32 v13, v23;
	v23 =	vld [tilespmem:s0+$0x41B0];
	v16 =	vcvt.f32.s32 v16;
	vm14 =	vlt.s32 v25, $0xB3  }
0x14d: {  	v13 =	vld [tilespmem:s0+$0x81D0];
	v15 =	vadd.s32 v28, v15;
	v28 =	vmul.f32 $5.729578020e+01, v30;
	v25 =	vnsel vm14, $0xB3, v25  }
0x14e: {  	v17 =	vld [tilespmem:s0+$0x81A0];
	vm15 =	vlt.s32 v16, $0x167;
	v31 =	vmul.u32 $0x168, v25  }
0x14f: {  	v30 =	vld [tilespmem:s0+$0x1F0];
	v16 =	vnsel vm15, $0x167, v16;
	v25 =	vmul.f32 $5.729578020e+01, v27;
	v27 =	vtrunc.f32 v28  }
0x150: {  	s19 =	simm.s32 $0x400;
	v16 =	vadd.s32 v16, v31;
	v31 =	vld [tilespmem:s0+$0x1E0];
	v28 =	vcvt.f32.s32 v27;
	v27 =	vtrunc.f32 v33  }
.LBB2_30:
0x151: {  	p1 =	sne.s32 s19, $0xF800;
	v33 =	vld [tilespmem:s0+$0x8190];
	s22 =	smov.u32 s19;
	s19 =	sadd.s32 $0x400, s19  }
0x152: {  	v34 =	vld [tilespmem:s0+$0x4190];
	vm0 =	vlt.s32 v28, $0x167  }
0x153: {  	v32 =	vmul.f32 $5.729578020e+01, v32;
	v35 =	vld [tilespmem:s0+$0x1D0];
	v28 =	vnsel vm0, $0x167, v28;
	[tilespmem:s0+$0xC080] =	vst v24  }
0x154: {  	v36 =	vld [tilespmem:s0+$0x1A0]  }
0x155: {  	v32 =	vtrunc.f32 v32;
	v37 =	vld [tilespmem:s0+$0x1C0]  }
0x156: {  	v38 =	vld [tilespmem:s0+$0x190];
	v32 =	vcvt.f32.s32 v32  }
0x157: {  	v27 =	vcvt.f32.s32 v27;
	v34 =	vmul.f32 $5.729578020e+01, v34;
	v39 =	vld [tilespmem:s0+$0x1B0]  }
0x158: {  	v31 =	vmul.f32 $5.729578020e+01, v31;
	v40 =	vld [tilespmem:s0+$0x4180];
	vm0 =	vlt.s32 v32, $0x167;
	v35 =	vmul.f32 $5.729578020e+01, v35  }
0x159: {  	v30 =	vmul.f32 $5.729578020e+01, v30;
	v41 =	vld [tilespmem:s0+$0x180];
	v34 =	vtrunc.f32 v34;
	v32 =	vnsel vm0, $0x167, v32  }
0x15a: {  	v29 =	vmul.f32 $5.729578020e+01, v29;
	vm0 =	vlt.s32 v27, $0x167;
	v35 =	vtrunc.f32 v35;
	[tilespmem:v24+s24+$0x0] =	vst.idx.add.f32.msk $0xffff, v6;
	v6 =	vmovc v26  }
0x15b: {  	v27 =	vnsel vm0, $0x167, v27;
	v24 =	vmul.f32 $5.729578020e+01, v38;
	v26 =	vcvt.f32.s32 v35;
	[tilespmem:s0+$0xC090] =	vst v20  }
0x15c: {  	v35 =	vmul.f32 $5.729578020e+01, v36;
	v36 =	vmul.f32 $5.729578020e+01, v39;
	[tilespmem:v20+s24+$0x0] =	vst.idx.add.f32.msk $0xffff, v3;
	v3 =	vmov v33  }
0x15d: {  	v33 =	vmul.f32 $5.729578020e+01, v37;
	v20 =	vmul.f32 $5.729578020e+01, v40;
	[tilespmem:s0+$0xC0A0] =	vst v18  }
0x15e: {  	v30 =	vtrunc.f32 v30;
	v36 =	vtrunc.f32 v36;
	[tilespmem:v18+s24+$0x0] =	vst.idx.add.f32.msk $0xffff, v5;
	v5 =	vmov v17  }
0x15f: {  	v17 =	vmul.f32 $5.729578020e+01, v23;
	v18 =	vcvt.f32.s32 v30;
	[tilespmem:s0+$0xC0B0] =	vst v22  }
0x160: {  	v23 =	vcvt.f32.s32 v34;
	v30 =	vtrunc.f32 v35;
	[tilespmem:v22+s24+$0x0] =	vst.idx.add.f32.msk $0xffff, v7;
	v7 =	vmov v14  }
0x161: {  	v14 =	vtrunc.f32 v24;
	v17 =	vtrunc.f32 v17;
	vm0 =	vlt.s32 v18, $0xB3;
	[tilespmem:s0+$0xC0C0] =	vst v21  }
0x162: {  	v20 =	vtrunc.f32 v20;
	vm1 =	vlt.s32 v23, $0x167;
	v17 =	vcvt.f32.s32 v17;
	[tilespmem:v21+s24+$0x0] =	vst.idx.add.f32.msk $0xffff, v8;
	v8 =	vmovc v12  }
0x163: {  	v14 =	vcvt.f32.s32 v14;
	v21 =	vnsel vm1, $0x167, v23;
	v12 =	vtrunc.f32 v31;
	[tilespmem:s0+$0xC0D0] =	vst v19  }
0x164: {  	v22 =	vmul.f32 $5.729578020e+01, v41;
	v23 =	vtrunc.f32 v33;
	vm1 =	vlt.s32 v17, $0x167;
	[tilespmem:v19+s24+$0x0] =	vst.idx.add.f32.msk $0xffff, v9;
	v9 =	vmovc v13  }
0x165: {  	v12 =	vcvt.f32.s32 v12;
	v24 =	vnsel vm1, $0x167, v17;
	v13 =	vtrunc.f32 v25;
	[tilespmem:s0+$0xC0E0] =	vst v15  }
0x166: {  	v17 =	vcvt.f32.s32 v23;
	vm1 =	vlt.s32 v26, $0xB3;
	v13 =	vcvt.f32.s32 v13;
	[tilespmem:v15+s24+$0x0] =	vst.idx.add.f32.msk $0xffff, v10;
	v10 =	vmovc v4  }
0x167: {  	v19 =	vcvt.f32.s32 v20;
	v20 =	vcvt.f32.s32 v36;
	vm2 =	vlt.s32 v12, $0xB3;
	[tilespmem:s0+$0xC0F0] =	vst v16  }
0x168: {  	v15 =	vcvt.f32.s32 v30;
	vm3 =	vlt.s32 v17, $0xB3;
	v12 =	vnsel vm2, $0xB3, v12;
	s0 =	sshra.s32 s22, $0x2;
	[tilespmem:v16+s24+$0x0] =	vst.idx.add.f32.msk $0xffff, v11;
	v11 =	vmovc v2  }
0x169: {  	vm2 =	vlt.s32 v19, $0x167;
	vm4 =	vlt.s32 v13, $0x167;
	v16 =	vtrunc.f32 v22;
	v2 =	vld [tilespmem:s0+$0x81F0]  }
0x16a: {  	v23 =	vmul.u32 $0x168, v12;
	vm5 =	vlt.s32 v15, $0xB3;
	v22 =	vtrunc.f32 v29;
	v4 =	vld [tilespmem:s0+$0x81E0]  }
0x16b: {  	vm6 =	vlt.s32 v14, $0xB3;
	v17 =	vnsel vm3, $0xB3, v17;
	v25 =	vnsel vm5, $0xB3, v15;
	v12 =	vld [tilespmem:s0+$0x81C0]  }
0x16c: {  	v26 =	vnsel vm1, $0xB3, v26;
	v29 =	vnsel vm4, $0x167, v13;
	v15 =	vadd.s32 v28, v23;
	v31 =	vld [tilespmem:s0+$0x41F0]  }
0x16d: {  	vm1 =	vlt.s32 v20, $0xB3;
	v16 =	vcvt.f32.s32 v16;
	v28 =	vnsel vm2, $0x167, v19;
	v23 =	vld [tilespmem:s0+$0x41B0]  }
0x16e: {  	v20 =	vnsel vm1, $0xB3, v20;
	v33 =	vmul.u32 $0x168, v17;
	v19 =	vnsel vm6, $0xB3, v14;
	v13 =	vld [tilespmem:s0+$0x81D0]  }
0x16f: {  	v18 =	vnsel vm0, $0xB3, v18;
	v22 =	vcvt.f32.s32 v22;
	v17 =	vmul.u32 $0x168, v25;
	v30 =	vld [tilespmem:s0+$0x41E0]  }
0x170: {  	v25 =	vmul.u32 $0x168, v26;
	v26 =	vmul.u32 $0x168, v18;
	vm0 =	vlt.s32 v16, $0xB3;
	v14 =	vld [tilespmem:s0+$0x81B0]  }
0x171: {  	v35 =	vmul.u32 $0x168, v19;
	vm1 =	vlt.s32 v22, $0x167;
	v18 =	vadd.s32 v32, v17;
	v34 =	vld [tilespmem:s0+$0x41D0]  }
0x172: {  	v36 =	vmul.u32 $0x168, v20;
	v32 =	vnsel vm0, $0xB3, v16;
	v19 =	vadd.s32 v29, v25;
	v17 =	vld [tilespmem:s0+$0x81A0]  }
.Ltmp16:
0x173: {  	v20 =	vadd.s32 v21, v35;
	v21 =	vnsel vm1, $0x167, v22;
	v16 =	vadd.s32 v27, v26;
	v29 =	vld [tilespmem:s0+$0x41C0];
	(pc) =	sbr.rel @p1 .LBB2_30-.Ltmp16, $4  }
0x174: {  	v35 =	vmul.u32 $0x168, v32;
	v21 =	vadd.s32 v21, v33;
	v27 =	vmul.f32 $5.729578020e+01, v30;
	v30 =	vld [tilespmem:s0+$0x1F0]  }
0x175: {  	v22 =	vadd.s32 v24, v36;
	v33 =	vmul.f32 $5.729578020e+01, v31;
	v32 =	vld [tilespmem:s0+$0x41A0]  }
0x176: {  	v24 =	vadd.s32 v28, v35;
	v26 =	vld [tilespmem:s0+$0x8180];
	v25 =	vmul.f32 $5.729578020e+01, v34;
	v27 =	vtrunc.f32 v27  }
0x177: {  	v31 =	vld [tilespmem:s0+$0x1E0];
	v28 =	vcvt.f32.s32 v27;
	v27 =	vtrunc.f32 v33  }
0x178: {  	v33 =	vld [tilespmem:s0+$0x8190]  }
0x179: {  	v34 =	vld [tilespmem:s0+$0x4190]  }
0x17a: {  	v35 =	vld [tilespmem:s0+$0x1D0]  }
0x17b: {  	v36 =	vld [tilespmem:s0+$0x1A0]  }
0x17c: {  	v37 =	vld [tilespmem:s0+$0x1C0]  }
0x17d: {  	v38 =	vld [tilespmem:s0+$0x190]  }
0x17e: {  	v39 =	vld [tilespmem:s0+$0x1B0];
	v29 =	vmul.f32 $5.729578020e+01, v29;
	v61 =	vmul.f32 $5.729578020e+01, v23  }
0x17f: {  	v40 =	vld [tilespmem:s0+$0x4180];
	v47 =	vtrunc.f32 v25;
	v57 =	vcvt.f32.s32 v27  }
0x180: {  	[tilespmem:s0+$0xC080] =	vst v24;
	v41 =	vld [tilespmem:s0+$0x180];
	v30 =	vmul.f32 $5.729578020e+01, v30;
	v32 =	vmul.f32 $5.729578020e+01, v32  }
0x181: {  	[tilespmem:v24+s24+$0x0] =	vst.idx.add.f32.msk $0xffff, v6;
	v6 =	vtrunc.f32 v61;
	v53 =	vtrunc.f32 v29  }
0x182: {  	v30 =	vtrunc.f32 v30;
	v32 =	vtrunc.f32 v32  }
0x183: {  	v31 =	vmul.f32 $5.729578020e+01, v31;
	v62 =	vcvt.f32.s32 v30  }
0x184: {  	v32 =	vcvt.f32.s32 v32;
	v34 =	vmul.f32 $5.729578020e+01, v34  }
0x185: {  	v35 =	vmul.f32 $5.729578020e+01, v35;
	v38 =	vmul.f32 $5.729578020e+01, v38  }
0x186: {  	v36 =	vmul.f32 $5.729578020e+01, v36;
	v39 =	vmul.f32 $5.729578020e+01, v39  }
0x187: {  	v40 =	vmul.f32 $5.729578020e+01, v40;
	v37 =	vmul.f32 $5.729578020e+01, v37  }
0x188: {  	[tilespmem:s0+$0xC090] =	vst v20;
	v44 =	vtrunc.f32 v31;
	v34 =	vtrunc.f32 v34  }
0x189: {  	[tilespmem:v20+s24+$0x0] =	vst.idx.add.f32.msk $0xffff, v3;
	v35 =	vtrunc.f32 v35;
	v39 =	vtrunc.f32 v39  }
0x18a: {  	[tilespmem:s0+$0xC0A0] =	vst v18;
	v36 =	vtrunc.f32 v36;
	v3 =	vtrunc.f32 v38  }
0x18b: {  	[tilespmem:v18+s24+$0x0] =	vst.idx.add.f32.msk $0xffff, v5;
	v38 =	vmul.f32 $5.729578020e+01, v41;
	v40 =	vtrunc.f32 v40  }
0x18c: {  	[tilespmem:s0+$0xC0B0] =	vst v22;
	v41 =	vcvt.f32.s32 v6;
	v45 =	vtrunc.f32 v37  }
0x18d: {  	[tilespmem:v22+s24+$0x0] =	vst.idx.add.f32.msk $0xffff, v7;
	v7 =	vcvt.f32.s32 v44;
	v42 =	vtrunc.f32 v38  }
0x18e: {  	vm1 =	vlt.s32 v32, $0x167;
	v35 =	vcvt.f32.s32 v35;
	v6 =	vcvt.f32.s32 v42  }
0x18f: {  	v63 =	vcvt.f32.s32 v34;
	v32 =	vnsel vm1, $0x167, v32;
	v3 =	vcvt.f32.s32 v3  }
0x190: {  	[tilespmem:s0+$0xC0C0] =	vst v21;
	v46 =	vcvt.f32.s32 v40;
	v48 =	vcvt.f32.s32 v36;
	vm6 =	vlt.s32 v6, $0xB3  }
0x191: {  	v49 =	vcvt.f32.s32 v39;
	v51 =	vcvt.f32.s32 v45;
	[tilespmem:v21+s24+$0x0] =	vst.idx.add.f32.msk $0xffff, v8;
	v6 =	vnsel vm6, $0xB3, v6  }
0x192: {  	[tilespmem:s0+$0xC0D0] =	vst v19;
	vm7 =	vlt.s32 v46, $0x167;
	vm2 =	vlt.s32 v3, $0xB3;
	v6 =	vmul.u32 $0x168, v6  }
0x193: {  	vm4 =	vlt.s32 v63, $0x167;
	[tilespmem:v19+s24+$0x0] =	vst.idx.add.f32.msk $0xffff, v9;
	v50 =	vnsel vm7, $0x167, v46;
	v3 =	vnsel vm2, $0xB3, v3  }
0x194: {  	vm8 =	vlt.s32 v48, $0xB3;
	[tilespmem:s0+$0xC0E0] =	vst v15;
	v3 =	vmul.u32 $0x168, v3;
	v6 =	vadd.s32 v50, v6  }
0x195: {  	vm5 =	vlt.s32 v41, $0x167;
	v43 =	vnsel vm4, $0x167, v63;
	v52 =	vnsel vm8, $0xB3, v48;
	[tilespmem:v15+s24+$0x0] =	vst.idx.add.f32.msk $0xffff, v10  }
0x196: {  	vm9 =	vlt.s32 v49, $0xB3;
	v10 =	vmul.u32 $0x168, v52;
	[tilespmem:s0+$0xC0F0] =	vst v16;
	v3 =	vadd.s32 v43, v3  }
0x197: {  	v8 =	vcvt.f32.s32 v47;
	vm10 =	vlt.s32 v51, $0xB3;
	v9 =	vnsel vm9, $0xB3, v49;
	[tilespmem:v16+s24+$0x0] =	vst.idx.add.f32.msk $0xffff, v11  }
0x198: {  	v9 =	vmul.u32 $0x168, v9;
	v11 =	vcvt.f32.s32 v53;
	v10 =	vadd.s32 v32, v10;
	[tilespmem:$0xFF80] =	vst v6  }
0x199: {  	v5 =	vnsel vm5, $0x167, v41;
	vm11 =	vlt.s32 v35, $0xB3;
	v54 =	vnsel vm10, $0xB3, v51;
	[tilespmem:v6+s24+$0x0] =	vst.idx.add.f32.msk $0xffff, v26  }
0x19a: {  	v55 =	vmul.u32 $0x168, v54;
	v5 =	vadd.s32 v5, v9;
	vm12 =	vlt.s32 v11, $0x167;
	[tilespmem:$0xFF90] =	vst v3  }
0x19b: {  	vm3 =	vlt.s32 v7, $0xB3;
	v56 =	vnsel vm11, $0xB3, v35;
	v11 =	vnsel vm12, $0x167, v11;
	[tilespmem:v3+s24+$0x0] =	vst.idx.add.f32.msk $0xffff, v33  }
0x19c: {  	vm13 =	vlt.s32 v8, $0x167;
	v6 =	vadd.s32 v11, v55;
	v3 =	vmul.u32 $0x168, v56;
	[tilespmem:$0xFFA0] =	vst v10  }
0x19d: {  	vm0 =	vlt.s32 v28, $0x167;
	v7 =	vnsel vm3, $0xB3, v7;
	v8 =	vnsel vm13, $0x167, v8;
	[tilespmem:v10+s24+$0x0] =	vst.idx.add.f32.msk $0xffff, v17  }
0x19e: {  	vm14 =	vlt.s32 v62, $0xB3;
	v7 =	vmul.u32 $0x168, v7;
	v3 =	vadd.s32 v8, v3;
	[tilespmem:$0xFFB0] =	vst v5  }
0x19f: {  	v58 =	vnsel vm0, $0x167, v28;
	v59 =	vnsel vm14, $0xB3, v62;
	[tilespmem:v5+s24+$0x0] =	vst.idx.add.f32.msk $0xffff, v14  }
0x1a0: {  	vm15 =	vlt.s32 v57, $0x167;
	v61 =	vmul.u32 $0x168, v59;
	v60 =	vadd.s32 v58, v7;
	[tilespmem:$0xFFC0] =	vst v6  }
0x1a1: {  	v62 =	vnsel vm15, $0x167, v57;
	[tilespmem:v6+s24+$0x0] =	vst.idx.add.f32.msk $0xffff, v12  }
0x1a2: {  	v63 =	vadd.s32 v62, v61;
	[tilespmem:$0xFFD0] =	vst v3  }
.Ltmp17:
0x1a3: {  	[tilespmem:v3+s24+$0x0] =	vst.idx.add.f32.msk $0xffff, v13;
	(pc) =	sbr.rel @p0 .LBB2_39-.Ltmp17, $4  }
0x1a4: {  	[tilespmem:$0xFFE0] =	vst v60  }
0x1a5: {  	[tilespmem:v60+s24+$0x0] =	vst.idx.add.f32.msk $0xffff, v4  }
0x1a6: {  	[tilespmem:$0xFFF0] =	vst v63  }
0x1a7: {  	[tilespmem:v63+s24+$0x0] =	vst.idx.add.f32.msk $0xffff, v2  }
0x1a8: {  	s0 =	sshll.u32 s31, $0x11  }
0x1a9: {  	s0 =	sadd.s32 s0, s16  }
0x1aa: {  	s0 =	sshrl.u32 s0, $0x3  }
0x1ab: {  	s22 =	simm.s32 $0x80;
	s19 =	sadd.s32 s1, s0  }
0x1ac: {  	s23 =	simm.s32 $0x80;
	s29 =	simm.s32 $0x180;
	s30 =	sadd.s32 $0x0, s19  }
.LBB2_33:
0x1ad: {  	[tilespmem:s22], [sflag:$0x2] =	stream.linear.gather [hbm4b:s30+s5], $0x80, $0x38;
	[tilespmem:$0x1FD80] =	vst v63  }
0x1ae: {  	s30 =	smov.u32 s23;
	s22 =	smov.u32 s29;
	p0 =	sne.s32 s23, $0x1F80  }
.Ltmp18:
0x1af: {  	s23 =	sadd.s32 $0x80, s23;
	(pc) =	sbr.rel @p0 .LBB2_33-.Ltmp18, $2  }
0x1b0: {  	_ =	sdelay $0x2  }
0x1b1: {  	s29 =	sadd.s32 $0x100, s29;
	s30 =	sadd.s32 s30, s19  }
0x1b2: {  	[tilespmem:s22], [sflag:$0x2] =	stream.linear.gather [hbm4b:s30+s5], $0x80, $0x38;
	[tilespmem:$0x1FD80] =	vst v63  }
0x1b3: {  	s19 =	sadd.s32 s2, s0;
	s22 =	simm.s32 $0x4080  }
0x1b4: {  	s23 =	simm.s32 $0x80;
	s29 =	simm.s32 $0x4180;
	s30 =	sadd.s32 $0x0, s19  }
.LBB2_35:
0x1b5: {  	[tilespmem:s22], [sflag:$0x2] =	stream.linear.gather [hbm4b:s30+s5], $0x80, $0x38;
	[tilespmem:$0x1FD80] =	vst v63  }
0x1b6: {  	s30 =	smov.u32 s23;
	s22 =	smov.u32 s29;
	p0 =	sne.s32 s23, $0x1F80  }
.Ltmp19:
0x1b7: {  	s23 =	sadd.s32 $0x80, s23;
	(pc) =	sbr.rel @p0 .LBB2_35-.Ltmp19, $2  }
0x1b8: {  	_ =	sdelay $0x2  }
0x1b9: {  	s29 =	sadd.s32 $0x100, s29;
	s30 =	sadd.s32 s30, s19  }
0x1ba: {  	[tilespmem:s22], [sflag:$0x2] =	stream.linear.gather [hbm4b:s30+s5], $0x80, $0x38;
	[tilespmem:$0x1FD80] =	vst v63  }
0x1bb: {  	s0 =	sadd.s32 s3, s0;
	s19 =	simm.s32 $0x8080  }
0x1bc: {  	s22 =	simm.s32 $0x80;
	s23 =	simm.s32 $0x8180;
	s29 =	sadd.s32 $0x0, s0  }
.LBB2_37:
0x1bd: {  	[tilespmem:s19], [sflag:$0x2] =	stream.linear.gather [hbm4b:s29+s5], $0x80, $0x38;
	[tilespmem:$0x1FD80] =	vst v63  }
0x1be: {  	s29 =	smov.u32 s22;
	s19 =	smov.u32 s23;
	p0 =	sne.s32 s22, $0x1F80  }
.Ltmp20:
0x1bf: {  	s22 =	sadd.s32 $0x80, s22;
	(pc) =	sbr.rel @p0 .LBB2_37-.Ltmp20, $2  }
0x1c0: {  	_ =	sdelay $0x2  }
0x1c1: {  	s23 =	sadd.s32 $0x100, s23;
	s29 =	sadd.s32 s29, s0  }
0x1c2: {  	p0 =	seq.s32 s31, $0x0  }
.Ltmp21:
0x1c3: {  	_ = 	snop;
	(pc) =	sbr.rel @p0 .LBB2_40-.Ltmp21, $2  }
0x1c4: {  	_ =	sdelay $0x2  }
0x1c5: {  	[tilespmem:s19], [sflag:$0x2] =	stream.linear.gather [hbm4b:s29+s5], $0x80, $0x38;
	[tilespmem:$0x1FD80] =	vst v63  }
.LBB2_39:
0x1c6: {  	_ =	swait.ge [sflag:s28], $0x2000  }
0x1c7: {  	[sflag:s28] =	ssyncset.done $0x0  }
0x1c8: {  	[sflag:s28] =	ssyncadd.s32 $0xFFFFE000  }
.LBB2_40:
0x1c9: {  	s0 =	sadd.s32 s4, s7  }
0x1ca: {  	s4 =	simm.s32 $0xC080;
	s0 =	sadd.s32 $0x400, s0  }
0x1cb: {  	s19 =	simm.s32 $0x10;
	s22 =	simm.s32 $0xC180;
	s23 =	sadd.s32 $0x0, s0  }
.LBB2_41:
0x1cc: {  	[hbm4b:s23+s5] =	stream.linear.scatter [tilespmem:s4], [sflag:$0x4], $0x80, $0x38;
	[tilespmem:$0x1FD80] =	vst v63  }
0x1cd: {  	s23 =	smov.u32 s19;
	s4 =	smov.u32 s22;
	p0 =	sne.s32 s19, $0x3F0  }
.Ltmp22:
0x1ce: {  	s19 =	sadd.s32 $0x10, s19;
	(pc) =	sbr.rel @p0 .LBB2_41-.Ltmp22, $2  }
0x1cf: {  	_ =	sdelay $0x2  }
0x1d0: {  	s22 =	sadd.s32 $0x100, s22;
	s23 =	sadd.s32 s23, s0  }
0x1d1: {  	s31 =	sadd.s32 $0x1, s31  }
0x1d2: {  	p0 =	sne.s32 s31, $0x10  }
.Ltmp23:
0x1d3: {  	_ = 	snop;
	(pc) =	sbr.rel @p0 .LBB2_16-.Ltmp23, $2  }
0x1d4: {  	_ =	sdelay $0x2  }
0x1d5: {  	[hbm4b:s23+s5] =	stream.linear.scatter [tilespmem:s4], [sflag:$0x4], $0x80, $0x38;
	[tilespmem:$0x1FD80] =	vst v63  }
0x1d6: {  	_ =	swait.ge [sflag:s25], $0x2000  }
0x1d7: {  	[sflag:s25] =	ssyncset.done $0x0  }
0x1d8: {  	[sflag:s25] =	ssyncadd.s32 $0xFFFFE000  }
0x1d9: {  	_ =	swait.ge [sflag:s28], $0x2000  }
0x1da: {  	s0 =	simm.s32 $0xC000;
	s4 =	simm.s32 $0x10;
	[sflag:s28] =	ssyncset.done $0x0  }
0x1db: {  	s22 =	sadd.s32 $0x0, s17;
	s19 =	simm.s32 $0xC100;
	[sflag:s28] =	ssyncadd.s32 $0xFFFFE000  }
.LBB2_44:
0x1dc: {  	[tilespmem:s0], [sflag:$0x1] =	stream.linear.gather [hbm4b:s22+s5], $0x80, $0x38;
	[tilespmem:$0x1FD80] =	vst v63  }
0x1dd: {  	s22 =	smov.u32 s4;
	s0 =	smov.u32 s19;
	p0 =	sne.s32 s4, $0x3F0  }
.Ltmp24:
0x1de: {  	s4 =	sadd.s32 $0x10, s4;
	(pc) =	sbr.rel @p0 .LBB2_44-.Ltmp24, $2  }
0x1df: {  	_ =	sdelay $0x2  }
0x1e0: {  	s19 =	sadd.s32 $0x100, s19;
	s22 =	sadd.s32 s22, s17  }
0x1e1: {  	[tilespmem:s0], [sflag:$0x1] =	stream.linear.gather [hbm4b:s22+s5], $0x80, $0x38;
	[tilespmem:$0x1FD80] =	vst v63  }
0x1e2: {  	s0 =	simm.s32 $0xC080;
	s4 =	simm.s32 $0x10  }
0x1e3: {  	s22 =	sadd.s32 $0x0, s18;
	s19 =	simm.s32 $0xC180;
	s31 =	simm.s32 $0x5  }
.LBB2_46:
0x1e4: {  	[tilespmem:s0], [sflag:$0x2] =	stream.linear.gather [hbm4b:s22+s5], $0x80, $0x38;
	[tilespmem:$0x1FD80] =	vst v63  }
0x1e5: {  	s22 =	smov.u32 s4;
	s0 =	smov.u32 s19;
	p0 =	sne.s32 s4, $0x3F0  }
.Ltmp25:
0x1e6: {  	s4 =	sadd.s32 $0x10, s4;
	(pc) =	sbr.rel @p0 .LBB2_46-.Ltmp25, $2  }
0x1e7: {  	_ =	sdelay $0x2  }
0x1e8: {  	s19 =	sadd.s32 $0x100, s19;
	s22 =	sadd.s32 s22, s18  }
0x1e9: {  	[tilespmem:s0], [sflag:$0x2] =	stream.linear.gather [hbm4b:s22+s5], $0x80, $0x38;
	[tilespmem:$0x1FD80] =	vst v63  }
0x1ea: {  	s0 =	simm.s32 $0x0;
	s4 =	rddreg [dreg:$0x6]  }
0x1eb: {  	[hbm4b:s4+s0] =	stream.linear.scatter [tilespmem:s24], [sflag:$0x5], $0xFD80, $0x38;
	[tilespmem:$0x1FD80] =	vst v63  }
0x1ec: {  	_ =	swait.ge [sflag:s31], $0xFD80  }
0x1ed: {  	[sflag:s31] =	ssyncset.done $0x0  }
0x1ee: {  	s19 =	simm.s32 $0x100;
	s4 =	simm.s32 $0x0;
	[sflag:s31] =	ssyncadd.s32 $0xFFFF0280  }
.LBB2_48:
0x1ef: {  	p0 =	sne.s32 s19, $0x3F500;
	[tilespmem:s4+$0x10030] =	vst v0;
	s22 =	smov.u32 s19;
	s19 =	sadd.s32 $0x100, s19  }
.Ltmp26:
0x1f0: {  	[tilespmem:s4+$0x10020] =	vst v0;
	(pc) =	sbr.rel @p0 .LBB2_48-.Ltmp26, $3  }
0x1f1: {  	[tilespmem:s4+$0x10000] =	vst v0  }
0x1f2: {  	[tilespmem:s4+$0x10010] =	vst v0;
	_ =	sdelay $0x1  }
0x1f3: {  	s4 =	sshra.s32 s22, $0x2  }
0x1f4: {  	[tilespmem:s4+$0x10030] =	vst v0  }
0x1f5: {  	[tilespmem:s4+$0x10020] =	vst v0  }
0x1f6: {  	[tilespmem:s4+$0x10000] =	vst v0  }
0x1f7: {  	[tilespmem:s4+$0x10010] =	vst v0  }
.LBB2_50:
0x1f8: {  	_ =	swait.ge [sflag:s6], $0x2000  }
0x1f9: {  	[sflag:s6] =	ssyncset.done $0x0  }
0x1fa: {  	[sflag:s6] =	ssyncadd.s32 $0xFFFFE000  }
0x1fb: {  	v11 =	vld [tilespmem:$0xC000]  }
0x1fc: {  	v12 =	vld [tilespmem:$0xC010]  }
0x1fd: {  	v13 =	vld [tilespmem:$0xC020]  }
0x1fe: {  	v14 =	vld [tilespmem:$0xC030]  }
0x1ff: {  	v15 =	vld [tilespmem:$0xC040]  }
0x200: {  	v16 =	vld [tilespmem:$0xC050]  }
0x201: {  	v17 =	vld [tilespmem:$0xC060]  }
0x202: {  	s4 =	simm.s32 $0x0;
	v3 =	vld [tilespmem:$0xC070]  }
0x203: {  	v2 =	vld [tilespmem:s4+$0xC170]  }
0x204: {  	v4 =	vld [tilespmem:s4+$0xC160]  }
0x205: {  	v5 =	vld [tilespmem:s4+$0xC150]  }
0x206: {  	v6 =	vld [tilespmem:s4+$0xC130]  }
0x207: {  	v7 =	vld [tilespmem:s4+$0xC120]  }
0x208: {  	v8 =	vld [tilespmem:s4+$0xC110]  }
0x209: {  	v10 =	vld [tilespmem:s4+$0xC100]  }
0x20a: {  	v9 =	vld [tilespmem:s4+$0xC140]  }
0x20b: {  	[tilespmem:v11+s24+$0x0] =	vst.idx.add.f32.msk $0xffff, v1  }
0x20c: {  	[tilespmem:v12+s24+$0x0] =	vst.idx.add.f32.msk $0xffff, v1  }
0x20d: {  	[tilespmem:v13+s24+$0x0] =	vst.idx.add.f32.msk $0xffff, v1  }
0x20e: {  	[tilespmem:v14+s24+$0x0] =	vst.idx.add.f32.msk $0xffff, v1  }
0x20f: {  	[tilespmem:v15+s24+$0x0] =	vst.idx.add.f32.msk $0xffff, v1  }
0x210: {  	[tilespmem:v16+s24+$0x0] =	vst.idx.add.f32.msk $0xffff, v1  }
0x211: {  	s4 =	simm.s32 $0x400;
	[tilespmem:v17+s24+$0x0] =	vst.idx.add.f32.msk $0xffff, v1  }
.LBB2_51:
0x212: {  	s19 =	sshra.s32 s4, $0x2;
	p0 =	sne.s32 s4, $0xF800;
	s4 =	sadd.s32 $0x400, s4;
	[tilespmem:v3+s24+$0x0] =	vst.idx.add.f32.msk $0xffff, v1;
	v3 =	vmovc v2;
	v11 =	vmovc v4;
	v12 =	vmov v5;
	v13 =	vmov v6;
	v14 =	vmov v7  }
0x213: {  	v15 =	vmov v8;
	v16 =	vmov v10;
	v17 =	vmov v9;
	v2 =	vld [tilespmem:s19+$0xC170]  }
0x214: {  	v4 =	vld [tilespmem:s19+$0xC160]  }
0x215: {  	v5 =	vld [tilespmem:s19+$0xC150]  }
0x216: {  	v6 =	vld [tilespmem:s19+$0xC130]  }
0x217: {  	v7 =	vld [tilespmem:s19+$0xC120]  }
0x218: {  	v8 =	vld [tilespmem:s19+$0xC110]  }
0x219: {  	v10 =	vld [tilespmem:s19+$0xC100]  }
0x21a: {  	v9 =	vld [tilespmem:s19+$0xC140]  }
0x21b: {  	[tilespmem:v16+s24+$0x0] =	vst.idx.add.f32.msk $0xffff, v1  }
0x21c: {  	[tilespmem:v15+s24+$0x0] =	vst.idx.add.f32.msk $0xffff, v1  }
.Ltmp27:
0x21d: {  	[tilespmem:v14+s24+$0x0] =	vst.idx.add.f32.msk $0xffff, v1;
	(pc) =	sbr.rel @p0 .LBB2_51-.Ltmp27, $4  }
0x21e: {  	[tilespmem:v13+s24+$0x0] =	vst.idx.add.f32.msk $0xffff, v1  }
0x21f: {  	[tilespmem:v17+s24+$0x0] =	vst.idx.add.f32.msk $0xffff, v1  }
0x220: {  	[tilespmem:v12+s24+$0x0] =	vst.idx.add.f32.msk $0xffff, v1  }
0x221: {  	[tilespmem:v11+s24+$0x0] =	vst.idx.add.f32.msk $0xffff, v1  }
0x222: {  	_ =	sdelay $0x3  }
0x223: {  	[tilespmem:v3+s24+$0x0] =	vst.idx.add.f32.msk $0xffff, v1  }
0x224: {  	[tilespmem:v10+s24+$0x0] =	vst.idx.add.f32.msk $0xffff, v1  }
0x225: {  	[tilespmem:v8+s24+$0x0] =	vst.idx.add.f32.msk $0xffff, v1  }
0x226: {  	p0 =	seq.s32 s0, $0xF;
	[tilespmem:v7+s24+$0x0] =	vst.idx.add.f32.msk $0xffff, v1  }
.Ltmp28:
0x227: {  	[tilespmem:v6+s24+$0x0] =	vst.idx.add.f32.msk $0xffff, v1;
	(pc) =	sbr.rel @p0 .LBB2_56-.Ltmp28, $4  }
0x228: {  	[tilespmem:v9+s24+$0x0] =	vst.idx.add.f32.msk $0xffff, v1  }
0x229: {  	[tilespmem:v5+s24+$0x0] =	vst.idx.add.f32.msk $0xffff, v1  }
0x22a: {  	[tilespmem:v4+s24+$0x0] =	vst.idx.add.f32.msk $0xffff, v1  }
0x22b: {  	s4 =	sshll.u32 s0, $0xE;
	[tilespmem:v2+s24+$0x0] =	vst.idx.add.f32.msk $0xffff, v1  }
0x22c: {  	s19 =	sadd.s32 s4, s20  }
0x22d: {  	s19 =	sshrl.u32 s19, $0x3  }
0x22e: {  	s22 =	simm.s32 $0xC000;
	s19 =	sadd.s32 s7, s19  }
0x22f: {  	s23 =	simm.s32 $0x10;
	s29 =	simm.s32 $0xC100;
	s30 =	sadd.s32 $0x0, s19  }
.LBB2_54:
0x230: {  	[tilespmem:s22], [sflag:$0x1] =	stream.linear.gather [hbm4b:s30+s5], $0x80, $0x38;
	[tilespmem:$0x1FD80] =	vst v63  }
0x231: {  	s30 =	smov.u32 s23;
	s22 =	smov.u32 s29;
	p1 =	sne.s32 s23, $0x3F0  }
.Ltmp29:
0x232: {  	s23 =	sadd.s32 $0x10, s23;
	(pc) =	sbr.rel @p1 .LBB2_54-.Ltmp29, $2  }
0x233: {  	_ =	sdelay $0x2  }
0x234: {  	s29 =	sadd.s32 $0x100, s29;
	s30 =	sadd.s32 s30, s19  }
0x235: {  	[tilespmem:s22], [sflag:$0x1] =	stream.linear.gather [hbm4b:s30+s5], $0x80, $0x38;
	[tilespmem:$0x1FD80] =	vst v63  }
.LBB2_56:
0x236: {  	_ =	swait.ge [sflag:s26], $0x2000  }
0x237: {  	[sflag:s26] =	ssyncset.done $0x0  }
0x238: {  	[sflag:s26] =	ssyncadd.s32 $0xFFFFE000  }
0x239: {  	v11 =	vld [tilespmem:$0xC080]  }
0x23a: {  	v12 =	vld [tilespmem:$0xC090]  }
0x23b: {  	v13 =	vld [tilespmem:$0xC0A0]  }
0x23c: {  	v14 =	vld [tilespmem:$0xC0B0]  }
0x23d: {  	v15 =	vld [tilespmem:$0xC0C0]  }
0x23e: {  	v16 =	vld [tilespmem:$0xC0D0]  }
0x23f: {  	v17 =	vld [tilespmem:$0xC0E0]  }
0x240: {  	s19 =	simm.s32 $0x0;
	v3 =	vld [tilespmem:$0xC0F0]  }
0x241: {  	v2 =	vld [tilespmem:s19+$0xC1F0]  }
0x242: {  	v4 =	vld [tilespmem:s19+$0xC1E0]  }
0x243: {  	v5 =	vld [tilespmem:s19+$0xC1D0]  }
0x244: {  	v6 =	vld [tilespmem:s19+$0xC1B0]  }
0x245: {  	v7 =	vld [tilespmem:s19+$0xC1A0]  }
0x246: {  	v8 =	vld [tilespmem:s19+$0xC190]  }
0x247: {  	v10 =	vld [tilespmem:s19+$0xC180]  }
0x248: {  	v9 =	vld [tilespmem:s19+$0xC1C0]  }
0x249: {  	[tilespmem:v11+s24+$0x0] =	vst.idx.add.f32.msk $0xffff, v1  }
0x24a: {  	[tilespmem:v12+s24+$0x0] =	vst.idx.add.f32.msk $0xffff, v1  }
0x24b: {  	[tilespmem:v13+s24+$0x0] =	vst.idx.add.f32.msk $0xffff, v1  }
0x24c: {  	[tilespmem:v14+s24+$0x0] =	vst.idx.add.f32.msk $0xffff, v1  }
0x24d: {  	[tilespmem:v15+s24+$0x0] =	vst.idx.add.f32.msk $0xffff, v1  }
0x24e: {  	[tilespmem:v16+s24+$0x0] =	vst.idx.add.f32.msk $0xffff, v1  }
0x24f: {  	s19 =	simm.s32 $0x400;
	[tilespmem:v17+s24+$0x0] =	vst.idx.add.f32.msk $0xffff, v1  }
.LBB2_57:
0x250: {  	s22 =	sshra.s32 s19, $0x2;
	p1 =	sne.s32 s19, $0xF800;
	s19 =	sadd.s32 $0x400, s19;
	[tilespmem:v3+s24+$0x0] =	vst.idx.add.f32.msk $0xffff, v1;
	v3 =	vmovc v2;
	v11 =	vmovc v4;
	v12 =	vmov v5;
	v13 =	vmov v6;
	v14 =	vmov v7  }
0x251: {  	v15 =	vmov v8;
	v16 =	vmov v10;
	v17 =	vmov v9;
	v2 =	vld [tilespmem:s22+$0xC1F0]  }
0x252: {  	v4 =	vld [tilespmem:s22+$0xC1E0]  }
0x253: {  	v5 =	vld [tilespmem:s22+$0xC1D0]  }
0x254: {  	v6 =	vld [tilespmem:s22+$0xC1B0]  }
0x255: {  	v7 =	vld [tilespmem:s22+$0xC1A0]  }
0x256: {  	v8 =	vld [tilespmem:s22+$0xC190]  }
0x257: {  	v10 =	vld [tilespmem:s22+$0xC180]  }
0x258: {  	v9 =	vld [tilespmem:s22+$0xC1C0]  }
0x259: {  	[tilespmem:v16+s24+$0x0] =	vst.idx.add.f32.msk $0xffff, v1  }
0x25a: {  	[tilespmem:v15+s24+$0x0] =	vst.idx.add.f32.msk $0xffff, v1  }
.Ltmp30:
0x25b: {  	[tilespmem:v14+s24+$0x0] =	vst.idx.add.f32.msk $0xffff, v1;
	(pc) =	sbr.rel @p1 .LBB2_57-.Ltmp30, $4  }
0x25c: {  	[tilespmem:v13+s24+$0x0] =	vst.idx.add.f32.msk $0xffff, v1  }
0x25d: {  	[tilespmem:v17+s24+$0x0] =	vst.idx.add.f32.msk $0xffff, v1  }
0x25e: {  	[tilespmem:v12+s24+$0x0] =	vst.idx.add.f32.msk $0xffff, v1  }
0x25f: {  	[tilespmem:v11+s24+$0x0] =	vst.idx.add.f32.msk $0xffff, v1  }
0x260: {  	_ =	sdelay $0x3  }
0x261: {  	[tilespmem:v3+s24+$0x0] =	vst.idx.add.f32.msk $0xffff, v1  }
0x262: {  	[tilespmem:v10+s24+$0x0] =	vst.idx.add.f32.msk $0xffff, v1  }
0x263: {  	[tilespmem:v8+s24+$0x0] =	vst.idx.add.f32.msk $0xffff, v1  }
0x264: {  	[tilespmem:v7+s24+$0x0] =	vst.idx.add.f32.msk $0xffff, v1  }
.Ltmp31:
0x265: {  	[tilespmem:v6+s24+$0x0] =	vst.idx.add.f32.msk $0xffff, v1;
	(pc) =	sbr.rel @p0 .LBB2_62-.Ltmp31, $4  }
0x266: {  	[tilespmem:v9+s24+$0x0] =	vst.idx.add.f32.msk $0xffff, v1  }
0x267: {  	[tilespmem:v5+s24+$0x0] =	vst.idx.add.f32.msk $0xffff, v1  }
0x268: {  	[tilespmem:v4+s24+$0x0] =	vst.idx.add.f32.msk $0xffff, v1  }
0x269: {  	[tilespmem:v2+s24+$0x0] =	vst.idx.add.f32.msk $0xffff, v1  }
0x26a: {  	s4 =	sadd.s32 s4, s21  }
0x26b: {  	s4 =	sshrl.u32 s4, $0x3  }
0x26c: {  	s19 =	simm.s32 $0xC080;
	s4 =	sadd.s32 s7, s4  }
0x26d: {  	s22 =	simm.s32 $0x10;
	s23 =	simm.s32 $0xC180;
	s29 =	sadd.s32 $0x0, s4  }
.LBB2_60:
0x26e: {  	[tilespmem:s19], [sflag:$0x2] =	stream.linear.gather [hbm4b:s29+s5], $0x80, $0x38;
	[tilespmem:$0x1FD80] =	vst v63  }
0x26f: {  	s29 =	smov.u32 s22;
	s19 =	smov.u32 s23;
	p0 =	sne.s32 s22, $0x3F0  }
.Ltmp32:
0x270: {  	s22 =	sadd.s32 $0x10, s22;
	(pc) =	sbr.rel @p0 .LBB2_60-.Ltmp32, $2  }
0x271: {  	_ =	sdelay $0x2  }
0x272: {  	s23 =	sadd.s32 $0x100, s23;
	s29 =	sadd.s32 s29, s4  }
.Ltmp33:
0x273: {  	(pc) =	sbr.rel .LBB2_50-.Ltmp33, $3  }
0x274: {  	_ =	sdelay $0x1  }
0x275: {  	[tilespmem:s19], [sflag:$0x2] =	stream.linear.gather [hbm4b:s29+s5], $0x80, $0x38;
	[tilespmem:$0x1FD80] =	vst v63  }
0x276: {  	s0 =	sadd.s32 $0x1, s0  }
.LBB2_63:
0x277: {  	_ =	sfence.sel $0x180000  }
0x278: {  	[bflag:$0x0] =	sbarrier.arrive $0xFFFF  }
0x279: {  	_ =	strace $0x90000047  }
0x27a: {  	s0 =	stileid.u32;
	[bflag:$0x2] =	sbarrier.arrive $0xFFFF  }
0x27b: {  	p0 =	sne.s32 s0, $0x0;
	s0 =	rddreg [dreg:$0x5]  }
0x27c: {  	s0 =	sadd.s32 @!p0 $0x100000, s0  }
0x27d: {  	[sflag:s0] =	ssyncadd.tile.s32 @!p0 $0x1;
	_ =	shalt  }
.Lfunc_end2:
_tile_overlayer_lowered:
.L_overlay_start_2:
0x27e: {  	(tag) =	ssettag $0x2  }
0x27f: {  	s0 =	rddreg [dreg:$0x0];
	s2 =	stileid.u32  }
0x280: {  	s1 =	rddreg [dreg:$0x1];
	p0 =	sne.s32 s2, $0x0  }
0x281: {  	s3 =	rddreg [dreg:$0x2];
	[bflag:$0x3] =	sbarrier.arrive $0xFFFF;
	s2 =	simm.s32 @!p0 $0x1C05  }
0x282: {  	[timem:s3], [sflag:s2] =	dma.local @!p0 [hbm:s0], s1  }
0x283: {  	s0 =	simm.s32 @!p0 $0x5  }
0x284: {  	_ =	swait.ge @!p0 [sflag:s0], s1  }
0x285: {  	s1 =	ssub.s32 @!p0 $0x0, s1;
	[sflag:s0] =	ssyncset.done @!p0 $0x0  }
0x286: {  	[sflag:s0] =	ssyncadd.s32 @!p0 s1  }
0x287: {  	[bflag:$0x3] =	sbarrier.arrive $0xFFFF  }
0x288: {  	_ =	shalt  }

</sc_bundles>
